<compile_context>
chip_gen: v7x
topology: tpu7x:2x2x1
jax: 0.10.2.dev20260603
libtpu: 0.0.44.dev20260713+nightly
codegen_flags: <defaults>
</compile_context>

<pallas_src>
import functools

import jax
import jax.numpy as jnp
from jax import lax
from jax.experimental import pallas as pl
from jax.experimental.pallas import tpu as pltpu
from jax.experimental.pallas import tpu_sc as plsc

NUM_EXPERTS = 8
EPAD = 128
BS = 2048
NASSIGN = 2 * BS
BLK = 512
NB = 15
PAD = NB * BLK

_NC = 2
_NS = 16
_NW = _NC * _NS
_JCH = NASSIGN // _NW
_TCH = BS // _NW


def _router_body(x_ref, gw_ref, posd_ref, wcat_ref, bmeta_ref):
    x = x_ref[...]
    logits = jnp.dot(x, gw_ref[...], preferred_element_type=jnp.float32)
    col = jax.lax.broadcasted_iota(jnp.int32, logits.shape, 1)
    valid = col < NUM_EXPERTS
    l = jnp.where(valid, logits, -1e30)
    m = jnp.max(l, axis=1, keepdims=True)
    ex = jnp.where(valid, jnp.exp(l - m), 0.0)
    p = ex / jnp.sum(ex, axis=1, keepdims=True)
    m1 = jnp.max(l, axis=1, keepdims=True)
    i1 = jnp.min(jnp.where(l == m1, col, EPAD), axis=1, keepdims=True)
    l2 = jnp.where(col == i1, -1e30, l)
    m2 = jnp.max(l2, axis=1, keepdims=True)
    i2 = jnp.min(jnp.where(l2 == m2, col, EPAD), axis=1, keepdims=True)
    w1 = jnp.sum(jnp.where(col == i1, p, 0.0), axis=1, keepdims=True)
    w2 = jnp.sum(jnp.where(col == i2, p, 0.0), axis=1, keepdims=True)
    s = w1 + w2
    wn1 = w1 / s
    wn2 = w2 / s

    oh1 = (col == i1)
    oh2 = (col == i2)
    GS = 256
    gri = jax.lax.broadcasted_iota(jnp.int32, (GS, GS), 0)
    gci = jax.lax.broadcasted_iota(jnp.int32, (GS, GS), 1)
    ltri = (gci <= gri).astype(jnp.bfloat16)
    oh1b = oh1.astype(jnp.bfloat16)
    oh2b = oh2.astype(jnp.bfloat16)
    c1_parts, c2_parts = [], []
    run1 = jnp.zeros((1, EPAD), jnp.float32)
    run2 = jnp.zeros((1, EPAD), jnp.float32)
    for g in range(BS // GS):
        cw1 = jnp.dot(ltri, oh1b[g * GS:(g + 1) * GS],
                      preferred_element_type=jnp.float32)
        cw2 = jnp.dot(ltri, oh2b[g * GS:(g + 1) * GS],
                      preferred_element_type=jnp.float32)
        c1_parts.append(cw1 + run1)
        c2_parts.append(cw2 + run2)
        run1 = run1 + cw1[GS - 1:GS, :]
        run2 = run2 + cw2[GS - 1:GS, :]
    c1 = jnp.concatenate(c1_parts, axis=0)
    c2 = jnp.concatenate(c2_parts, axis=0)
    cnt1 = run1
    cnt2 = run2
    cnt = cnt1 + cnt2
    pcb = (cnt.astype(jnp.int32) + (BLK - 1)) // BLK
    pcb8 = jnp.broadcast_to(pcb.astype(jnp.bfloat16), (8, EPAD))
    ui = jax.lax.broadcasted_iota(jnp.int32, (EPAD, EPAD), 0)
    uj = jax.lax.broadcasted_iota(jnp.int32, (EPAD, EPAD), 1)
    utri = (ui < uj).astype(jnp.bfloat16)
    pob = jnp.dot(pcb8, utri, preferred_element_type=jnp.float32)[0:1, :]
    po = pob * float(BLK)

    oh1f = oh1.astype(jnp.float32)
    oh2f = oh2.astype(jnp.float32)
    pos1 = jnp.sum(oh1f * (po + c1), axis=1, keepdims=True) - 1.0
    pos2 = jnp.sum(oh2f * (po + cnt1 + c2), axis=1, keepdims=True) - 1.0
    posd_ref[0:BS] = jnp.where(col == 0, pos1, 0.0).astype(jnp.int32)
    posd_ref[BS:NASSIGN] = jnp.where(col == 0, pos2, 0.0).astype(jnp.int32)
    wcat_ref[0:BS] = jnp.broadcast_to(wn1, (BS, EPAD))
    wcat_ref[BS:NASSIGN] = jnp.broadcast_to(wn2, (BS, EPAD))

    endb = pob + pcb.astype(jnp.float32)
    rowb = jax.lax.broadcasted_iota(jnp.int32, (EPAD, EPAD), 0).astype(jnp.float32)
    done = jnp.logical_and(endb <= rowb, valid[0:1, :]).astype(jnp.int32)
    be = jnp.sum(done, axis=1, keepdims=True)
    bmeta_ref[...] = jnp.broadcast_to(be, (EPAD, EPAD))


def _router_call(x, gw_pad):
    return pl.pallas_call(
        _router_body,
        out_shape=(
            jax.ShapeDtypeStruct((NASSIGN, EPAD), jnp.int32),
            jax.ShapeDtypeStruct((NASSIGN, EPAD), jnp.float32),
            jax.ShapeDtypeStruct((EPAD, EPAD), jnp.int32),
        ),
    )(x, gw_pad)


def _ffn_body(se_ref, xs_ref, w1_ref, w2_ref, ws_ref, y_ref, *, d_ff):
    e = se_ref[pl.program_id(0)]

    @pl.when(e < NUM_EXPERTS)
    def _():
        x = xs_ref[...]
        gu = jnp.dot(x, w1_ref[0], preferred_element_type=jnp.float32)
        g = gu[:, :d_ff]
        u = gu[:, d_ff:]
        h = u * (g * jax.nn.sigmoid(g))
        y = jnp.dot(h, w2_ref[0], preferred_element_type=jnp.float32)
        y_ref[...] = y * ws_ref[:, 0:1]


def _ffn_call(block_expert, x_sorted, gate_up_proj, down_proj, w_sorted):
    d_model = x_sorted.shape[1]
    d_ff = down_proj.shape[1]
    grid_spec = pltpu.PrefetchScalarGridSpec(
        num_scalar_prefetch=1,
        grid=(NB,),
        in_specs=[
            pl.BlockSpec((BLK, d_model), lambda i, se: (i, 0)),
            pl.BlockSpec((1, d_model, 2 * d_ff),
                         lambda i, se: (jnp.minimum(se[i], NUM_EXPERTS - 1), 0, 0)),
            pl.BlockSpec((1, d_ff, d_model),
                         lambda i, se: (jnp.minimum(se[i], NUM_EXPERTS - 1), 0, 0)),
            pl.BlockSpec((BLK, EPAD), lambda i, se: (i, 0)),
        ],
        out_specs=pl.BlockSpec((BLK, d_model), lambda i, se: (i, 0)),
    )
    return pl.pallas_call(
        functools.partial(_ffn_body, d_ff=d_ff),
        grid_spec=grid_spec,
        out_shape=jax.ShapeDtypeStruct((PAD, d_model), jnp.float32),
    )(block_expert, x_sorted, gate_up_proj, down_proj, w_sorted)


def _make_scatter_kernel(d_model):
    mesh = plsc.VectorSubcoreMesh(core_axis_name="c", subcore_axis_name="s")

    @functools.partial(
        pl.kernel,
        mesh=mesh,
        out_type=(
            jax.ShapeDtypeStruct((PAD, d_model), jnp.float32),
            jax.ShapeDtypeStruct((PAD, EPAD), jnp.float32),
        ),
        scratch_types=[
            pltpu.VMEM((_JCH,), jnp.int32),
            pltpu.VMEM((_JCH, d_model), jnp.float32),
            pltpu.VMEM((_JCH, EPAD), jnp.float32),
            pltpu.SemaphoreType.DMA,
            pltpu.SemaphoreType.DMA,
        ],
    )
    def scatter_kernel(x_hbm, dest_hbm, wcat_hbm, xs_hbm, ws_hbm,
                       idx_v, rows_v, wrows_v, sem1, sem2):
        wid = lax.axis_index("s") * _NC + lax.axis_index("c")
        jbase = wid * _JCH
        tokbase = lax.rem(jbase, BS)
        pltpu.sync_copy(dest_hbm.at[pl.ds(jbase, _JCH)], idx_v)
        for i in range(_JCH // 16):
            sl = pl.ds(i * 16, 16)
            idx_v[sl] = jnp.clip(idx_v[sl], 0, PAD - 1)
        pltpu.sync_copy(x_hbm.at[pl.ds(tokbase, _JCH)], rows_v)
        pltpu.sync_copy(wcat_hbm.at[pl.ds(jbase, _JCH)], wrows_v)
        cp1 = pltpu.async_copy(rows_v, xs_hbm.at[idx_v], sem1)
        cp2 = pltpu.async_copy(wrows_v, ws_hbm.at[idx_v], sem2)
        cp1.wait()
        cp2.wait()

    return scatter_kernel


def _make_combine_kernel(d_model):
    mesh = plsc.VectorSubcoreMesh(core_axis_name="c", subcore_axis_name="s")

    @functools.partial(
        pl.kernel,
        mesh=mesh,
        out_type=jax.ShapeDtypeStruct((BS, d_model), jnp.float32),
        scratch_types=[
            pltpu.VMEM((_TCH,), jnp.int32),
            pltpu.VMEM((_TCH,), jnp.int32),
            pltpu.VMEM((_TCH, d_model), jnp.float32),
            pltpu.VMEM((_TCH, d_model), jnp.float32),
            pltpu.SemaphoreType.DMA,
            pltpu.SemaphoreType.DMA,
        ],
    )
    def combine_kernel(ys_hbm, dest_hbm, o_hbm,
                       i1_v, i2_v, r1_v, r2_v, sem1, sem2):
        wid = lax.axis_index("s") * _NC + lax.axis_index("c")
        base = wid * _TCH
        pltpu.sync_copy(dest_hbm.at[pl.ds(base, _TCH)], i1_v)
        pltpu.sync_copy(dest_hbm.at[pl.ds(BS + base, _TCH)], i2_v)
        for i in range(_TCH // 16):
            sl = pl.ds(i * 16, 16)
            i1_v[sl] = jnp.clip(i1_v[sl], 0, PAD - 1)
            i2_v[sl] = jnp.clip(i2_v[sl], 0, PAD - 1)
        cp1 = pltpu.async_copy(ys_hbm.at[i1_v], r1_v, sem1)
        cp2 = pltpu.async_copy(ys_hbm.at[i2_v], r2_v, sem2)
        cp1.wait()
        cp2.wait()

        def row_add(t, _):
            for c in range(d_model // 16):
                sl = pl.ds(c * 16, 16)
                r1_v[t, sl] = r1_v[t, sl] + r2_v[t, sl]
            return 0

        lax.fori_loop(0, _TCH, row_add, 0)
        pltpu.sync_copy(r1_v, o_hbm.at[pl.ds(base, _TCH)])

    return combine_kernel


@jax.jit
def kernel(hidden_states, gate_w, gate_up_proj, down_proj):
    B, S, D = hidden_states.shape
    bs = B * S
    x = hidden_states.reshape(bs, D)
    gw_pad = jnp.zeros((D, EPAD), jnp.float32).at[:, :NUM_EXPERTS].set(gate_w)

    posd, wcat, bmeta = _router_call(x, gw_pad)
    dest = posd[:, 0]
    block_expert = bmeta[:NB, 0]

    x_sorted, w_sorted = _make_scatter_kernel(D)(x, dest, wcat)
    y_sorted = _ffn_call(block_expert, x_sorted, gate_up_proj, down_proj,
                         w_sorted)
    out = _make_combine_kernel(D)(y_sorted, dest)
    return out.reshape(B, S, D)

# --- scband reference (transcript-rebuilt; emitter-appended) ---
"""Pipeline reference for scband-qwen-moe-wrapper-skip-attn-32461362823837 (READ-ONLY COPY).

The authoritative reference and input builder live on the scoring server;
editing this copy changes nothing except your own understanding.
"""

import jax, jax.numpy as jnp
import numpy as np

NUM_EXPERTS = 8
TOP_K = 2
D_MODEL = 768
D_FF = 768
BATCH = 1
SEQ = 2048


def setup_inputs(seed: int = 0) -> dict:
    key = jax.random.key(seed)
    k1, k2, k3, k4 = jax.random.split(key, 4)
    hidden_states = jax.random.normal(k1, (BATCH, SEQ, D_MODEL), dtype=jnp.float32)
    gate_w = jax.random.normal(k2, (D_MODEL, NUM_EXPERTS), dtype=jnp.float32) * 0.02
    gate_up_proj = jax.random.normal(k3, (NUM_EXPERTS, D_MODEL, 2 * D_FF), dtype=jnp.float32) * 0.02
    down_proj = jax.random.normal(k4, (NUM_EXPERTS, D_FF, D_MODEL), dtype=jnp.float32) * 0.02
    return {
        "hidden_states": hidden_states,
        "gate_w": gate_w,
        "gate_up_proj": gate_up_proj,
        "down_proj": down_proj,
    }


def reference(hidden_states, gate_w, gate_up_proj, down_proj):
    B, S, D = hidden_states.shape
    bs = B * S
    x = hidden_states.reshape(bs, D)
    # router gate
    router_logits = x @ gate_w
    routing_weights = jax.nn.softmax(router_logits, axis=-1)
    routing_weights, selected_experts = jax.lax.top_k(routing_weights, TOP_K)
    routing_weights = routing_weights / jnp.sum(routing_weights, axis=-1, keepdims=True)
    # layer_id=10 and no modality info set (_has_modality=False): skip masking branches
    # scatter normalized weights back to dense [bs, num_experts]
    scattered = jnp.zeros((bs, NUM_EXPERTS), dtype=routing_weights.dtype)
    scattered = scattered.at[jnp.arange(bs)[:, None], selected_experts].set(routing_weights)
    # Qwen3VLMoe fused experts (inference path): dense bmm over all experts
    gate_up = jnp.einsum('td,edf->etf', x, gate_up_proj)
    gate, up = jnp.split(gate_up, 2, axis=-1)
    h = up * jax.nn.silu(gate)
    y = jnp.einsum('etf,efd->etd', h, down_proj)
    out = jnp.einsum('etd,te->td', y, scattered)
    return out.reshape(B, S, D)

if __name__ == "__main__":
    import jax
    _d = setup_inputs()
    print(jax.jit(kernel)(*tuple(_d.values())))

</pallas_src>

<mosaic_0001>
#map = affine_map<(d0, d1) -> (0, 0)>
#map1 = affine_map<(d0, d1) -> (0)>
module attributes {stable_mosaic.version = 14 : i64} {
  func.func @combine_kernel(%arg0: i32, %arg1: i32, %arg2: memref<7680x768xf32, #tpu.memory_space<hbm>>, %arg3: memref<4096xi32, #tpu.memory_space<hbm>>, %arg4: memref<2048x768xf32, #tpu.memory_space<hbm>>, %arg5: memref<64xi32, #tpu.memory_space<vmem>>, %arg6: memref<64xi32, #tpu.memory_space<vmem>>, %arg7: memref<64x768xf32, #tpu.memory_space<vmem>>, %arg8: memref<64x768xf32, #tpu.memory_space<vmem>>, %arg9: memref<!tpu.dma_semaphore, #tpu.memory_space<semaphore_mem>>, %arg10: memref<!tpu.dma_semaphore, #tpu.memory_space<semaphore_mem>>) attributes {dimension_semantics = [#tpu.dimension_semantics<core_parallel>, #tpu.dimension_semantics<subcore_parallel>], iteration_bounds = array<i64: 2, 16>, scalar_prefetch = 0 : i64, scratch_operands = 6 : i64, tpu.core_type = #tpu.core_type<sc_vector_subcore>, window_params = [{transform_indices = #map}, {transform_indices = #map1}, {transform_indices = #map}]} {
    %mul3A = arith.constant 2 : i32
    %mul3A_0 = arith.muli %arg1, %mul3A : i32
    %add3A = arith.addi %mul3A_0, %arg0 : i32
    %mul3A_1 = arith.constant 64 : i32
    %mul3A_2 = arith.muli %add3A, %mul3A_1 : i32
    "tpu.region"() ({
      %run_scoped3A = tpu.sem_alloc : memref<!tpu.dma_semaphore, #tpu.memory_space<semaphore_mem>>
      %dma_start3A_120 = tpu.memref_slice %arg3[%mul3A_2] : memref<4096xi32, #tpu.memory_space<hbm>> -> memref<64xi32, #tpu.memory_space<hbm>>
      %dma_start3A_121 = tpu.memref_slice %arg3[%mul3A_2] : memref<4096xi32, #tpu.memory_space<hbm>> -> memref<64xi32, #tpu.memory_space<hbm>>
      tpu.enqueue_dma source(%dma_start3A_121 : memref<64xi32, #tpu.memory_space<hbm>>) target(%arg5 : memref<64xi32, #tpu.memory_space<vmem>>) target_semaphore(%run_scoped3A : memref<!tpu.dma_semaphore, #tpu.memory_space<semaphore_mem>>)
      %dma_wait3A_122 = tpu.memref_slice %arg3[%mul3A_2] : memref<4096xi32, #tpu.memory_space<hbm>> -> memref<64xi32, #tpu.memory_space<hbm>>
      %dma_wait3A_123 = tpu.memref_slice %arg3[%mul3A_2] : memref<4096xi32, #tpu.memory_space<hbm>> -> memref<64xi32, #tpu.memory_space<hbm>>
      tpu.wait_dma2 semaphore(%run_scoped3A : memref<!tpu.dma_semaphore, #tpu.memory_space<semaphore_mem>>) src(%dma_wait3A_123 : memref<64xi32, #tpu.memory_space<hbm>>) dst(%arg5 : memref<64xi32, #tpu.memory_space<vmem>>)
      tpu.yield
    }) : () -> ()
    %add3A_3 = arith.constant 2048 : i32
    %add3A_4 = arith.addi %add3A_3, %mul3A_2 : i32
    "tpu.region"() ({
      %run_scoped3A = tpu.sem_alloc : memref<!tpu.dma_semaphore, #tpu.memory_space<semaphore_mem>>
      %dma_start3A_120 = tpu.memref_slice %arg3[%add3A_4] : memref<4096xi32, #tpu.memory_space<hbm>> -> memref<64xi32, #tpu.memory_space<hbm>>
      %dma_start3A_121 = tpu.memref_slice %arg3[%add3A_4] : memref<4096xi32, #tpu.memory_space<hbm>> -> memref<64xi32, #tpu.memory_space<hbm>>
      tpu.enqueue_dma source(%dma_start3A_121 : memref<64xi32, #tpu.memory_space<hbm>>) target(%arg6 : memref<64xi32, #tpu.memory_space<vmem>>) target_semaphore(%run_scoped3A : memref<!tpu.dma_semaphore, #tpu.memory_space<semaphore_mem>>)
      %dma_wait3A_122 = tpu.memref_slice %arg3[%add3A_4] : memref<4096xi32, #tpu.memory_space<hbm>> -> memref<64xi32, #tpu.memory_space<hbm>>
      %dma_wait3A_123 = tpu.memref_slice %arg3[%add3A_4] : memref<4096xi32, #tpu.memory_space<hbm>> -> memref<64xi32, #tpu.memory_space<hbm>>
      tpu.wait_dma2 semaphore(%run_scoped3A : memref<!tpu.dma_semaphore, #tpu.memory_space<semaphore_mem>>) src(%dma_wait3A_123 : memref<64xi32, #tpu.memory_space<hbm>>) dst(%arg6 : memref<64xi32, #tpu.memory_space<vmem>>)
      tpu.yield
    }) : () -> ()
    %get3A = arith.constant 0 : index
    %get3A_5 = tpu.vector_load %arg5[%get3A] {strides = array<i32>} : memref<64xi32, #tpu.memory_space<vmem>>, vector<16xi32>,
    %get3A_6 = vector.shape_cast %get3A_5 : vector<16xi32> to vector<16xi32>
    %jit3A = arith.constant 0 : i32
    %jit3A_7 = arith.constant 7679 : i32
    %max3A = vector.broadcast %jit3A : i32 to vector<16xi32>
    %max3A_8 = arith.maxsi %max3A, %get3A_6 : vector<16xi32>
    %min3A = vector.broadcast %jit3A_7 : i32 to vector<16xi32>
    %min3A_9 = arith.minsi %min3A, %max3A_8 : vector<16xi32>
    %swap3A = arith.constant 0 : index
    %swap3A_10 = tpu.vector_load %arg5[%swap3A] {strides = array<i32>} : memref<64xi32, #tpu.memory_space<vmem>>, vector<16xi32>,
    %swap3A_11 = vector.shape_cast %swap3A_10 : vector<16xi32> to vector<16xi32>
    %swap3A_12 = vector.shape_cast %min3A_9 : vector<16xi32> to vector<16xi32>
    tpu.vector_store %arg5[%swap3A], %swap3A_12 {strides = array<i32>} : memref<64xi32, #tpu.memory_space<vmem>>, vector<16xi32>,
    %get3A_13 = arith.constant 0 : index
    %get3A_14 = tpu.vector_load %arg6[%get3A_13] {strides = array<i32>} : memref<64xi32, #tpu.memory_space<vmem>>, vector<16xi32>,
    %get3A_15 = vector.shape_cast %get3A_14 : vector<16xi32> to vector<16xi32>
    %jit3A_16 = arith.constant 0 : i32
    %jit3A_17 = arith.constant 7679 : i32
    %max3A_18 = vector.broadcast %jit3A_16 : i32 to vector<16xi32>
    %max3A_19 = arith.maxsi %max3A_18, %get3A_15 : vector<16xi32>
    %min3A_20 = vector.broadcast %jit3A_17 : i32 to vector<16xi32>
    %min3A_21 = arith.minsi %min3A_20, %max3A_19 : vector<16xi32>
    %swap3A_22 = arith.constant 0 : index
    %swap3A_23 = tpu.vector_load %arg6[%swap3A_22] {strides = array<i32>} : memref<64xi32, #tpu.memory_space<vmem>>, vector<16xi32>,
    %swap3A_24 = vector.shape_cast %swap3A_23 : vector<16xi32> to vector<16xi32>
    %swap3A_25 = vector.shape_cast %min3A_21 : vector<16xi32> to vector<16xi32>
    tpu.vector_store %arg6[%swap3A_22], %swap3A_25 {strides = array<i32>} : memref<64xi32, #tpu.memory_space<vmem>>, vector<16xi32>,
    %get3A_26 = arith.constant 16 : index
    %get3A_27 = tpu.vector_load %arg5[%get3A_26] {strides = array<i32>} : memref<64xi32, #tpu.memory_space<vmem>>, vector<16xi32>,
    %get3A_28 = vector.shape_cast %get3A_27 : vector<16xi32> to vector<16xi32>
    %jit3A_29 = arith.constant 0 : i32
    %jit3A_30 = arith.constant 7679 : i32
    %max3A_31 = vector.broadcast %jit3A_29 : i32 to vector<16xi32>
    %max3A_32 = arith.maxsi %max3A_31, %get3A_28 : vector<16xi32>
    %min3A_33 = vector.broadcast %jit3A_30 : i32 to vector<16xi32>
    %min3A_34 = arith.minsi %min3A_33, %max3A_32 : vector<16xi32>
    %swap3A_35 = arith.constant 16 : index
    %swap3A_36 = tpu.vector_load %arg5[%swap3A_35] {strides = array<i32>} : memref<64xi32, #tpu.memory_space<vmem>>, vector<16xi32>,
    %swap3A_37 = vector.shape_cast %swap3A_36 : vector<16xi32> to vector<16xi32>
    %swap3A_38 = vector.shape_cast %min3A_34 : vector<16xi32> to vector<16xi32>
    tpu.vector_store %arg5[%swap3A_35], %swap3A_38 {strides = array<i32>} : memref<64xi32, #tpu.memory_space<vmem>>, vector<16xi32>,
    %get3A_39 = arith.constant 16 : index
    %get3A_40 = tpu.vector_load %arg6[%get3A_39] {strides = array<i32>} : memref<64xi32, #tpu.memory_space<vmem>>, vector<16xi32>,
    %get3A_41 = vector.shape_cast %get3A_40 : vector<16xi32> to vector<16xi32>
    %jit3A_42 = arith.constant 0 : i32
    %jit3A_43 = arith.constant 7679 : i32
    %max3A_44 = vector.broadcast %jit3A_42 : i32 to vector<16xi32>
    %max3A_45 = arith.maxsi %max3A_44, %get3A_41 : vector<16xi32>
    %min3A_46 = vector.broadcast %jit3A_43 : i32 to vector<16xi32>
    %min3A_47 = arith.minsi %min3A_46, %max3A_45 : vector<16xi32>
    %swap3A_48 = arith.constant 16 : index
    %swap3A_49 = tpu.vector_load %arg6[%swap3A_48] {strides = array<i32>} : memref<64xi32, #tpu.memory_space<vmem>>, vector<16xi32>,
    %swap3A_50 = vector.shape_cast %swap3A_49 : vector<16xi32> to vector<16xi32>
    %swap3A_51 = vector.shape_cast %min3A_47 : vector<16xi32> to vector<16xi32>
    tpu.vector_store %arg6[%swap3A_48], %swap3A_51 {strides = array<i32>} : memref<64xi32, #tpu.memory_space<vmem>>, vector<16xi32>,
    %get3A_52 = arith.constant 32 : index
    %get3A_53 = tpu.vector_load %arg5[%get3A_52] {strides = array<i32>} : memref<64xi32, #tpu.memory_space<vmem>>, vector<16xi32>,
    %get3A_54 = vector.shape_cast %get3A_53 : vector<16xi32> to vector<16xi32>
    %jit3A_55 = arith.constant 0 : i32
    %jit3A_56 = arith.constant 7679 : i32
    %max3A_57 = vector.broadcast %jit3A_55 : i32 to vector<16xi32>
    %max3A_58 = arith.maxsi %max3A_57, %get3A_54 : vector<16xi32>
    %min3A_59 = vector.broadcast %jit3A_56 : i32 to vector<16xi32>
    %min3A_60 = arith.minsi %min3A_59, %max3A_58 : vector<16xi32>
    %swap3A_61 = arith.constant 32 : index
    %swap3A_62 = tpu.vector_load %arg5[%swap3A_61] {strides = array<i32>} : memref<64xi32, #tpu.memory_space<vmem>>, vector<16xi32>,
    %swap3A_63 = vector.shape_cast %swap3A_62 : vector<16xi32> to vector<16xi32>
    %swap3A_64 = vector.shape_cast %min3A_60 : vector<16xi32> to vector<16xi32>
    tpu.vector_store %arg5[%swap3A_61], %swap3A_64 {strides = array<i32>} : memref<64xi32, #tpu.memory_space<vmem>>, vector<16xi32>,
    %get3A_65 = arith.constant 32 : index
    %get3A_66 = tpu.vector_load %arg6[%get3A_65] {strides = array<i32>} : memref<64xi32, #tpu.memory_space<vmem>>, vector<16xi32>,
    %get3A_67 = vector.shape_cast %get3A_66 : vector<16xi32> to vector<16xi32>
    %jit3A_68 = arith.constant 0 : i32
    %jit3A_69 = arith.constant 7679 : i32
    %max3A_70 = vector.broadcast %jit3A_68 : i32 to vector<16xi32>
    %max3A_71 = arith.maxsi %max3A_70, %get3A_67 : vector<16xi32>
    %min3A_72 = vector.broadcast %jit3A_69 : i32 to vector<16xi32>
    %min3A_73 = arith.minsi %min3A_72, %max3A_71 : vector<16xi32>
    %swap3A_74 = arith.constant 32 : index
    %swap3A_75 = tpu.vector_load %arg6[%swap3A_74] {strides = array<i32>} : memref<64xi32, #tpu.memory_space<vmem>>, vector<16xi32>,
    %swap3A_76 = vector.shape_cast %swap3A_75 : vector<16xi32> to vector<16xi32>
    %swap3A_77 = vector.shape_cast %min3A_73 : vector<16xi32> to vector<16xi32>
    tpu.vector_store %arg6[%swap3A_74], %swap3A_77 {strides = array<i32>} : memref<64xi32, #tpu.memory_space<vmem>>, vector<16xi32>,
    %get3A_78 = arith.constant 48 : index
    %get3A_79 = tpu.vector_load %arg5[%get3A_78] {strides = array<i32>} : memref<64xi32, #tpu.memory_space<vmem>>, vector<16xi32>,
    %get3A_80 = vector.shape_cast %get3A_79 : vector<16xi32> to vector<16xi32>
    %jit3A_81 = arith.constant 0 : i32
    %jit3A_82 = arith.constant 7679 : i32
    %max3A_83 = vector.broadcast %jit3A_81 : i32 to vector<16xi32>
    %max3A_84 = arith.maxsi %max3A_83, %get3A_80 : vector<16xi32>
    %min3A_85 = vector.broadcast %jit3A_82 : i32 to vector<16xi32>
    %min3A_86 = arith.minsi %min3A_85, %max3A_84 : vector<16xi32>
    %swap3A_87 = arith.constant 48 : index
    %swap3A_88 = tpu.vector_load %arg5[%swap3A_87] {strides = array<i32>} : memref<64xi32, #tpu.memory_space<vmem>>, vector<16xi32>,
    %swap3A_89 = vector.shape_cast %swap3A_88 : vector<16xi32> to vector<16xi32>
    %swap3A_90 = vector.shape_cast %min3A_86 : vector<16xi32> to vector<16xi32>
    tpu.vector_store %arg5[%swap3A_87], %swap3A_90 {strides = array<i32>} : memref<64xi32, #tpu.memory_space<vmem>>, vector<16xi32>,
    %get3A_91 = arith.constant 48 : index
    %get3A_92 = tpu.vector_load %arg6[%get3A_91] {strides = array<i32>} : memref<64xi32, #tpu.memory_space<vmem>>, vector<16xi32>,
    %get3A_93 = vector.shape_cast %get3A_92 : vector<16xi32> to vector<16xi32>
    %jit3A_94 = arith.constant 0 : i32
    %jit3A_95 = arith.constant 7679 : i32
    %max3A_96 = vector.broadcast %jit3A_94 : i32 to vector<16xi32>
    %max3A_97 = arith.maxsi %max3A_96, %get3A_93 : vector<16xi32>
    %min3A_98 = vector.broadcast %jit3A_95 : i32 to vector<16xi32>
    %min3A_99 = arith.minsi %min3A_98, %max3A_97 : vector<16xi32>
    %swap3A_100 = arith.constant 48 : index
    %swap3A_101 = tpu.vector_load %arg6[%swap3A_100] {strides = array<i32>} : memref<64xi32, #tpu.memory_space<vmem>>, vector<16xi32>,
    %swap3A_102 = vector.shape_cast %swap3A_101 : vector<16xi32> to vector<16xi32>
    %swap3A_103 = vector.shape_cast %min3A_99 : vector<16xi32> to vector<16xi32>
    tpu.vector_store %arg6[%swap3A_100], %swap3A_103 {strides = array<i32>} : memref<64xi32, #tpu.memory_space<vmem>>, vector<16xi32>,
    %dma_start3A = arith.constant 0 : i32
    %dma_start3A_104 = arith.constant 0 : i32
    %dma_start3A_105 = tpu.memref_slice %arg2[%dma_start3A, %dma_start3A_104] : memref<7680x768xf32, #tpu.memory_space<hbm>> -> memref<7680x768xf32, #tpu.memory_space<hbm>>
    tpu.enqueue_indirect_dma source(%dma_start3A_105 : memref<7680x768xf32, #tpu.memory_space<hbm>>) target(%arg7 : memref<64x768xf32, #tpu.memory_space<vmem>>) offsets(%arg5 : memref<64xi32, #tpu.memory_space<vmem>>) semaphore(%arg9 : memref<!tpu.dma_semaphore, #tpu.memory_space<semaphore_mem>>)
    %dma_start3A_106 = arith.constant 0 : i32
    %dma_start3A_107 = arith.constant 0 : i32
    %dma_start3A_108 = tpu.memref_slice %arg2[%dma_start3A_106, %dma_start3A_107] : memref<7680x768xf32, #tpu.memory_space<hbm>> -> memref<7680x768xf32, #tpu.memory_space<hbm>>
    tpu.enqueue_indirect_dma source(%dma_start3A_108 : memref<7680x768xf32, #tpu.memory_space<hbm>>) target(%arg8 : memref<64x768xf32, #tpu.memory_space<vmem>>) offsets(%arg6 : memref<64xi32, #tpu.memory_space<vmem>>) semaphore(%arg10 : memref<!tpu.dma_semaphore, #tpu.memory_space<semaphore_mem>>)
    %dma_wait3A = arith.constant 0 : i32
    %dma_wait3A_109 = arith.constant 0 : i32
    %dma_wait3A_110 = tpu.memref_slice %arg2[%dma_wait3A, %dma_wait3A_109] : memref<7680x768xf32, #tpu.memory_space<hbm>> -> memref<7680x768xf32, #tpu.memory_space<hbm>>
    tpu.wait_indirect_dma semaphore(%arg9 : memref<!tpu.dma_semaphore, #tpu.memory_space<semaphore_mem>>) src(%dma_wait3A_110 : memref<7680x768xf32, #tpu.memory_space<hbm>>) dst(%arg7 : memref<64x768xf32, #tpu.memory_space<vmem>>)
    %dma_wait3A_111 = arith.constant 0 : i32
    %dma_wait3A_112 = arith.constant 0 : i32
    %dma_wait3A_113 = tpu.memref_slice %arg2[%dma_wait3A_111, %dma_wait3A_112] : memref<7680x768xf32, #tpu.memory_space<hbm>> -> memref<7680x768xf32, #tpu.memory_space<hbm>>
    tpu.wait_indirect_dma semaphore(%arg10 : memref<!tpu.dma_semaphore, #tpu.memory_space<semaphore_mem>>) src(%dma_wait3A_113 : memref<7680x768xf32, #tpu.memory_space<hbm>>) dst(%arg8 : memref<64x768xf32, #tpu.memory_space<vmem>>)
    %scan3A = arith.constant 0 : i32
    %scan3A_114 = arith.constant 0 : i32
    %scan3A_115 = arith.constant 64 : i32
    %scan3A_116 = arith.addi %scan3A_114, %scan3A_115 : i32
    %scan3A_117 = arith.constant 1 : i32
    %scan3A_118 = scf.for %scan3A_120 = %scan3A_114 to %scan3A_116 step %scan3A_117 iter_args(%scan3A_121 = %scan3A) -> (i32)  : i32 {
      %get3A_122 = arith.index_cast %scan3A_120 : i32 to index
      %get3A_123 = arith.constant 0 : index
      %get3A_124 = tpu.vector_load %arg7[%get3A_122, %get3A_123] {strides = array<i32>} : memref<64x768xf32, #tpu.memory_space<vmem>>, vector<1x16xf32>,
      %get3A_125 = vector.shape_cast %get3A_124 : vector<1x16xf32> to vector<16xf32>
      %get3A_126 = arith.index_cast %scan3A_120 : i32 to index
      %get3A_127 = arith.constant 0 : index
      %get3A_128 = tpu.vector_load %arg8[%get3A_126, %get3A_127] {strides = array<i32>} : memref<64x768xf32, #tpu.memory_space<vmem>>, vector<1x16xf32>,
      %get3A_129 = vector.shape_cast %get3A_128 : vector<1x16xf32> to vector<16xf32>
      %add3A_130 = arith.addf %get3A_125, %get3A_129 : vector<16xf32>
      %swap3A_131 = arith.index_cast %scan3A_120 : i32 to index
      %swap3A_132 = arith.constant 0 : index
      %swap3A_133 = tpu.vector_load %arg7[%swap3A_131, %swap3A_132] {strides = array<i32>} : memref<64x768xf32, #tpu.memory_space<vmem>>, vector<1x16xf32>,
      %swap3A_134 = vector.shape_cast %swap3A_133 : vector<1x16xf32> to vector<16xf32>
      %swap3A_135 = vector.shape_cast %add3A_130 : vector<16xf32> to vector<1x16xf32>
      tpu.vector_store %arg7[%swap3A_131, %swap3A_132], %swap3A_135 {strides = array<i32>} : memref<64x768xf32, #tpu.memory_space<vmem>>, vector<1x16xf32>,
      %get3A_136 = arith.index_cast %scan3A_120 : i32 to index
      %get3A_137 = arith.constant 16 : index
      %get3A_138 = tpu.vector_load %arg7[%get3A_136, %get3A_137] {strides = array<i32>} : memref<64x768xf32, #tpu.memory_space<vmem>>, vector<1x16xf32>,
      %get3A_139 = vector.shape_cast %get3A_138 : vector<1x16xf32> to vector<16xf32>
      %get3A_140 = arith.index_cast %scan3A_120 : i32 to index
      %get3A_141 = arith.constant 16 : index
      %get3A_142 = tpu.vector_load %arg8[%get3A_140, %get3A_141] {strides = array<i32>} : memref<64x768xf32, #tpu.memory_space<vmem>>, vector<1x16xf32>,
      %get3A_143 = vector.shape_cast %get3A_142 : vector<1x16xf32> to vector<16xf32>
      %add3A_144 = arith.addf %get3A_139, %get3A_143 : vector<16xf32>
      %swap3A_145 = arith.index_cast %scan3A_120 : i32 to index
      %swap3A_146 = arith.constant 16 : index
      %swap3A_147 = tpu.vector_load %arg7[%swap3A_145, %swap3A_146] {strides = array<i32>} : memref<64x768xf32, #tpu.memory_space<vmem>>, vector<1x16xf32>,
      %swap3A_148 = vector.shape_cast %swap3A_147 : vector<1x16xf32> to vector<16xf32>
      %swap3A_149 = vector.shape_cast %add3A_144 : vector<16xf32> to vector<1x16xf32>
      tpu.vector_store %arg7[%swap3A_145, %swap3A_146], %swap3A_149 {strides = array<i32>} : memref<64x768xf32, #tpu.memory_space<vmem>>, vector<1x16xf32>,
      %get3A_150 = arith.index_cast %scan3A_120 : i32 to index
      %get3A_151 = arith.constant 32 : index
      %get3A_152 = tpu.vector_load %arg7[%get3A_150, %get3A_151] {strides = array<i32>} : memref<64x768xf32, #tpu.memory_space<vmem>>, vector<1x16xf32>,
      %get3A_153 = vector.shape_cast %get3A_152 : vector<1x16xf32> to vector<16xf32>
      %get3A_154 = arith.index_cast %scan3A_120 : i32 to index
      %get3A_155 = arith.constant 32 : index
      %get3A_156 = tpu.vector_load %arg8[%get3A_154, %get3A_155] {strides = array<i32>} : memref<64x768xf32, #tpu.memory_space<vmem>>, vector<1x16xf32>,
      %get3A_157 = vector.shape_cast %get3A_156 : vector<1x16xf32> to vector<16xf32>
      %add3A_158 = arith.addf %get3A_153, %get3A_157 : vector<16xf32>
      %swap3A_159 = arith.index_cast %scan3A_120 : i32 to index
      %swap3A_160 = arith.constant 32 : index
      %swap3A_161 = tpu.vector_load %arg7[%swap3A_159, %swap3A_160] {strides = array<i32>} : memref<64x768xf32, #tpu.memory_space<vmem>>, vector<1x16xf32>,
      %swap3A_162 = vector.shape_cast %swap3A_161 : vector<1x16xf32> to vector<16xf32>
      %swap3A_163 = vector.shape_cast %add3A_158 : vector<16xf32> to vector<1x16xf32>
      tpu.vector_store %arg7[%swap3A_159, %swap3A_160], %swap3A_163 {strides = array<i32>} : memref<64x768xf32, #tpu.memory_space<vmem>>, vector<1x16xf32>,
      %get3A_164 = arith.index_cast %scan3A_120 : i32 to index
      %get3A_165 = arith.constant 48 : index
      %get3A_166 = tpu.vector_load %arg7[%get3A_164, %get3A_165] {strides = array<i32>} : memref<64x768xf32, #tpu.memory_space<vmem>>, vector<1x16xf32>,
      %get3A_167 = vector.shape_cast %get3A_166 : vector<1x16xf32> to vector<16xf32>
      %get3A_168 = arith.index_cast %scan3A_120 : i32 to index
      %get3A_169 = arith.constant 48 : index
      %get3A_170 = tpu.vector_load %arg8[%get3A_168, %get3A_169] {strides = array<i32>} : memref<64x768xf32, #tpu.memory_space<vmem>>, vector<1x16xf32>,
      %get3A_171 = vector.shape_cast %get3A_170 : vector<1x16xf32> to vector<16xf32>
      %add3A_172 = arith.addf %get3A_167, %get3A_171 : vector<16xf32>
      %swap3A_173 = arith.index_cast %scan3A_120 : i32 to index
      %swap3A_174 = arith.constant 48 : index
      %swap3A_175 = tpu.vector_load %arg7[%swap3A_173, %swap3A_174] {strides = array<i32>} : memref<64x768xf32, #tpu.memory_space<vmem>>, vector<1x16xf32>,
      %swap3A_176 = vector.shape_cast %swap3A_175 : vector<1x16xf32> to vector<16xf32>
      %swap3A_177 = vector.shape_cast %add3A_172 : vector<16xf32> to vector<1x16xf32>
      tpu.vector_store %arg7[%swap3A_173, %swap3A_174], %swap3A_177 {strides = array<i32>} : memref<64x768xf32, #tpu.memory_space<vmem>>, vector<1x16xf32>,
      %get3A_178 = arith.index_cast %scan3A_120 : i32 to index
      %get3A_179 = arith.constant 64 : index
      %get3A_180 = tpu.vector_load %arg7[%get3A_178, %get3A_179] {strides = array<i32>} : memref<64x768xf32, #tpu.memory_space<vmem>>, vector<1x16xf32>,
      %get3A_181 = vector.shape_cast %get3A_180 : vector<1x16xf32> to vector<16xf32>
      %get3A_182 = arith.index_cast %scan3A_120 : i32 to index
      %get3A_183 = arith.constant 64 : index
      %get3A_184 = tpu.vector_load %arg8[%get3A_182, %get3A_183] {strides = array<i32>} : memref<64x768xf32, #tpu.memory_space<vmem>>, vector<1x16xf32>,
      %get3A_185 = vector.shape_cast %get3A_184 : vector<1x16xf32> to vector<16xf32>
      %add3A_186 = arith.addf %get3A_181, %get3A_185 : vector<16xf32>
      %swap3A_187 = arith.index_cast %scan3A_120 : i32 to index
      %swap3A_188 = arith.constant 64 : index
      %swap3A_189 = tpu.vector_load %arg7[%swap3A_187, %swap3A_188] {strides = array<i32>} : memref<64x768xf32, #tpu.memory_space<vmem>>, vector<1x16xf32>,
      %swap3A_190 = vector.shape_cast %swap3A_189 : vector<1x16xf32> to vector<16xf32>
      %swap3A_191 = vector.shape_cast %add3A_186 : vector<16xf32> to vector<1x16xf32>
      tpu.vector_store %arg7[%swap3A_187, %swap3A_188], %swap3A_191 {strides = array<i32>} : memref<64x768xf32, #tpu.memory_space<vmem>>, vector<1x16xf32>,
      %get3A_192 = arith.index_cast %scan3A_120 : i32 to index
      %get3A_193 = arith.constant 80 : index
      %get3A_194 = tpu.vector_load %arg7[%get3A_192, %get3A_193] {strides = array<i32>} : memref<64x768xf32, #tpu.memory_space<vmem>>, vector<1x16xf32>,
      %get3A_195 = vector.shape_cast %get3A_194 : vector<1x16xf32> to vector<16xf32>
      %get3A_196 = arith.index_cast %scan3A_120 : i32 to index
      %get3A_197 = arith.constant 80 : index
      %get3A_198 = tpu.vector_load %arg8[%get3A_196, %get3A_197] {strides = array<i32>} : memref<64x768xf32, #tpu.memory_space<vmem>>, vector<1x16xf32>,
      %get3A_199 = vector.shape_cast %get3A_198 : vector<1x16xf32> to vector<16xf32>
      %add3A_200 = arith.addf %get3A_195, %get3A_199 : vector<16xf32>
      %swap3A_201 = arith.index_cast %scan3A_120 : i32 to index
      %swap3A_202 = arith.constant 80 : index
      %swap3A_203 = tpu.vector_load %arg7[%swap3A_201, %swap3A_202] {strides = array<i32>} : memref<64x768xf32, #tpu.memory_space<vmem>>, vector<1x16xf32>,
      %swap3A_204 = vector.shape_cast %swap3A_203 : vector<1x16xf32> to vector<16xf32>
      %swap3A_205 = vector.shape_cast %add3A_200 : vector<16xf32> to vector<1x16xf32>
      tpu.vector_store %arg7[%swap3A_201, %swap3A_202], %swap3A_205 {strides = array<i32>} : memref<64x768xf32, #tpu.memory_space<vmem>>, vector<1x16xf32>,
      %get3A_206 = arith.index_cast %scan3A_120 : i32 to index
      %get3A_207 = arith.constant 96 : index
      %get3A_208 = tpu.vector_load %arg7[%get3A_206, %get3A_207] {strides = array<i32>} : memref<64x768xf32, #tpu.memory_space<vmem>>, vector<1x16xf32>,
      %get3A_209 = vector.shape_cast %get3A_208 : vector<1x16xf32> to vector<16xf32>
      %get3A_210 = arith.index_cast %scan3A_120 : i32 to index
      %get3A_211 = arith.constant 96 : index
      %get3A_212 = tpu.vector_load %arg8[%get3A_210, %get3A_211] {strides = array<i32>} : memref<64x768xf32, #tpu.memory_space<vmem>>, vector<1x16xf32>,
      %get3A_213 = vector.shape_cast %get3A_212 : vector<1x16xf32> to vector<16xf32>
      %add3A_214 = arith.addf %get3A_209, %get3A_213 : vector<16xf32>
      %swap3A_215 = arith.index_cast %scan3A_120 : i32 to index
      %swap3A_216 = arith.constant 96 : index
      %swap3A_217 = tpu.vector_load %arg7[%swap3A_215, %swap3A_216] {strides = array<i32>} : memref<64x768xf32, #tpu.memory_space<vmem>>, vector<1x16xf32>,
      %swap3A_218 = vector.shape_cast %swap3A_217 : vector<1x16xf32> to vector<16xf32>
      %swap3A_219 = vector.shape_cast %add3A_214 : vector<16xf32> to vector<1x16xf32>
      tpu.vector_store %arg7[%swap3A_215, %swap3A_216], %swap3A_219 {strides = array<i32>} : memref<64x768xf32, #tpu.memory_space<vmem>>, vector<1x16xf32>,
      %get3A_220 = arith.index_cast %scan3A_120 : i32 to index
      %get3A_221 = arith.constant 112 : index
      %get3A_222 = tpu.vector_load %arg7[%get3A_220, %get3A_221] {strides = array<i32>} : memref<64x768xf32, #tpu.memory_space<vmem>>, vector<1x16xf32>,
      %get3A_223 = vector.shape_cast %get3A_222 : vector<1x16xf32> to vector<16xf32>
      %get3A_224 = arith.index_cast %scan3A_120 : i32 to index
      %get3A_225 = arith.constant 112 : index
      %get3A_226 = tpu.vector_load %arg8[%get3A_224, %get3A_225] {strides = array<i32>} : memref<64x768xf32, #tpu.memory_space<vmem>>, vector<1x16xf32>,
      %get3A_227 = vector.shape_cast %get3A_226 : vector<1x16xf32> to vector<16xf32>
      %add3A_228 = arith.addf %get3A_223, %get3A_227 : vector<16xf32>
      %swap3A_229 = arith.index_cast %scan3A_120 : i32 to index
      %swap3A_230 = arith.constant 112 : index
      %swap3A_231 = tpu.vector_load %arg7[%swap3A_229, %swap3A_230] {strides = array<i32>} : memref<64x768xf32, #tpu.memory_space<vmem>>, vector<1x16xf32>,
      %swap3A_232 = vector.shape_cast %swap3A_231 : vector<1x16xf32> to vector<16xf32>
      %swap3A_233 = vector.shape_cast %add3A_228 : vector<16xf32> to vector<1x16xf32>
      tpu.vector_store %arg7[%swap3A_229, %swap3A_230], %swap3A_233 {strides = array<i32>} : memref<64x768xf32, #tpu.memory_space<vmem>>, vector<1x16xf32>,
      %get3A_234 = arith.index_cast %scan3A_120 : i32 to index
      %get3A_235 = arith.constant 128 : index
      %get3A_236 = tpu.vector_load %arg7[%get3A_234, %get3A_235] {strides = array<i32>} : memref<64x768xf32, #tpu.memory_space<vmem>>, vector<1x16xf32>,
      %get3A_237 = vector.shape_cast %get3A_236 : vector<1x16xf32> to vector<16xf32>
      %get3A_238 = arith.index_cast %scan3A_120 : i32 to index
      %get3A_239 = arith.constant 128 : index
      %get3A_240 = tpu.vector_load %arg8[%get3A_238, %get3A_239] {strides = array<i32>} : memref<64x768xf32, #tpu.memory_space<vmem>>, vector<1x16xf32>,
      %get3A_241 = vector.shape_cast %get3A_240 : vector<1x16xf32> to vector<16xf32>
      %add3A_242 = arith.addf %get3A_237, %get3A_241 : vector<16xf32>
      %swap3A_243 = arith.index_cast %scan3A_120 : i32 to index
      %swap3A_244 = arith.constant 128 : index
      %swap3A_245 = tpu.vector_load %arg7[%swap3A_243, %swap3A_244] {strides = array<i32>} : memref<64x768xf32, #tpu.memory_space<vmem>>, vector<1x16xf32>,
      %swap3A_246 = vector.shape_cast %swap3A_245 : vector<1x16xf32> to vector<16xf32>
      %swap3A_247 = vector.shape_cast %add3A_242 : vector<16xf32> to vector<1x16xf32>
      tpu.vector_store %arg7[%swap3A_243, %swap3A_244], %swap3A_247 {strides = array<i32>} : memref<64x768xf32, #tpu.memory_space<vmem>>, vector<1x16xf32>,
      %get3A_248 = arith.index_cast %scan3A_120 : i32 to index
      %get3A_249 = arith.constant 144 : index
      %get3A_250 = tpu.vector_load %arg7[%get3A_248, %get3A_249] {strides = array<i32>} : memref<64x768xf32, #tpu.memory_space<vmem>>, vector<1x16xf32>,
      %get3A_251 = vector.shape_cast %get3A_250 : vector<1x16xf32> to vector<16xf32>
      %get3A_252 = arith.index_cast %scan3A_120 : i32 to index
      %get3A_253 = arith.constant 144 : index
      %get3A_254 = tpu.vector_load %arg8[%get3A_252, %get3A_253] {strides = array<i32>} : memref<64x768xf32, #tpu.memory_space<vmem>>, vector<1x16xf32>,
      %get3A_255 = vector.shape_cast %get3A_254 : vector<1x16xf32> to vector<16xf32>
      %add3A_256 = arith.addf %get3A_251, %get3A_255 : vector<16xf32>
      %swap3A_257 = arith.index_cast %scan3A_120 : i32 to index
      %swap3A_258 = arith.constant 144 : index
      %swap3A_259 = tpu.vector_load %arg7[%swap3A_257, %swap3A_258] {strides = array<i32>} : memref<64x768xf32, #tpu.memory_space<vmem>>, vector<1x16xf32>,
      %swap3A_260 = vector.shape_cast %swap3A_259 : vector<1x16xf32> to vector<16xf32>
      %swap3A_261 = vector.shape_cast %add3A_256 : vector<16xf32> to vector<1x16xf32>
      tpu.vector_store %arg7[%swap3A_257, %swap3A_258], %swap3A_261 {strides = array<i32>} : memref<64x768xf32, #tpu.memory_space<vmem>>, vector<1x16xf32>,
      %get3A_262 = arith.index_cast %scan3A_120 : i32 to index
      %get3A_263 = arith.constant 160 : index
      %get3A_264 = tpu.vector_load %arg7[%get3A_262, %get3A_263] {strides = array<i32>} : memref<64x768xf32, #tpu.memory_space<vmem>>, vector<1x16xf32>,
      %get3A_265 = vector.shape_cast %get3A_264 : vector<1x16xf32> to vector<16xf32>
      %get3A_266 = arith.index_cast %scan3A_120 : i32 to index
      %get3A_267 = arith.constant 160 : index
      %get3A_268 = tpu.vector_load %arg8[%get3A_266, %get3A_267] {strides = array<i32>} : memref<64x768xf32, #tpu.memory_space<vmem>>, vector<1x16xf32>,
      %get3A_269 = vector.shape_cast %get3A_268 : vector<1x16xf32> to vector<16xf32>
      %add3A_270 = arith.addf %get3A_265, %get3A_269 : vector<16xf32>
      %swap3A_271 = arith.index_cast %scan3A_120 : i32 to index
      %swap3A_272 = arith.constant 160 : index
      %swap3A_273 = tpu.vector_load %arg7[%swap3A_271, %swap3A_272] {strides = array<i32>} : memref<64x768xf32, #tpu.memory_space<vmem>>, vector<1x16xf32>,
      %swap3A_274 = vector.shape_cast %swap3A_273 : vector<1x16xf32> to vector<16xf32>
      %swap3A_275 = vector.shape_cast %add3A_270 : vector<16xf32> to vector<1x16xf32>
      tpu.vector_store %arg7[%swap3A_271, %swap3A_272], %swap3A_275 {strides = array<i32>} : memref<64x768xf32, #tpu.memory_space<vmem>>, vector<1x16xf32>,
      %get3A_276 = arith.index_cast %scan3A_120 : i32 to index
      %get3A_277 = arith.constant 176 : index
      %get3A_278 = tpu.vector_load %arg7[%get3A_276, %get3A_277] {strides = array<i32>} : memref<64x768xf32, #tpu.memory_space<vmem>>, vector<1x16xf32>,
      %get3A_279 = vector.shape_cast %get3A_278 : vector<1x16xf32> to vector<16xf32>
      %get3A_280 = arith.index_cast %scan3A_120 : i32 to index
      %get3A_281 = arith.constant 176 : index
      %get3A_282 = tpu.vector_load %arg8[%get3A_280, %get3A_281] {strides = array<i32>} : memref<64x768xf32, #tpu.memory_space<vmem>>, vector<1x16xf32>,
      %get3A_283 = vector.shape_cast %get3A_282 : vector<1x16xf32> to vector<16xf32>
      %add3A_284 = arith.addf %get3A_279, %get3A_283 : vector<16xf32>
      %swap3A_285 = arith.index_cast %scan3A_120 : i32 to index
      %swap3A_286 = arith.constant 176 : index
      %swap3A_287 = tpu.vector_load %arg7[%swap3A_285, %swap3A_286] {strides = array<i32>} : memref<64x768xf32, #tpu.memory_space<vmem>>, vector<1x16xf32>,
      %swap3A_288 = vector.shape_cast %swap3A_287 : vector<1x16xf32> to vector<16xf32>
      %swap3A_289 = vector.shape_cast %add3A_284 : vector<16xf32> to vector<1x16xf32>
      tpu.vector_store %arg7[%swap3A_285, %swap3A_286], %swap3A_289 {strides = array<i32>} : memref<64x768xf32, #tpu.memory_space<vmem>>, vector<1x16xf32>,
      %get3A_290 = arith.index_cast %scan3A_120 : i32 to index
      %get3A_291 = arith.constant 192 : index
      %get3A_292 = tpu.vector_load %arg7[%get3A_290, %get3A_291] {strides = array<i32>} : memref<64x768xf32, #tpu.memory_space<vmem>>, vector<1x16xf32>,
      %get3A_293 = vector.shape_cast %get3A_292 : vector<1x16xf32> to vector<16xf32>
      %get3A_294 = arith.index_cast %scan3A_120 : i32 to index
      %get3A_295 = arith.constant 192 : index
      %get3A_296 = tpu.vector_load %arg8[%get3A_294, %get3A_295] {strides = array<i32>} : memref<64x768xf32, #tpu.memory_space<vmem>>, vector<1x16xf32>,
      %get3A_297 = vector.shape_cast %get3A_296 : vector<1x16xf32> to vector<16xf32>
      %add3A_298 = arith.addf %get3A_293, %get3A_297 : vector<16xf32>
      %swap3A_299 = arith.index_cast %scan3A_120 : i32 to index
      %swap3A_300 = arith.constant 192 : index
      %swap3A_301 = tpu.vector_load %arg7[%swap3A_299, %swap3A_300] {strides = array<i32>} : memref<64x768xf32, #tpu.memory_space<vmem>>, vector<1x16xf32>,
      %swap3A_302 = vector.shape_cast %swap3A_301 : vector<1x16xf32> to vector<16xf32>
      %swap3A_303 = vector.shape_cast %add3A_298 : vector<16xf32> to vector<1x16xf32>
      tpu.vector_store %arg7[%swap3A_299, %swap3A_300], %swap3A_303 {strides = array<i32>} : memref<64x768xf32, #tpu.memory_space<vmem>>, vector<1x16xf32>,
      %get3A_304 = arith.index_cast %scan3A_120 : i32 to index
      %get3A_305 = arith.constant 208 : index
      %get3A_306 = tpu.vector_load %arg7[%get3A_304, %get3A_305] {strides = array<i32>} : memref<64x768xf32, #tpu.memory_space<vmem>>, vector<1x16xf32>,
      %get3A_307 = vector.shape_cast %get3A_306 : vector<1x16xf32> to vector<16xf32>
      %get3A_308 = arith.index_cast %scan3A_120 : i32 to index
      %get3A_309 = arith.constant 208 : index
      %get3A_310 = tpu.vector_load %arg8[%get3A_308, %get3A_309] {strides = array<i32>} : memref<64x768xf32, #tpu.memory_space<vmem>>, vector<1x16xf32>,
      %get3A_311 = vector.shape_cast %get3A_310 : vector<1x16xf32> to vector<16xf32>
      %add3A_312 = arith.addf %get3A_307, %get3A_311 : vector<16xf32>
      %swap3A_313 = arith.index_cast %scan3A_120 : i32 to index
      %swap3A_314 = arith.constant 208 : index
      %swap3A_315 = tpu.vector_load %arg7[%swap3A_313, %swap3A_314] {strides = array<i32>} : memref<64x768xf32, #tpu.memory_space<vmem>>, vector<1x16xf32>,
      %swap3A_316 = vector.shape_cast %swap3A_315 : vector<1x16xf32> to vector<16xf32>
      %swap3A_317 = vector.shape_cast %add3A_312 : vector<16xf32> to vector<1x16xf32>
      tpu.vector_store %arg7[%swap3A_313, %swap3A_314], %swap3A_317 {strides = array<i32>} : memref<64x768xf32, #tpu.memory_space<vmem>>, vector<1x16xf32>,
      %get3A_318 = arith.index_cast %scan3A_120 : i32 to index
      %get3A_319 = arith.constant 224 : index
      %get3A_320 = tpu.vector_load %arg7[%get3A_318, %get3A_319] {strides = array<i32>} : memref<64x768xf32, #tpu.memory_space<vmem>>, vector<1x16xf32>,
      %get3A_321 = vector.shape_cast %get3A_320 : vector<1x16xf32> to vector<16xf32>
      %get3A_322 = arith.index_cast %scan3A_120 : i32 to index
      %get3A_323 = arith.constant 224 : index
      %get3A_324 = tpu.vector_load %arg8[%get3A_322, %get3A_323] {strides = array<i32>} : memref<64x768xf32, #tpu.memory_space<vmem>>, vector<1x16xf32>,
      %get3A_325 = vector.shape_cast %get3A_324 : vector<1x16xf32> to vector<16xf32>
      %add3A_326 = arith.addf %get3A_321, %get3A_325 : vector<16xf32>
      %swap3A_327 = arith.index_cast %scan3A_120 : i32 to index
      %swap3A_328 = arith.constant 224 : index
      %swap3A_329 = tpu.vector_load %arg7[%swap3A_327, %swap3A_328] {strides = array<i32>} : memref<64x768xf32, #tpu.memory_space<vmem>>, vector<1x16xf32>,
      %swap3A_330 = vector.shape_cast %swap3A_329 : vector<1x16xf32> to vector<16xf32>
      %swap3A_331 = vector.shape_cast %add3A_326 : vector<16xf32> to vector<1x16xf32>
      tpu.vector_store %arg7[%swap3A_327, %swap3A_328], %swap3A_331 {strides = array<i32>} : memref<64x768xf32, #tpu.memory_space<vmem>>, vector<1x16xf32>,
      %get3A_332 = arith.index_cast %scan3A_120 : i32 to index
      %get3A_333 = arith.constant 240 : index
      %get3A_334 = tpu.vector_load %arg7[%get3A_332, %get3A_333] {strides = array<i32>} : memref<64x768xf32, #tpu.memory_space<vmem>>, vector<1x16xf32>,
      %get3A_335 = vector.shape_cast %get3A_334 : vector<1x16xf32> to vector<16xf32>
      %get3A_336 = arith.index_cast %scan3A_120 : i32 to index
      %get3A_337 = arith.constant 240 : index
      %get3A_338 = tpu.vector_load %arg8[%get3A_336, %get3A_337] {strides = array<i32>} : memref<64x768xf32, #tpu.memory_space<vmem>>, vector<1x16xf32>,
      %get3A_339 = vector.shape_cast %get3A_338 : vector<1x16xf32> to vector<16xf32>
      %add3A_340 = arith.addf %get3A_335, %get3A_339 : vector<16xf32>
      %swap3A_341 = arith.index_cast %scan3A_120 : i32 to index
      %swap3A_342 = arith.constant 240 : index
      %swap3A_343 = tpu.vector_load %arg7[%swap3A_341, %swap3A_342] {strides = array<i32>} : memref<64x768xf32, #tpu.memory_space<vmem>>, vector<1x16xf32>,
      %swap3A_344 = vector.shape_cast %swap3A_343 : vector<1x16xf32> to vector<16xf32>
      %swap3A_345 = vector.shape_cast %add3A_340 : vector<16xf32> to vector<1x16xf32>
      tpu.vector_store %arg7[%swap3A_341, %swap3A_342], %swap3A_345 {strides = array<i32>} : memref<64x768xf32, #tpu.memory_space<vmem>>, vector<1x16xf32>,
      %get3A_346 = arith.index_cast %scan3A_120 : i32 to index
      %get3A_347 = arith.constant 256 : index
      %get3A_348 = tpu.vector_load %arg7[%get3A_346, %get3A_347] {strides = array<i32>} : memref<64x768xf32, #tpu.memory_space<vmem>>, vector<1x16xf32>,
      %get3A_349 = vector.shape_cast %get3A_348 : vector<1x16xf32> to vector<16xf32>
      %get3A_350 = arith.index_cast %scan3A_120 : i32 to index
      %get3A_351 = arith.constant 256 : index
      %get3A_352 = tpu.vector_load %arg8[%get3A_350, %get3A_351] {strides = array<i32>} : memref<64x768xf32, #tpu.memory_space<vmem>>, vector<1x16xf32>,
      %get3A_353 = vector.shape_cast %get3A_352 : vector<1x16xf32> to vector<16xf32>
      %add3A_354 = arith.addf %get3A_349, %get3A_353 : vector<16xf32>
      %swap3A_355 = arith.index_cast %scan3A_120 : i32 to index
      %swap3A_356 = arith.constant 256 : index
      %swap3A_357 = tpu.vector_load %arg7[%swap3A_355, %swap3A_356] {strides = array<i32>} : memref<64x768xf32, #tpu.memory_space<vmem>>, vector<1x16xf32>,
      %swap3A_358 = vector.shape_cast %swap3A_357 : vector<1x16xf32> to vector<16xf32>
      %swap3A_359 = vector.shape_cast %add3A_354 : vector<16xf32> to vector<1x16xf32>
      tpu.vector_store %arg7[%swap3A_355, %swap3A_356], %swap3A_359 {strides = array<i32>} : memref<64x768xf32, #tpu.memory_space<vmem>>, vector<1x16xf32>,
      %get3A_360 = arith.index_cast %scan3A_120 : i32 to index
      %get3A_361 = arith.constant 272 : index
      %get3A_362 = tpu.vector_load %arg7[%get3A_360, %get3A_361] {strides = array<i32>} : memref<64x768xf32, #tpu.memory_space<vmem>>, vector<1x16xf32>,
      %get3A_363 = vector.shape_cast %get3A_362 : vector<1x16xf32> to vector<16xf32>
      %get3A_364 = arith.index_cast %scan3A_120 : i32 to index
      %get3A_365 = arith.constant 272 : index
      %get3A_366 = tpu.vector_load %arg8[%get3A_364, %get3A_365] {strides = array<i32>} : memref<64x768xf32, #tpu.memory_space<vmem>>, vector<1x16xf32>,
      %get3A_367 = vector.shape_cast %get3A_366 : vector<1x16xf32> to vector<16xf32>
      %add3A_368 = arith.addf %get3A_363, %get3A_367 : vector<16xf32>
      %swap3A_369 = arith.index_cast %scan3A_120 : i32 to index
      %swap3A_370 = arith.constant 272 : index
      %swap3A_371 = tpu.vector_load %arg7[%swap3A_369, %swap3A_370] {strides = array<i32>} : memref<64x768xf32, #tpu.memory_space<vmem>>, vector<1x16xf32>,
      %swap3A_372 = vector.shape_cast %swap3A_371 : vector<1x16xf32> to vector<16xf32>
      %swap3A_373 = vector.shape_cast %add3A_368 : vector<16xf32> to vector<1x16xf32>
      tpu.vector_store %arg7[%swap3A_369, %swap3A_370], %swap3A_373 {strides = array<i32>} : memref<64x768xf32, #tpu.memory_space<vmem>>, vector<1x16xf32>,
      %get3A_374 = arith.index_cast %scan3A_120 : i32 to index
      %get3A_375 = arith.constant 288 : index
      %get3A_376 = tpu.vector_load %arg7[%get3A_374, %get3A_375] {strides = array<i32>} : memref<64x768xf32, #tpu.memory_space<vmem>>, vector<1x16xf32>,
      %get3A_377 = vector.shape_cast %get3A_376 : vector<1x16xf32> to vector<16xf32>
      %get3A_378 = arith.index_cast %scan3A_120 : i32 to index
      %get3A_379 = arith.constant 288 : index
      %get3A_380 = tpu.vector_load %arg8[%get3A_378, %get3A_379] {strides = array<i32>} : memref<64x768xf32, #tpu.memory_space<vmem>>, vector<1x16xf32>,
      %get3A_381 = vector.shape_cast %get3A_380 : vector<1x16xf32> to vector<16xf32>
      %add3A_382 = arith.addf %get3A_377, %get3A_381 : vector<16xf32>
      %swap3A_383 = arith.index_cast %scan3A_120 : i32 to index
      %swap3A_384 = arith.constant 288 : index
      %swap3A_385 = tpu.vector_load %arg7[%swap3A_383, %swap3A_384] {strides = array<i32>} : memref<64x768xf32, #tpu.memory_space<vmem>>, vector<1x16xf32>,
      %swap3A_386 = vector.shape_cast %swap3A_385 : vector<1x16xf32> to vector<16xf32>
      %swap3A_387 = vector.shape_cast %add3A_382 : vector<16xf32> to vector<1x16xf32>
      tpu.vector_store %arg7[%swap3A_383, %swap3A_384], %swap3A_387 {strides = array<i32>} : memref<64x768xf32, #tpu.memory_space<vmem>>, vector<1x16xf32>,
      %get3A_388 = arith.index_cast %scan3A_120 : i32 to index
      %get3A_389 = arith.constant 304 : index
      %get3A_390 = tpu.vector_load %arg7[%get3A_388, %get3A_389] {strides = array<i32>} : memref<64x768xf32, #tpu.memory_space<vmem>>, vector<1x16xf32>,
      %get3A_391 = vector.shape_cast %get3A_390 : vector<1x16xf32> to vector<16xf32>
      %get3A_392 = arith.index_cast %scan3A_120 : i32 to index
      %get3A_393 = arith.constant 304 : index
      %get3A_394 = tpu.vector_load %arg8[%get3A_392, %get3A_393] {strides = array<i32>} : memref<64x768xf32, #tpu.memory_space<vmem>>, vector<1x16xf32>,
      %get3A_395 = vector.shape_cast %get3A_394 : vector<1x16xf32> to vector<16xf32>
      %add3A_396 = arith.addf %get3A_391, %get3A_395 : vector<16xf32>
      %swap3A_397 = arith.index_cast %scan3A_120 : i32 to index
      %swap3A_398 = arith.constant 304 : index
      %swap3A_399 = tpu.vector_load %arg7[%swap3A_397, %swap3A_398] {strides = array<i32>} : memref<64x768xf32, #tpu.memory_space<vmem>>, vector<1x16xf32>,
      %swap3A_400 = vector.shape_cast %swap3A_399 : vector<1x16xf32> to vector<16xf32>
      %swap3A_401 = vector.shape_cast %add3A_396 : vector<16xf32> to vector<1x16xf32>
      tpu.vector_store %arg7[%swap3A_397, %swap3A_398], %swap3A_401 {strides = array<i32>} : memref<64x768xf32, #tpu.memory_space<vmem>>, vector<1x16xf32>,
      %get3A_402 = arith.index_cast %scan3A_120 : i32 to index
      %get3A_403 = arith.constant 320 : index
      %get3A_404 = tpu.vector_load %arg7[%get3A_402, %get3A_403] {strides = array<i32>} : memref<64x768xf32, #tpu.memory_space<vmem>>, vector<1x16xf32>,
      %get3A_405 = vector.shape_cast %get3A_404 : vector<1x16xf32> to vector<16xf32>
      %get3A_406 = arith.index_cast %scan3A_120 : i32 to index
      %get3A_407 = arith.constant 320 : index
      %get3A_408 = tpu.vector_load %arg8[%get3A_406, %get3A_407] {strides = array<i32>} : memref<64x768xf32, #tpu.memory_space<vmem>>, vector<1x16xf32>,
      %get3A_409 = vector.shape_cast %get3A_408 : vector<1x16xf32> to vector<16xf32>
      %add3A_410 = arith.addf %get3A_405, %get3A_409 : vector<16xf32>
      %swap3A_411 = arith.index_cast %scan3A_120 : i32 to index
      %swap3A_412 = arith.constant 320 : index
      %swap3A_413 = tpu.vector_load %arg7[%swap3A_411, %swap3A_412] {strides = array<i32>} : memref<64x768xf32, #tpu.memory_space<vmem>>, vector<1x16xf32>,
      %swap3A_414 = vector.shape_cast %swap3A_413 : vector<1x16xf32> to vector<16xf32>
      %swap3A_415 = vector.shape_cast %add3A_410 : vector<16xf32> to vector<1x16xf32>
      tpu.vector_store %arg7[%swap3A_411, %swap3A_412], %swap3A_415 {strides = array<i32>} : memref<64x768xf32, #tpu.memory_space<vmem>>, vector<1x16xf32>,
      %get3A_416 = arith.index_cast %scan3A_120 : i32 to index
      %get3A_417 = arith.constant 336 : index
      %get3A_418 = tpu.vector_load %arg7[%get3A_416, %get3A_417] {strides = array<i32>} : memref<64x768xf32, #tpu.memory_space<vmem>>, vector<1x16xf32>,
      %get3A_419 = vector.shape_cast %get3A_418 : vector<1x16xf32> to vector<16xf32>
      %get3A_420 = arith.index_cast %scan3A_120 : i32 to index
      %get3A_421 = arith.constant 336 : index
      %get3A_422 = tpu.vector_load %arg8[%get3A_420, %get3A_421] {strides = array<i32>} : memref<64x768xf32, #tpu.memory_space<vmem>>, vector<1x16xf32>,
      %get3A_423 = vector.shape_cast %get3A_422 : vector<1x16xf32> to vector<16xf32>
      %add3A_424 = arith.addf %get3A_419, %get3A_423 : vector<16xf32>
      %swap3A_425 = arith.index_cast %scan3A_120 : i32 to index
      %swap3A_426 = arith.constant 336 : index
      %swap3A_427 = tpu.vector_load %arg7[%swap3A_425, %swap3A_426] {strides = array<i32>} : memref<64x768xf32, #tpu.memory_space<vmem>>, vector<1x16xf32>,
      %swap3A_428 = vector.shape_cast %swap3A_427 : vector<1x16xf32> to vector<16xf32>
      %swap3A_429 = vector.shape_cast %add3A_424 : vector<16xf32> to vector<1x16xf32>
      tpu.vector_store %arg7[%swap3A_425, %swap3A_426], %swap3A_429 {strides = array<i32>} : memref<64x768xf32, #tpu.memory_space<vmem>>, vector<1x16xf32>,
      %get3A_430 = arith.index_cast %scan3A_120 : i32 to index
      %get3A_431 = arith.constant 352 : index
      %get3A_432 = tpu.vector_load %arg7[%get3A_430, %get3A_431] {strides = array<i32>} : memref<64x768xf32, #tpu.memory_space<vmem>>, vector<1x16xf32>,
      %get3A_433 = vector.shape_cast %get3A_432 : vector<1x16xf32> to vector<16xf32>
      %get3A_434 = arith.index_cast %scan3A_120 : i32 to index
      %get3A_435 = arith.constant 352 : index
      %get3A_436 = tpu.vector_load %arg8[%get3A_434, %get3A_435] {strides = array<i32>} : memref<64x768xf32, #tpu.memory_space<vmem>>, vector<1x16xf32>,
      %get3A_437 = vector.shape_cast %get3A_436 : vector<1x16xf32> to vector<16xf32>
      %add3A_438 = arith.addf %get3A_433, %get3A_437 : vector<16xf32>
      %swap3A_439 = arith.index_cast %scan3A_120 : i32 to index
      %swap3A_440 = arith.constant 352 : index
      %swap3A_441 = tpu.vector_load %arg7[%swap3A_439, %swap3A_440] {strides = array<i32>} : memref<64x768xf32, #tpu.memory_space<vmem>>, vector<1x16xf32>,
      %swap3A_442 = vector.shape_cast %swap3A_441 : vector<1x16xf32> to vector<16xf32>
      %swap3A_443 = vector.shape_cast %add3A_438 : vector<16xf32> to vector<1x16xf32>
      tpu.vector_store %arg7[%swap3A_439, %swap3A_440], %swap3A_443 {strides = array<i32>} : memref<64x768xf32, #tpu.memory_space<vmem>>, vector<1x16xf32>,
      %get3A_444 = arith.index_cast %scan3A_120 : i32 to index
      %get3A_445 = arith.constant 368 : index
      %get3A_446 = tpu.vector_load %arg7[%get3A_444, %get3A_445] {strides = array<i32>} : memref<64x768xf32, #tpu.memory_space<vmem>>, vector<1x16xf32>,
      %get3A_447 = vector.shape_cast %get3A_446 : vector<1x16xf32> to vector<16xf32>
      %get3A_448 = arith.index_cast %scan3A_120 : i32 to index
      %get3A_449 = arith.constant 368 : index
      %get3A_450 = tpu.vector_load %arg8[%get3A_448, %get3A_449] {strides = array<i32>} : memref<64x768xf32, #tpu.memory_space<vmem>>, vector<1x16xf32>,
      %get3A_451 = vector.shape_cast %get3A_450 : vector<1x16xf32> to vector<16xf32>
      %add3A_452 = arith.addf %get3A_447, %get3A_451 : vector<16xf32>
      %swap3A_453 = arith.index_cast %scan3A_120 : i32 to index
      %swap3A_454 = arith.constant 368 : index
      %swap3A_455 = tpu.vector_load %arg7[%swap3A_453, %swap3A_454] {strides = array<i32>} : memref<64x768xf32, #tpu.memory_space<vmem>>, vector<1x16xf32>,
      %swap3A_456 = vector.shape_cast %swap3A_455 : vector<1x16xf32> to vector<16xf32>
      %swap3A_457 = vector.shape_cast %add3A_452 : vector<16xf32> to vector<1x16xf32>
      tpu.vector_store %arg7[%swap3A_453, %swap3A_454], %swap3A_457 {strides = array<i32>} : memref<64x768xf32, #tpu.memory_space<vmem>>, vector<1x16xf32>,
      %get3A_458 = arith.index_cast %scan3A_120 : i32 to index
      %get3A_459 = arith.constant 384 : index
      %get3A_460 = tpu.vector_load %arg7[%get3A_458, %get3A_459] {strides = array<i32>} : memref<64x768xf32, #tpu.memory_space<vmem>>, vector<1x16xf32>,
      %get3A_461 = vector.shape_cast %get3A_460 : vector<1x16xf32> to vector<16xf32>
      %get3A_462 = arith.index_cast %scan3A_120 : i32 to index
      %get3A_463 = arith.constant 384 : index
      %get3A_464 = tpu.vector_load %arg8[%get3A_462, %get3A_463] {strides = array<i32>} : memref<64x768xf32, #tpu.memory_space<vmem>>, vector<1x16xf32>,
      %get3A_465 = vector.shape_cast %get3A_464 : vector<1x16xf32> to vector<16xf32>
      %add3A_466 = arith.addf %get3A_461, %get3A_465 : vector<16xf32>
      %swap3A_467 = arith.index_cast %scan3A_120 : i32 to index
      %swap3A_468 = arith.constant 384 : index
      %swap3A_469 = tpu.vector_load %arg7[%swap3A_467, %swap3A_468] {strides = array<i32>} : memref<64x768xf32, #tpu.memory_space<vmem>>, vector<1x16xf32>,
      %swap3A_470 = vector.shape_cast %swap3A_469 : vector<1x16xf32> to vector<16xf32>
      %swap3A_471 = vector.shape_cast %add3A_466 : vector<16xf32> to vector<1x16xf32>
      tpu.vector_store %arg7[%swap3A_467, %swap3A_468], %swap3A_471 {strides = array<i32>} : memref<64x768xf32, #tpu.memory_space<vmem>>, vector<1x16xf32>,
      %get3A_472 = arith.index_cast %scan3A_120 : i32 to index
      %get3A_473 = arith.constant 400 : index
      %get3A_474 = tpu.vector_load %arg7[%get3A_472, %get3A_473] {strides = array<i32>} : memref<64x768xf32, #tpu.memory_space<vmem>>, vector<1x16xf32>,
      %get3A_475 = vector.shape_cast %get3A_474 : vector<1x16xf32> to vector<16xf32>
      %get3A_476 = arith.index_cast %scan3A_120 : i32 to index
      %get3A_477 = arith.constant 400 : index
      %get3A_478 = tpu.vector_load %arg8[%get3A_476, %get3A_477] {strides = array<i32>} : memref<64x768xf32, #tpu.memory_space<vmem>>, vector<1x16xf32>,
      %get3A_479 = vector.shape_cast %get3A_478 : vector<1x16xf32> to vector<16xf32>
      %add3A_480 = arith.addf %get3A_475, %get3A_479 : vector<16xf32>
      %swap3A_481 = arith.index_cast %scan3A_120 : i32 to index
      %swap3A_482 = arith.constant 400 : index
      %swap3A_483 = tpu.vector_load %arg7[%swap3A_481, %swap3A_482] {strides = array<i32>} : memref<64x768xf32, #tpu.memory_space<vmem>>, vector<1x16xf32>,
      %swap3A_484 = vector.shape_cast %swap3A_483 : vector<1x16xf32> to vector<16xf32>
      %swap3A_485 = vector.shape_cast %add3A_480 : vector<16xf32> to vector<1x16xf32>
      tpu.vector_store %arg7[%swap3A_481, %swap3A_482], %swap3A_485 {strides = array<i32>} : memref<64x768xf32, #tpu.memory_space<vmem>>, vector<1x16xf32>,
      %get3A_486 = arith.index_cast %scan3A_120 : i32 to index
      %get3A_487 = arith.constant 416 : index
      %get3A_488 = tpu.vector_load %arg7[%get3A_486, %get3A_487] {strides = array<i32>} : memref<64x768xf32, #tpu.memory_space<vmem>>, vector<1x16xf32>,
      %get3A_489 = vector.shape_cast %get3A_488 : vector<1x16xf32> to vector<16xf32>
      %get3A_490 = arith.index_cast %scan3A_120 : i32 to index
      %get3A_491 = arith.constant 416 : index
      %get3A_492 = tpu.vector_load %arg8[%get3A_490, %get3A_491] {strides = array<i32>} : memref<64x768xf32, #tpu.memory_space<vmem>>, vector<1x16xf32>,
      %get3A_493 = vector.shape_cast %get3A_492 : vector<1x16xf32> to vector<16xf32>
      %add3A_494 = arith.addf %get3A_489, %get3A_493 : vector<16xf32>
      %swap3A_495 = arith.index_cast %scan3A_120 : i32 to index
      %swap3A_496 = arith.constant 416 : index
      %swap3A_497 = tpu.vector_load %arg7[%swap3A_495, %swap3A_496] {strides = array<i32>} : memref<64x768xf32, #tpu.memory_space<vmem>>, vector<1x16xf32>,
      %swap3A_498 = vector.shape_cast %swap3A_497 : vector<1x16xf32> to vector<16xf32>
      %swap3A_499 = vector.shape_cast %add3A_494 : vector<16xf32> to vector<1x16xf32>
      tpu.vector_store %arg7[%swap3A_495, %swap3A_496], %swap3A_499 {strides = array<i32>} : memref<64x768xf32, #tpu.memory_space<vmem>>, vector<1x16xf32>,
      %get3A_500 = arith.index_cast %scan3A_120 : i32 to index
      %get3A_501 = arith.constant 432 : index
      %get3A_502 = tpu.vector_load %arg7[%get3A_500, %get3A_501] {strides = array<i32>} : memref<64x768xf32, #tpu.memory_space<vmem>>, vector<1x16xf32>,
      %get3A_503 = vector.shape_cast %get3A_502 : vector<1x16xf32> to vector<16xf32>
      %get3A_504 = arith.index_cast %scan3A_120 : i32 to index
      %get3A_505 = arith.constant 432 : index
      %get3A_506 = tpu.vector_load %arg8[%get3A_504, %get3A_505] {strides = array<i32>} : memref<64x768xf32, #tpu.memory_space<vmem>>, vector<1x16xf32>,
      %get3A_507 = vector.shape_cast %get3A_506 : vector<1x16xf32> to vector<16xf32>
      %add3A_508 = arith.addf %get3A_503, %get3A_507 : vector<16xf32>
      %swap3A_509 = arith.index_cast %scan3A_120 : i32 to index
      %swap3A_510 = arith.constant 432 : index
      %swap3A_511 = tpu.vector_load %arg7[%swap3A_509, %swap3A_510] {strides = array<i32>} : memref<64x768xf32, #tpu.memory_space<vmem>>, vector<1x16xf32>,
      %swap3A_512 = vector.shape_cast %swap3A_511 : vector<1x16xf32> to vector<16xf32>
      %swap3A_513 = vector.shape_cast %add3A_508 : vector<16xf32> to vector<1x16xf32>
      tpu.vector_store %arg7[%swap3A_509, %swap3A_510], %swap3A_513 {strides = array<i32>} : memref<64x768xf32, #tpu.memory_space<vmem>>, vector<1x16xf32>,
      %get3A_514 = arith.index_cast %scan3A_120 : i32 to index
      %get3A_515 = arith.constant 448 : index
      %get3A_516 = tpu.vector_load %arg7[%get3A_514, %get3A_515] {strides = array<i32>} : memref<64x768xf32, #tpu.memory_space<vmem>>, vector<1x16xf32>,
      %get3A_517 = vector.shape_cast %get3A_516 : vector<1x16xf32> to vector<16xf32>
      %get3A_518 = arith.index_cast %scan3A_120 : i32 to index
      %get3A_519 = arith.constant 448 : index
      %get3A_520 = tpu.vector_load %arg8[%get3A_518, %get3A_519] {strides = array<i32>} : memref<64x768xf32, #tpu.memory_space<vmem>>, vector<1x16xf32>,
      %get3A_521 = vector.shape_cast %get3A_520 : vector<1x16xf32> to vector<16xf32>
      %add3A_522 = arith.addf %get3A_517, %get3A_521 : vector<16xf32>
      %swap3A_523 = arith.index_cast %scan3A_120 : i32 to index
      %swap3A_524 = arith.constant 448 : index
      %swap3A_525 = tpu.vector_load %arg7[%swap3A_523, %swap3A_524] {strides = array<i32>} : memref<64x768xf32, #tpu.memory_space<vmem>>, vector<1x16xf32>,
      %swap3A_526 = vector.shape_cast %swap3A_525 : vector<1x16xf32> to vector<16xf32>
      %swap3A_527 = vector.shape_cast %add3A_522 : vector<16xf32> to vector<1x16xf32>
      tpu.vector_store %arg7[%swap3A_523, %swap3A_524], %swap3A_527 {strides = array<i32>} : memref<64x768xf32, #tpu.memory_space<vmem>>, vector<1x16xf32>,
      %get3A_528 = arith.index_cast %scan3A_120 : i32 to index
      %get3A_529 = arith.constant 464 : index
      %get3A_530 = tpu.vector_load %arg7[%get3A_528, %get3A_529] {strides = array<i32>} : memref<64x768xf32, #tpu.memory_space<vmem>>, vector<1x16xf32>,
      %get3A_531 = vector.shape_cast %get3A_530 : vector<1x16xf32> to vector<16xf32>
      %get3A_532 = arith.index_cast %scan3A_120 : i32 to index
      %get3A_533 = arith.constant 464 : index
      %get3A_534 = tpu.vector_load %arg8[%get3A_532, %get3A_533] {strides = array<i32>} : memref<64x768xf32, #tpu.memory_space<vmem>>, vector<1x16xf32>,
      %get3A_535 = vector.shape_cast %get3A_534 : vector<1x16xf32> to vector<16xf32>
      %add3A_536 = arith.addf %get3A_531, %get3A_535 : vector<16xf32>
      %swap3A_537 = arith.index_cast %scan3A_120 : i32 to index
      %swap3A_538 = arith.constant 464 : index
      %swap3A_539 = tpu.vector_load %arg7[%swap3A_537, %swap3A_538] {strides = array<i32>} : memref<64x768xf32, #tpu.memory_space<vmem>>, vector<1x16xf32>,
      %swap3A_540 = vector.shape_cast %swap3A_539 : vector<1x16xf32> to vector<16xf32>
      %swap3A_541 = vector.shape_cast %add3A_536 : vector<16xf32> to vector<1x16xf32>
      tpu.vector_store %arg7[%swap3A_537, %swap3A_538], %swap3A_541 {strides = array<i32>} : memref<64x768xf32, #tpu.memory_space<vmem>>, vector<1x16xf32>,
      %get3A_542 = arith.index_cast %scan3A_120 : i32 to index
      %get3A_543 = arith.constant 480 : index
      %get3A_544 = tpu.vector_load %arg7[%get3A_542, %get3A_543] {strides = array<i32>} : memref<64x768xf32, #tpu.memory_space<vmem>>, vector<1x16xf32>,
      %get3A_545 = vector.shape_cast %get3A_544 : vector<1x16xf32> to vector<16xf32>
      %get3A_546 = arith.index_cast %scan3A_120 : i32 to index
      %get3A_547 = arith.constant 480 : index
      %get3A_548 = tpu.vector_load %arg8[%get3A_546, %get3A_547] {strides = array<i32>} : memref<64x768xf32, #tpu.memory_space<vmem>>, vector<1x16xf32>,
      %get3A_549 = vector.shape_cast %get3A_548 : vector<1x16xf32> to vector<16xf32>
      %add3A_550 = arith.addf %get3A_545, %get3A_549 : vector<16xf32>
      %swap3A_551 = arith.index_cast %scan3A_120 : i32 to index
      %swap3A_552 = arith.constant 480 : index
      %swap3A_553 = tpu.vector_load %arg7[%swap3A_551, %swap3A_552] {strides = array<i32>} : memref<64x768xf32, #tpu.memory_space<vmem>>, vector<1x16xf32>,
      %swap3A_554 = vector.shape_cast %swap3A_553 : vector<1x16xf32> to vector<16xf32>
      %swap3A_555 = vector.shape_cast %add3A_550 : vector<16xf32> to vector<1x16xf32>
      tpu.vector_store %arg7[%swap3A_551, %swap3A_552], %swap3A_555 {strides = array<i32>} : memref<64x768xf32, #tpu.memory_space<vmem>>, vector<1x16xf32>,
      %get3A_556 = arith.index_cast %scan3A_120 : i32 to index
      %get3A_557 = arith.constant 496 : index
      %get3A_558 = tpu.vector_load %arg7[%get3A_556, %get3A_557] {strides = array<i32>} : memref<64x768xf32, #tpu.memory_space<vmem>>, vector<1x16xf32>,
      %get3A_559 = vector.shape_cast %get3A_558 : vector<1x16xf32> to vector<16xf32>
      %get3A_560 = arith.index_cast %scan3A_120 : i32 to index
      %get3A_561 = arith.constant 496 : index
      %get3A_562 = tpu.vector_load %arg8[%get3A_560, %get3A_561] {strides = array<i32>} : memref<64x768xf32, #tpu.memory_space<vmem>>, vector<1x16xf32>,
      %get3A_563 = vector.shape_cast %get3A_562 : vector<1x16xf32> to vector<16xf32>
      %add3A_564 = arith.addf %get3A_559, %get3A_563 : vector<16xf32>
      %swap3A_565 = arith.index_cast %scan3A_120 : i32 to index
      %swap3A_566 = arith.constant 496 : index
      %swap3A_567 = tpu.vector_load %arg7[%swap3A_565, %swap3A_566] {strides = array<i32>} : memref<64x768xf32, #tpu.memory_space<vmem>>, vector<1x16xf32>,
      %swap3A_568 = vector.shape_cast %swap3A_567 : vector<1x16xf32> to vector<16xf32>
      %swap3A_569 = vector.shape_cast %add3A_564 : vector<16xf32> to vector<1x16xf32>
      tpu.vector_store %arg7[%swap3A_565, %swap3A_566], %swap3A_569 {strides = array<i32>} : memref<64x768xf32, #tpu.memory_space<vmem>>, vector<1x16xf32>,
      %get3A_570 = arith.index_cast %scan3A_120 : i32 to index
      %get3A_571 = arith.constant 512 : index
      %get3A_572 = tpu.vector_load %arg7[%get3A_570, %get3A_571] {strides = array<i32>} : memref<64x768xf32, #tpu.memory_space<vmem>>, vector<1x16xf32>,
      %get3A_573 = vector.shape_cast %get3A_572 : vector<1x16xf32> to vector<16xf32>
      %get3A_574 = arith.index_cast %scan3A_120 : i32 to index
      %get3A_575 = arith.constant 512 : index
      %get3A_576 = tpu.vector_load %arg8[%get3A_574, %get3A_575] {strides = array<i32>} : memref<64x768xf32, #tpu.memory_space<vmem>>, vector<1x16xf32>,
      %get3A_577 = vector.shape_cast %get3A_576 : vector<1x16xf32> to vector<16xf32>
      %add3A_578 = arith.addf %get3A_573, %get3A_577 : vector<16xf32>
      %swap3A_579 = arith.index_cast %scan3A_120 : i32 to index
      %swap3A_580 = arith.constant 512 : index
      %swap3A_581 = tpu.vector_load %arg7[%swap3A_579, %swap3A_580] {strides = array<i32>} : memref<64x768xf32, #tpu.memory_space<vmem>>, vector<1x16xf32>,
      %swap3A_582 = vector.shape_cast %swap3A_581 : vector<1x16xf32> to vector<16xf32>
      %swap3A_583 = vector.shape_cast %add3A_578 : vector<16xf32> to vector<1x16xf32>
      tpu.vector_store %arg7[%swap3A_579, %swap3A_580], %swap3A_583 {strides = array<i32>} : memref<64x768xf32, #tpu.memory_space<vmem>>, vector<1x16xf32>,
      %get3A_584 = arith.index_cast %scan3A_120 : i32 to index
      %get3A_585 = arith.constant 528 : index
      %get3A_586 = tpu.vector_load %arg7[%get3A_584, %get3A_585] {strides = array<i32>} : memref<64x768xf32, #tpu.memory_space<vmem>>, vector<1x16xf32>,
      %get3A_587 = vector.shape_cast %get3A_586 : vector<1x16xf32> to vector<16xf32>
      %get3A_588 = arith.index_cast %scan3A_120 : i32 to index
      %get3A_589 = arith.constant 528 : index
      %get3A_590 = tpu.vector_load %arg8[%get3A_588, %get3A_589] {strides = array<i32>} : memref<64x768xf32, #tpu.memory_space<vmem>>, vector<1x16xf32>,
      %get3A_591 = vector.shape_cast %get3A_590 : vector<1x16xf32> to vector<16xf32>
      %add3A_592 = arith.addf %get3A_587, %get3A_591 : vector<16xf32>
      %swap3A_593 = arith.index_cast %scan3A_120 : i32 to index
      %swap3A_594 = arith.constant 528 : index
      %swap3A_595 = tpu.vector_load %arg7[%swap3A_593, %swap3A_594] {strides = array<i32>} : memref<64x768xf32, #tpu.memory_space<vmem>>, vector<1x16xf32>,
      %swap3A_596 = vector.shape_cast %swap3A_595 : vector<1x16xf32> to vector<16xf32>
      %swap3A_597 = vector.shape_cast %add3A_592 : vector<16xf32> to vector<1x16xf32>
      tpu.vector_store %arg7[%swap3A_593, %swap3A_594], %swap3A_597 {strides = array<i32>} : memref<64x768xf32, #tpu.memory_space<vmem>>, vector<1x16xf32>,
      %get3A_598 = arith.index_cast %scan3A_120 : i32 to index
      %get3A_599 = arith.constant 544 : index
      %get3A_600 = tpu.vector_load %arg7[%get3A_598, %get3A_599] {strides = array<i32>} : memref<64x768xf32, #tpu.memory_space<vmem>>, vector<1x16xf32>,
      %get3A_601 = vector.shape_cast %get3A_600 : vector<1x16xf32> to vector<16xf32>
      %get3A_602 = arith.index_cast %scan3A_120 : i32 to index
      %get3A_603 = arith.constant 544 : index
      %get3A_604 = tpu.vector_load %arg8[%get3A_602, %get3A_603] {strides = array<i32>} : memref<64x768xf32, #tpu.memory_space<vmem>>, vector<1x16xf32>,
      %get3A_605 = vector.shape_cast %get3A_604 : vector<1x16xf32> to vector<16xf32>
      %add3A_606 = arith.addf %get3A_601, %get3A_605 : vector<16xf32>
      %swap3A_607 = arith.index_cast %scan3A_120 : i32 to index
      %swap3A_608 = arith.constant 544 : index
      %swap3A_609 = tpu.vector_load %arg7[%swap3A_607, %swap3A_608] {strides = array<i32>} : memref<64x768xf32, #tpu.memory_space<vmem>>, vector<1x16xf32>,
      %swap3A_610 = vector.shape_cast %swap3A_609 : vector<1x16xf32> to vector<16xf32>
      %swap3A_611 = vector.shape_cast %add3A_606 : vector<16xf32> to vector<1x16xf32>
      tpu.vector_store %arg7[%swap3A_607, %swap3A_608], %swap3A_611 {strides = array<i32>} : memref<64x768xf32, #tpu.memory_space<vmem>>, vector<1x16xf32>,
      %get3A_612 = arith.index_cast %scan3A_120 : i32 to index
      %get3A_613 = arith.constant 560 : index
      %get3A_614 = tpu.vector_load %arg7[%get3A_612, %get3A_613] {strides = array<i32>} : memref<64x768xf32, #tpu.memory_space<vmem>>, vector<1x16xf32>,
      %get3A_615 = vector.shape_cast %get3A_614 : vector<1x16xf32> to vector<16xf32>
      %get3A_616 = arith.index_cast %scan3A_120 : i32 to index
      %get3A_617 = arith.constant 560 : index
      %get3A_618 = tpu.vector_load %arg8[%get3A_616, %get3A_617] {strides = array<i32>} : memref<64x768xf32, #tpu.memory_space<vmem>>, vector<1x16xf32>,
      %get3A_619 = vector.shape_cast %get3A_618 : vector<1x16xf32> to vector<16xf32>
      %add3A_620 = arith.addf %get3A_615, %get3A_619 : vector<16xf32>
      %swap3A_621 = arith.index_cast %scan3A_120 : i32 to index
      %swap3A_622 = arith.constant 560 : index
      %swap3A_623 = tpu.vector_load %arg7[%swap3A_621, %swap3A_622] {strides = array<i32>} : memref<64x768xf32, #tpu.memory_space<vmem>>, vector<1x16xf32>,
      %swap3A_624 = vector.shape_cast %swap3A_623 : vector<1x16xf32> to vector<16xf32>
      %swap3A_625 = vector.shape_cast %add3A_620 : vector<16xf32> to vector<1x16xf32>
      tpu.vector_store %arg7[%swap3A_621, %swap3A_622], %swap3A_625 {strides = array<i32>} : memref<64x768xf32, #tpu.memory_space<vmem>>, vector<1x16xf32>,
      %get3A_626 = arith.index_cast %scan3A_120 : i32 to index
      %get3A_627 = arith.constant 576 : index
      %get3A_628 = tpu.vector_load %arg7[%get3A_626, %get3A_627] {strides = array<i32>} : memref<64x768xf32, #tpu.memory_space<vmem>>, vector<1x16xf32>,
      %get3A_629 = vector.shape_cast %get3A_628 : vector<1x16xf32> to vector<16xf32>
      %get3A_630 = arith.index_cast %scan3A_120 : i32 to index
      %get3A_631 = arith.constant 576 : index
      %get3A_632 = tpu.vector_load %arg8[%get3A_630, %get3A_631] {strides = array<i32>} : memref<64x768xf32, #tpu.memory_space<vmem>>, vector<1x16xf32>,
      %get3A_633 = vector.shape_cast %get3A_632 : vector<1x16xf32> to vector<16xf32>
      %add3A_634 = arith.addf %get3A_629, %get3A_633 : vector<16xf32>
      %swap3A_635 = arith.index_cast %scan3A_120 : i32 to index
      %swap3A_636 = arith.constant 576 : index
      %swap3A_637 = tpu.vector_load %arg7[%swap3A_635, %swap3A_636] {strides = array<i32>} : memref<64x768xf32, #tpu.memory_space<vmem>>, vector<1x16xf32>,
      %swap3A_638 = vector.shape_cast %swap3A_637 : vector<1x16xf32> to vector<16xf32>
      %swap3A_639 = vector.shape_cast %add3A_634 : vector<16xf32> to vector<1x16xf32>
      tpu.vector_store %arg7[%swap3A_635, %swap3A_636], %swap3A_639 {strides = array<i32>} : memref<64x768xf32, #tpu.memory_space<vmem>>, vector<1x16xf32>,
      %get3A_640 = arith.index_cast %scan3A_120 : i32 to index
      %get3A_641 = arith.constant 592 : index
      %get3A_642 = tpu.vector_load %arg7[%get3A_640, %get3A_641] {strides = array<i32>} : memref<64x768xf32, #tpu.memory_space<vmem>>, vector<1x16xf32>,
      %get3A_643 = vector.shape_cast %get3A_642 : vector<1x16xf32> to vector<16xf32>
      %get3A_644 = arith.index_cast %scan3A_120 : i32 to index
      %get3A_645 = arith.constant 592 : index
      %get3A_646 = tpu.vector_load %arg8[%get3A_644, %get3A_645] {strides = array<i32>} : memref<64x768xf32, #tpu.memory_space<vmem>>, vector<1x16xf32>,
      %get3A_647 = vector.shape_cast %get3A_646 : vector<1x16xf32> to vector<16xf32>
      %add3A_648 = arith.addf %get3A_643, %get3A_647 : vector<16xf32>
      %swap3A_649 = arith.index_cast %scan3A_120 : i32 to index
      %swap3A_650 = arith.constant 592 : index
      %swap3A_651 = tpu.vector_load %arg7[%swap3A_649, %swap3A_650] {strides = array<i32>} : memref<64x768xf32, #tpu.memory_space<vmem>>, vector<1x16xf32>,
      %swap3A_652 = vector.shape_cast %swap3A_651 : vector<1x16xf32> to vector<16xf32>
      %swap3A_653 = vector.shape_cast %add3A_648 : vector<16xf32> to vector<1x16xf32>
      tpu.vector_store %arg7[%swap3A_649, %swap3A_650], %swap3A_653 {strides = array<i32>} : memref<64x768xf32, #tpu.memory_space<vmem>>, vector<1x16xf32>,
      %get3A_654 = arith.index_cast %scan3A_120 : i32 to index
      %get3A_655 = arith.constant 608 : index
      %get3A_656 = tpu.vector_load %arg7[%get3A_654, %get3A_655] {strides = array<i32>} : memref<64x768xf32, #tpu.memory_space<vmem>>, vector<1x16xf32>,
      %get3A_657 = vector.shape_cast %get3A_656 : vector<1x16xf32> to vector<16xf32>
      %get3A_658 = arith.index_cast %scan3A_120 : i32 to index
      %get3A_659 = arith.constant 608 : index
      %get3A_660 = tpu.vector_load %arg8[%get3A_658, %get3A_659] {strides = array<i32>} : memref<64x768xf32, #tpu.memory_space<vmem>>, vector<1x16xf32>,
      %get3A_661 = vector.shape_cast %get3A_660 : vector<1x16xf32> to vector<16xf32>
      %add3A_662 = arith.addf %get3A_657, %get3A_661 : vector<16xf32>
      %swap3A_663 = arith.index_cast %scan3A_120 : i32 to index
      %swap3A_664 = arith.constant 608 : index
      %swap3A_665 = tpu.vector_load %arg7[%swap3A_663, %swap3A_664] {strides = array<i32>} : memref<64x768xf32, #tpu.memory_space<vmem>>, vector<1x16xf32>,
      %swap3A_666 = vector.shape_cast %swap3A_665 : vector<1x16xf32> to vector<16xf32>
      %swap3A_667 = vector.shape_cast %add3A_662 : vector<16xf32> to vector<1x16xf32>
      tpu.vector_store %arg7[%swap3A_663, %swap3A_664], %swap3A_667 {strides = array<i32>} : memref<64x768xf32, #tpu.memory_space<vmem>>, vector<1x16xf32>,
      %get3A_668 = arith.index_cast %scan3A_120 : i32 to index
      %get3A_669 = arith.constant 624 : index
      %get3A_670 = tpu.vector_load %arg7[%get3A_668, %get3A_669] {strides = array<i32>} : memref<64x768xf32, #tpu.memory_space<vmem>>, vector<1x16xf32>,
      %get3A_671 = vector.shape_cast %get3A_670 : vector<1x16xf32> to vector<16xf32>
      %get3A_672 = arith.index_cast %scan3A_120 : i32 to index
      %get3A_673 = arith.constant 624 : index
      %get3A_674 = tpu.vector_load %arg8[%get3A_672, %get3A_673] {strides = array<i32>} : memref<64x768xf32, #tpu.memory_space<vmem>>, vector<1x16xf32>,
      %get3A_675 = vector.shape_cast %get3A_674 : vector<1x16xf32> to vector<16xf32>
      %add3A_676 = arith.addf %get3A_671, %get3A_675 : vector<16xf32>
      %swap3A_677 = arith.index_cast %scan3A_120 : i32 to index
      %swap3A_678 = arith.constant 624 : index
      %swap3A_679 = tpu.vector_load %arg7[%swap3A_677, %swap3A_678] {strides = array<i32>} : memref<64x768xf32, #tpu.memory_space<vmem>>, vector<1x16xf32>,
      %swap3A_680 = vector.shape_cast %swap3A_679 : vector<1x16xf32> to vector<16xf32>
      %swap3A_681 = vector.shape_cast %add3A_676 : vector<16xf32> to vector<1x16xf32>
      tpu.vector_store %arg7[%swap3A_677, %swap3A_678], %swap3A_681 {strides = array<i32>} : memref<64x768xf32, #tpu.memory_space<vmem>>, vector<1x16xf32>,
      %get3A_682 = arith.index_cast %scan3A_120 : i32 to index
      %get3A_683 = arith.constant 640 : index
      %get3A_684 = tpu.vector_load %arg7[%get3A_682, %get3A_683] {strides = array<i32>} : memref<64x768xf32, #tpu.memory_space<vmem>>, vector<1x16xf32>,
      %get3A_685 = vector.shape_cast %get3A_684 : vector<1x16xf32> to vector<16xf32>
      %get3A_686 = arith.index_cast %scan3A_120 : i32 to index
      %get3A_687 = arith.constant 640 : index
      %get3A_688 = tpu.vector_load %arg8[%get3A_686, %get3A_687] {strides = array<i32>} : memref<64x768xf32, #tpu.memory_space<vmem>>, vector<1x16xf32>,
      %get3A_689 = vector.shape_cast %get3A_688 : vector<1x16xf32> to vector<16xf32>
      %add3A_690 = arith.addf %get3A_685, %get3A_689 : vector<16xf32>
      %swap3A_691 = arith.index_cast %scan3A_120 : i32 to index
      %swap3A_692 = arith.constant 640 : index
      %swap3A_693 = tpu.vector_load %arg7[%swap3A_691, %swap3A_692] {strides = array<i32>} : memref<64x768xf32, #tpu.memory_space<vmem>>, vector<1x16xf32>,
      %swap3A_694 = vector.shape_cast %swap3A_693 : vector<1x16xf32> to vector<16xf32>
      %swap3A_695 = vector.shape_cast %add3A_690 : vector<16xf32> to vector<1x16xf32>
      tpu.vector_store %arg7[%swap3A_691, %swap3A_692], %swap3A_695 {strides = array<i32>} : memref<64x768xf32, #tpu.memory_space<vmem>>, vector<1x16xf32>,
      %get3A_696 = arith.index_cast %scan3A_120 : i32 to index
      %get3A_697 = arith.constant 656 : index
      %get3A_698 = tpu.vector_load %arg7[%get3A_696, %get3A_697] {strides = array<i32>} : memref<64x768xf32, #tpu.memory_space<vmem>>, vector<1x16xf32>,
      %get3A_699 = vector.shape_cast %get3A_698 : vector<1x16xf32> to vector<16xf32>
      %get3A_700 = arith.index_cast %scan3A_120 : i32 to index
      %get3A_701 = arith.constant 656 : index
      %get3A_702 = tpu.vector_load %arg8[%get3A_700, %get3A_701] {strides = array<i32>} : memref<64x768xf32, #tpu.memory_space<vmem>>, vector<1x16xf32>,
      %get3A_703 = vector.shape_cast %get3A_702 : vector<1x16xf32> to vector<16xf32>
      %add3A_704 = arith.addf %get3A_699, %get3A_703 : vector<16xf32>
      %swap3A_705 = arith.index_cast %scan3A_120 : i32 to index
      %swap3A_706 = arith.constant 656 : index
      %swap3A_707 = tpu.vector_load %arg7[%swap3A_705, %swap3A_706] {strides = array<i32>} : memref<64x768xf32, #tpu.memory_space<vmem>>, vector<1x16xf32>,
      %swap3A_708 = vector.shape_cast %swap3A_707 : vector<1x16xf32> to vector<16xf32>
      %swap3A_709 = vector.shape_cast %add3A_704 : vector<16xf32> to vector<1x16xf32>
      tpu.vector_store %arg7[%swap3A_705, %swap3A_706], %swap3A_709 {strides = array<i32>} : memref<64x768xf32, #tpu.memory_space<vmem>>, vector<1x16xf32>,
      %get3A_710 = arith.index_cast %scan3A_120 : i32 to index
      %get3A_711 = arith.constant 672 : index
      %get3A_712 = tpu.vector_load %arg7[%get3A_710, %get3A_711] {strides = array<i32>} : memref<64x768xf32, #tpu.memory_space<vmem>>, vector<1x16xf32>,
      %get3A_713 = vector.shape_cast %get3A_712 : vector<1x16xf32> to vector<16xf32>
      %get3A_714 = arith.index_cast %scan3A_120 : i32 to index
      %get3A_715 = arith.constant 672 : index
      %get3A_716 = tpu.vector_load %arg8[%get3A_714, %get3A_715] {strides = array<i32>} : memref<64x768xf32, #tpu.memory_space<vmem>>, vector<1x16xf32>,
      %get3A_717 = vector.shape_cast %get3A_716 : vector<1x16xf32> to vector<16xf32>
      %add3A_718 = arith.addf %get3A_713, %get3A_717 : vector<16xf32>
      %swap3A_719 = arith.index_cast %scan3A_120 : i32 to index
      %swap3A_720 = arith.constant 672 : index
      %swap3A_721 = tpu.vector_load %arg7[%swap3A_719, %swap3A_720] {strides = array<i32>} : memref<64x768xf32, #tpu.memory_space<vmem>>, vector<1x16xf32>,
      %swap3A_722 = vector.shape_cast %swap3A_721 : vector<1x16xf32> to vector<16xf32>
      %swap3A_723 = vector.shape_cast %add3A_718 : vector<16xf32> to vector<1x16xf32>
      tpu.vector_store %arg7[%swap3A_719, %swap3A_720], %swap3A_723 {strides = array<i32>} : memref<64x768xf32, #tpu.memory_space<vmem>>, vector<1x16xf32>,
      %get3A_724 = arith.index_cast %scan3A_120 : i32 to index
      %get3A_725 = arith.constant 688 : index
      %get3A_726 = tpu.vector_load %arg7[%get3A_724, %get3A_725] {strides = array<i32>} : memref<64x768xf32, #tpu.memory_space<vmem>>, vector<1x16xf32>,
      %get3A_727 = vector.shape_cast %get3A_726 : vector<1x16xf32> to vector<16xf32>
      %get3A_728 = arith.index_cast %scan3A_120 : i32 to index
      %get3A_729 = arith.constant 688 : index
      %get3A_730 = tpu.vector_load %arg8[%get3A_728, %get3A_729] {strides = array<i32>} : memref<64x768xf32, #tpu.memory_space<vmem>>, vector<1x16xf32>,
      %get3A_731 = vector.shape_cast %get3A_730 : vector<1x16xf32> to vector<16xf32>
      %add3A_732 = arith.addf %get3A_727, %get3A_731 : vector<16xf32>
      %swap3A_733 = arith.index_cast %scan3A_120 : i32 to index
      %swap3A_734 = arith.constant 688 : index
      %swap3A_735 = tpu.vector_load %arg7[%swap3A_733, %swap3A_734] {strides = array<i32>} : memref<64x768xf32, #tpu.memory_space<vmem>>, vector<1x16xf32>,
      %swap3A_736 = vector.shape_cast %swap3A_735 : vector<1x16xf32> to vector<16xf32>
      %swap3A_737 = vector.shape_cast %add3A_732 : vector<16xf32> to vector<1x16xf32>
      tpu.vector_store %arg7[%swap3A_733, %swap3A_734], %swap3A_737 {strides = array<i32>} : memref<64x768xf32, #tpu.memory_space<vmem>>, vector<1x16xf32>,
      %get3A_738 = arith.index_cast %scan3A_120 : i32 to index
      %get3A_739 = arith.constant 704 : index
      %get3A_740 = tpu.vector_load %arg7[%get3A_738, %get3A_739] {strides = array<i32>} : memref<64x768xf32, #tpu.memory_space<vmem>>, vector<1x16xf32>,
      %get3A_741 = vector.shape_cast %get3A_740 : vector<1x16xf32> to vector<16xf32>
      %get3A_742 = arith.index_cast %scan3A_120 : i32 to index
      %get3A_743 = arith.constant 704 : index
      %get3A_744 = tpu.vector_load %arg8[%get3A_742, %get3A_743] {strides = array<i32>} : memref<64x768xf32, #tpu.memory_space<vmem>>, vector<1x16xf32>,
      %get3A_745 = vector.shape_cast %get3A_744 : vector<1x16xf32> to vector<16xf32>
      %add3A_746 = arith.addf %get3A_741, %get3A_745 : vector<16xf32>
      %swap3A_747 = arith.index_cast %scan3A_120 : i32 to index
      %swap3A_748 = arith.constant 704 : index
      %swap3A_749 = tpu.vector_load %arg7[%swap3A_747, %swap3A_748] {strides = array<i32>} : memref<64x768xf32, #tpu.memory_space<vmem>>, vector<1x16xf32>,
      %swap3A_750 = vector.shape_cast %swap3A_749 : vector<1x16xf32> to vector<16xf32>
      %swap3A_751 = vector.shape_cast %add3A_746 : vector<16xf32> to vector<1x16xf32>
      tpu.vector_store %arg7[%swap3A_747, %swap3A_748], %swap3A_751 {strides = array<i32>} : memref<64x768xf32, #tpu.memory_space<vmem>>, vector<1x16xf32>,
      %get3A_752 = arith.index_cast %scan3A_120 : i32 to index
      %get3A_753 = arith.constant 720 : index
      %get3A_754 = tpu.vector_load %arg7[%get3A_752, %get3A_753] {strides = array<i32>} : memref<64x768xf32, #tpu.memory_space<vmem>>, vector<1x16xf32>,
      %get3A_755 = vector.shape_cast %get3A_754 : vector<1x16xf32> to vector<16xf32>
      %get3A_756 = arith.index_cast %scan3A_120 : i32 to index
      %get3A_757 = arith.constant 720 : index
      %get3A_758 = tpu.vector_load %arg8[%get3A_756, %get3A_757] {strides = array<i32>} : memref<64x768xf32, #tpu.memory_space<vmem>>, vector<1x16xf32>,
      %get3A_759 = vector.shape_cast %get3A_758 : vector<1x16xf32> to vector<16xf32>
      %add3A_760 = arith.addf %get3A_755, %get3A_759 : vector<16xf32>
      %swap3A_761 = arith.index_cast %scan3A_120 : i32 to index
      %swap3A_762 = arith.constant 720 : index
      %swap3A_763 = tpu.vector_load %arg7[%swap3A_761, %swap3A_762] {strides = array<i32>} : memref<64x768xf32, #tpu.memory_space<vmem>>, vector<1x16xf32>,
      %swap3A_764 = vector.shape_cast %swap3A_763 : vector<1x16xf32> to vector<16xf32>
      %swap3A_765 = vector.shape_cast %add3A_760 : vector<16xf32> to vector<1x16xf32>
      tpu.vector_store %arg7[%swap3A_761, %swap3A_762], %swap3A_765 {strides = array<i32>} : memref<64x768xf32, #tpu.memory_space<vmem>>, vector<1x16xf32>,
      %get3A_766 = arith.index_cast %scan3A_120 : i32 to index
      %get3A_767 = arith.constant 736 : index
      %get3A_768 = tpu.vector_load %arg7[%get3A_766, %get3A_767] {strides = array<i32>} : memref<64x768xf32, #tpu.memory_space<vmem>>, vector<1x16xf32>,
      %get3A_769 = vector.shape_cast %get3A_768 : vector<1x16xf32> to vector<16xf32>
      %get3A_770 = arith.index_cast %scan3A_120 : i32 to index
      %get3A_771 = arith.constant 736 : index
      %get3A_772 = tpu.vector_load %arg8[%get3A_770, %get3A_771] {strides = array<i32>} : memref<64x768xf32, #tpu.memory_space<vmem>>, vector<1x16xf32>,
      %get3A_773 = vector.shape_cast %get3A_772 : vector<1x16xf32> to vector<16xf32>
      %add3A_774 = arith.addf %get3A_769, %get3A_773 : vector<16xf32>
      %swap3A_775 = arith.index_cast %scan3A_120 : i32 to index
      %swap3A_776 = arith.constant 736 : index
      %swap3A_777 = tpu.vector_load %arg7[%swap3A_775, %swap3A_776] {strides = array<i32>} : memref<64x768xf32, #tpu.memory_space<vmem>>, vector<1x16xf32>,
      %swap3A_778 = vector.shape_cast %swap3A_777 : vector<1x16xf32> to vector<16xf32>
      %swap3A_779 = vector.shape_cast %add3A_774 : vector<16xf32> to vector<1x16xf32>
      tpu.vector_store %arg7[%swap3A_775, %swap3A_776], %swap3A_779 {strides = array<i32>} : memref<64x768xf32, #tpu.memory_space<vmem>>, vector<1x16xf32>,
      %get3A_780 = arith.index_cast %scan3A_120 : i32 to index
      %get3A_781 = arith.constant 752 : index
      %get3A_782 = tpu.vector_load %arg7[%get3A_780, %get3A_781] {strides = array<i32>} : memref<64x768xf32, #tpu.memory_space<vmem>>, vector<1x16xf32>,
      %get3A_783 = vector.shape_cast %get3A_782 : vector<1x16xf32> to vector<16xf32>
      %get3A_784 = arith.index_cast %scan3A_120 : i32 to index
      %get3A_785 = arith.constant 752 : index
      %get3A_786 = tpu.vector_load %arg8[%get3A_784, %get3A_785] {strides = array<i32>} : memref<64x768xf32, #tpu.memory_space<vmem>>, vector<1x16xf32>,
      %get3A_787 = vector.shape_cast %get3A_786 : vector<1x16xf32> to vector<16xf32>
      %add3A_788 = arith.addf %get3A_783, %get3A_787 : vector<16xf32>
      %swap3A_789 = arith.index_cast %scan3A_120 : i32 to index
      %swap3A_790 = arith.constant 752 : index
      %swap3A_791 = tpu.vector_load %arg7[%swap3A_789, %swap3A_790] {strides = array<i32>} : memref<64x768xf32, #tpu.memory_space<vmem>>, vector<1x16xf32>,
      %swap3A_792 = vector.shape_cast %swap3A_791 : vector<1x16xf32> to vector<16xf32>
      %swap3A_793 = vector.shape_cast %add3A_788 : vector<16xf32> to vector<1x16xf32>
      tpu.vector_store %arg7[%swap3A_789, %swap3A_790], %swap3A_793 {strides = array<i32>} : memref<64x768xf32, #tpu.memory_space<vmem>>, vector<1x16xf32>,
      %scan3A_794 = arith.constant 0 : i32
      scf.yield %scan3A_794 : i32
    }
    %scan3A_119 = arith.constant 64 : i32
    "tpu.region"() ({
      %run_scoped3A = tpu.sem_alloc : memref<!tpu.dma_semaphore, #tpu.memory_space<semaphore_mem>>
      %dma_start3A_120 = arith.constant 0 : i32
      %dma_start3A_121 = tpu.memref_slice %arg4[%mul3A_2, %dma_start3A_120] : memref<2048x768xf32, #tpu.memory_space<hbm>> -> memref<64x768xf32, #tpu.memory_space<hbm>>
      %dma_start3A_122 = arith.constant 0 : i32
      %dma_start3A_123 = tpu.memref_slice %arg4[%mul3A_2, %dma_start3A_122] : memref<2048x768xf32, #tpu.memory_space<hbm>> -> memref<64x768xf32, #tpu.memory_space<hbm>>
      tpu.enqueue_dma source(%arg7 : memref<64x768xf32, #tpu.memory_space<vmem>>) target(%dma_start3A_123 : memref<64x768xf32, #tpu.memory_space<hbm>>) target_semaphore(%run_scoped3A : memref<!tpu.dma_semaphore, #tpu.memory_space<semaphore_mem>>)
      %dma_wait3A_124 = arith.constant 0 : i32
      %dma_wait3A_125 = tpu.memref_slice %arg4[%mul3A_2, %dma_wait3A_124] : memref<2048x768xf32, #tpu.memory_space<hbm>> -> memref<64x768xf32, #tpu.memory_space<hbm>>
      %dma_wait3A_126 = arith.constant 0 : i32
      %dma_wait3A_127 = tpu.memref_slice %arg4[%mul3A_2, %dma_wait3A_126] : memref<2048x768xf32, #tpu.memory_space<hbm>> -> memref<64x768xf32, #tpu.memory_space<hbm>>
      tpu.wait_dma2 semaphore(%run_scoped3A : memref<!tpu.dma_semaphore, #tpu.memory_space<semaphore_mem>>) src(%arg7 : memref<64x768xf32, #tpu.memory_space<vmem>>) dst(%dma_wait3A_127 : memref<64x768xf32, #tpu.memory_space<hbm>>)
      tpu.yield
    }) : () -> ()
    return
  }
}

#map = affine_map<(d0, d1) -> (0, 0)>
#map1 = affine_map<(d0, d1) -> (0)>
module attributes {stable_mosaic.version = 14 : i64} {
  func.func @scatter_kernel(%arg0: i32, %arg1: i32, %arg2: memref<2048x768xf32, #tpu.memory_space<hbm>>, %arg3: memref<4096xi32, #tpu.memory_space<hbm>>, %arg4: memref<4096x128xf32, #tpu.memory_space<hbm>>, %arg5: memref<7680x768xf32, #tpu.memory_space<hbm>>, %arg6: memref<7680x128xf32, #tpu.memory_space<hbm>>, %arg7: memref<128xi32, #tpu.memory_space<vmem>>, %arg8: memref<128x768xf32, #tpu.memory_space<vmem>>, %arg9: memref<128x128xf32, #tpu.memory_space<vmem>>, %arg10: memref<!tpu.dma_semaphore, #tpu.memory_space<semaphore_mem>>, %arg11: memref<!tpu.dma_semaphore, #tpu.memory_space<semaphore_mem>>) attributes {dimension_semantics = [#tpu.dimension_semantics<core_parallel>, #tpu.dimension_semantics<subcore_parallel>], iteration_bounds = array<i64: 2, 16>, scalar_prefetch = 0 : i64, scratch_operands = 5 : i64, tpu.core_type = #tpu.core_type<sc_vector_subcore>, window_params = [{transform_indices = #map}, {transform_indices = #map1}, {transform_indices = #map}, {transform_indices = #map}, {transform_indices = #map}]} {
    %mul3A = arith.constant 2 : i32
    %mul3A_0 = arith.muli %arg1, %mul3A : i32
    %add3A = arith.addi %mul3A_0, %arg0 : i32
    %mul3A_1 = arith.constant 128 : i32
    %mul3A_2 = arith.muli %add3A, %mul3A_1 : i32
    %rem3A = arith.constant 2048 : i32
    %rem3A_3 = arith.remsi %mul3A_2, %rem3A : i32
    "tpu.region"() ({
      %run_scoped3A = tpu.sem_alloc : memref<!tpu.dma_semaphore, #tpu.memory_space<semaphore_mem>>
      %dma_start3A_113 = tpu.memref_slice %arg3[%mul3A_2] : memref<4096xi32, #tpu.memory_space<hbm>> -> memref<128xi32, #tpu.memory_space<hbm>>
      %dma_start3A_114 = tpu.memref_slice %arg3[%mul3A_2] : memref<4096xi32, #tpu.memory_space<hbm>> -> memref<128xi32, #tpu.memory_space<hbm>>
      tpu.enqueue_dma source(%dma_start3A_114 : memref<128xi32, #tpu.memory_space<hbm>>) target(%arg7 : memref<128xi32, #tpu.memory_space<vmem>>) target_semaphore(%run_scoped3A : memref<!tpu.dma_semaphore, #tpu.memory_space<semaphore_mem>>)
      %dma_wait3A_115 = tpu.memref_slice %arg3[%mul3A_2] : memref<4096xi32, #tpu.memory_space<hbm>> -> memref<128xi32, #tpu.memory_space<hbm>>
      %dma_wait3A_116 = tpu.memref_slice %arg3[%mul3A_2] : memref<4096xi32, #tpu.memory_space<hbm>> -> memref<128xi32, #tpu.memory_space<hbm>>
      tpu.wait_dma2 semaphore(%run_scoped3A : memref<!tpu.dma_semaphore, #tpu.memory_space<semaphore_mem>>) src(%dma_wait3A_116 : memref<128xi32, #tpu.memory_space<hbm>>) dst(%arg7 : memref<128xi32, #tpu.memory_space<vmem>>)
      tpu.yield
    }) : () -> ()
    %get3A = arith.constant 0 : index
    %get3A_4 = tpu.vector_load %arg7[%get3A] {strides = array<i32>} : memref<128xi32, #tpu.memory_space<vmem>>, vector<16xi32>,
    %get3A_5 = vector.shape_cast %get3A_4 : vector<16xi32> to vector<16xi32>
    %jit3A = arith.constant 0 : i32
    %jit3A_6 = arith.constant 7679 : i32
    %max3A = vector.broadcast %jit3A : i32 to vector<16xi32>
    %max3A_7 = arith.maxsi %max3A, %get3A_5 : vector<16xi32>
    %min3A = vector.broadcast %jit3A_6 : i32 to vector<16xi32>
    %min3A_8 = arith.minsi %min3A, %max3A_7 : vector<16xi32>
    %swap3A = arith.constant 0 : index
    %swap3A_9 = tpu.vector_load %arg7[%swap3A] {strides = array<i32>} : memref<128xi32, #tpu.memory_space<vmem>>, vector<16xi32>,
    %swap3A_10 = vector.shape_cast %swap3A_9 : vector<16xi32> to vector<16xi32>
    %swap3A_11 = vector.shape_cast %min3A_8 : vector<16xi32> to vector<16xi32>
    tpu.vector_store %arg7[%swap3A], %swap3A_11 {strides = array<i32>} : memref<128xi32, #tpu.memory_space<vmem>>, vector<16xi32>,
    %get3A_12 = arith.constant 16 : index
    %get3A_13 = tpu.vector_load %arg7[%get3A_12] {strides = array<i32>} : memref<128xi32, #tpu.memory_space<vmem>>, vector<16xi32>,
    %get3A_14 = vector.shape_cast %get3A_13 : vector<16xi32> to vector<16xi32>
    %jit3A_15 = arith.constant 0 : i32
    %jit3A_16 = arith.constant 7679 : i32
    %max3A_17 = vector.broadcast %jit3A_15 : i32 to vector<16xi32>
    %max3A_18 = arith.maxsi %max3A_17, %get3A_14 : vector<16xi32>
    %min3A_19 = vector.broadcast %jit3A_16 : i32 to vector<16xi32>
    %min3A_20 = arith.minsi %min3A_19, %max3A_18 : vector<16xi32>
    %swap3A_21 = arith.constant 16 : index
    %swap3A_22 = tpu.vector_load %arg7[%swap3A_21] {strides = array<i32>} : memref<128xi32, #tpu.memory_space<vmem>>, vector<16xi32>,
    %swap3A_23 = vector.shape_cast %swap3A_22 : vector<16xi32> to vector<16xi32>
    %swap3A_24 = vector.shape_cast %min3A_20 : vector<16xi32> to vector<16xi32>
    tpu.vector_store %arg7[%swap3A_21], %swap3A_24 {strides = array<i32>} : memref<128xi32, #tpu.memory_space<vmem>>, vector<16xi32>,
    %get3A_25 = arith.constant 32 : index
    %get3A_26 = tpu.vector_load %arg7[%get3A_25] {strides = array<i32>} : memref<128xi32, #tpu.memory_space<vmem>>, vector<16xi32>,
    %get3A_27 = vector.shape_cast %get3A_26 : vector<16xi32> to vector<16xi32>
    %jit3A_28 = arith.constant 0 : i32
    %jit3A_29 = arith.constant 7679 : i32
    %max3A_30 = vector.broadcast %jit3A_28 : i32 to vector<16xi32>
    %max3A_31 = arith.maxsi %max3A_30, %get3A_27 : vector<16xi32>
    %min3A_32 = vector.broadcast %jit3A_29 : i32 to vector<16xi32>
    %min3A_33 = arith.minsi %min3A_32, %max3A_31 : vector<16xi32>
    %swap3A_34 = arith.constant 32 : index
    %swap3A_35 = tpu.vector_load %arg7[%swap3A_34] {strides = array<i32>} : memref<128xi32, #tpu.memory_space<vmem>>, vector<16xi32>,
    %swap3A_36 = vector.shape_cast %swap3A_35 : vector<16xi32> to vector<16xi32>
    %swap3A_37 = vector.shape_cast %min3A_33 : vector<16xi32> to vector<16xi32>
    tpu.vector_store %arg7[%swap3A_34], %swap3A_37 {strides = array<i32>} : memref<128xi32, #tpu.memory_space<vmem>>, vector<16xi32>,
    %get3A_38 = arith.constant 48 : index
    %get3A_39 = tpu.vector_load %arg7[%get3A_38] {strides = array<i32>} : memref<128xi32, #tpu.memory_space<vmem>>, vector<16xi32>,
    %get3A_40 = vector.shape_cast %get3A_39 : vector<16xi32> to vector<16xi32>
    %jit3A_41 = arith.constant 0 : i32
    %jit3A_42 = arith.constant 7679 : i32
    %max3A_43 = vector.broadcast %jit3A_41 : i32 to vector<16xi32>
    %max3A_44 = arith.maxsi %max3A_43, %get3A_40 : vector<16xi32>
    %min3A_45 = vector.broadcast %jit3A_42 : i32 to vector<16xi32>
    %min3A_46 = arith.minsi %min3A_45, %max3A_44 : vector<16xi32>
    %swap3A_47 = arith.constant 48 : index
    %swap3A_48 = tpu.vector_load %arg7[%swap3A_47] {strides = array<i32>} : memref<128xi32, #tpu.memory_space<vmem>>, vector<16xi32>,
    %swap3A_49 = vector.shape_cast %swap3A_48 : vector<16xi32> to vector<16xi32>
    %swap3A_50 = vector.shape_cast %min3A_46 : vector<16xi32> to vector<16xi32>
    tpu.vector_store %arg7[%swap3A_47], %swap3A_50 {strides = array<i32>} : memref<128xi32, #tpu.memory_space<vmem>>, vector<16xi32>,
    %get3A_51 = arith.constant 64 : index
    %get3A_52 = tpu.vector_load %arg7[%get3A_51] {strides = array<i32>} : memref<128xi32, #tpu.memory_space<vmem>>, vector<16xi32>,
    %get3A_53 = vector.shape_cast %get3A_52 : vector<16xi32> to vector<16xi32>
    %jit3A_54 = arith.constant 0 : i32
    %jit3A_55 = arith.constant 7679 : i32
    %max3A_56 = vector.broadcast %jit3A_54 : i32 to vector<16xi32>
    %max3A_57 = arith.maxsi %max3A_56, %get3A_53 : vector<16xi32>
    %min3A_58 = vector.broadcast %jit3A_55 : i32 to vector<16xi32>
    %min3A_59 = arith.minsi %min3A_58, %max3A_57 : vector<16xi32>
    %swap3A_60 = arith.constant 64 : index
    %swap3A_61 = tpu.vector_load %arg7[%swap3A_60] {strides = array<i32>} : memref<128xi32, #tpu.memory_space<vmem>>, vector<16xi32>,
    %swap3A_62 = vector.shape_cast %swap3A_61 : vector<16xi32> to vector<16xi32>
    %swap3A_63 = vector.shape_cast %min3A_59 : vector<16xi32> to vector<16xi32>
    tpu.vector_store %arg7[%swap3A_60], %swap3A_63 {strides = array<i32>} : memref<128xi32, #tpu.memory_space<vmem>>, vector<16xi32>,
    %get3A_64 = arith.constant 80 : index
    %get3A_65 = tpu.vector_load %arg7[%get3A_64] {strides = array<i32>} : memref<128xi32, #tpu.memory_space<vmem>>, vector<16xi32>,
    %get3A_66 = vector.shape_cast %get3A_65 : vector<16xi32> to vector<16xi32>
    %jit3A_67 = arith.constant 0 : i32
    %jit3A_68 = arith.constant 7679 : i32
    %max3A_69 = vector.broadcast %jit3A_67 : i32 to vector<16xi32>
    %max3A_70 = arith.maxsi %max3A_69, %get3A_66 : vector<16xi32>
    %min3A_71 = vector.broadcast %jit3A_68 : i32 to vector<16xi32>
    %min3A_72 = arith.minsi %min3A_71, %max3A_70 : vector<16xi32>
    %swap3A_73 = arith.constant 80 : index
    %swap3A_74 = tpu.vector_load %arg7[%swap3A_73] {strides = array<i32>} : memref<128xi32, #tpu.memory_space<vmem>>, vector<16xi32>,
    %swap3A_75 = vector.shape_cast %swap3A_74 : vector<16xi32> to vector<16xi32>
    %swap3A_76 = vector.shape_cast %min3A_72 : vector<16xi32> to vector<16xi32>
    tpu.vector_store %arg7[%swap3A_73], %swap3A_76 {strides = array<i32>} : memref<128xi32, #tpu.memory_space<vmem>>, vector<16xi32>,
    %get3A_77 = arith.constant 96 : index
    %get3A_78 = tpu.vector_load %arg7[%get3A_77] {strides = array<i32>} : memref<128xi32, #tpu.memory_space<vmem>>, vector<16xi32>,
    %get3A_79 = vector.shape_cast %get3A_78 : vector<16xi32> to vector<16xi32>
    %jit3A_80 = arith.constant 0 : i32
    %jit3A_81 = arith.constant 7679 : i32
    %max3A_82 = vector.broadcast %jit3A_80 : i32 to vector<16xi32>
    %max3A_83 = arith.maxsi %max3A_82, %get3A_79 : vector<16xi32>
    %min3A_84 = vector.broadcast %jit3A_81 : i32 to vector<16xi32>
    %min3A_85 = arith.minsi %min3A_84, %max3A_83 : vector<16xi32>
    %swap3A_86 = arith.constant 96 : index
    %swap3A_87 = tpu.vector_load %arg7[%swap3A_86] {strides = array<i32>} : memref<128xi32, #tpu.memory_space<vmem>>, vector<16xi32>,
    %swap3A_88 = vector.shape_cast %swap3A_87 : vector<16xi32> to vector<16xi32>
    %swap3A_89 = vector.shape_cast %min3A_85 : vector<16xi32> to vector<16xi32>
    tpu.vector_store %arg7[%swap3A_86], %swap3A_89 {strides = array<i32>} : memref<128xi32, #tpu.memory_space<vmem>>, vector<16xi32>,
    %get3A_90 = arith.constant 112 : index
    %get3A_91 = tpu.vector_load %arg7[%get3A_90] {strides = array<i32>} : memref<128xi32, #tpu.memory_space<vmem>>, vector<16xi32>,
    %get3A_92 = vector.shape_cast %get3A_91 : vector<16xi32> to vector<16xi32>
    %jit3A_93 = arith.constant 0 : i32
    %jit3A_94 = arith.constant 7679 : i32
    %max3A_95 = vector.broadcast %jit3A_93 : i32 to vector<16xi32>
    %max3A_96 = arith.maxsi %max3A_95, %get3A_92 : vector<16xi32>
    %min3A_97 = vector.broadcast %jit3A_94 : i32 to vector<16xi32>
    %min3A_98 = arith.minsi %min3A_97, %max3A_96 : vector<16xi32>
    %swap3A_99 = arith.constant 112 : index
    %swap3A_100 = tpu.vector_load %arg7[%swap3A_99] {strides = array<i32>} : memref<128xi32, #tpu.memory_space<vmem>>, vector<16xi32>,
    %swap3A_101 = vector.shape_cast %swap3A_100 : vector<16xi32> to vector<16xi32>
    %swap3A_102 = vector.shape_cast %min3A_98 : vector<16xi32> to vector<16xi32>
    tpu.vector_store %arg7[%swap3A_99], %swap3A_102 {strides = array<i32>} : memref<128xi32, #tpu.memory_space<vmem>>, vector<16xi32>,
    "tpu.region"() ({
      %run_scoped3A = tpu.sem_alloc : memref<!tpu.dma_semaphore, #tpu.memory_space<semaphore_mem>>
      %dma_start3A_113 = arith.constant 0 : i32
      %dma_start3A_114 = tpu.memref_slice %arg2[%rem3A_3, %dma_start3A_113] : memref<2048x768xf32, #tpu.memory_space<hbm>> -> memref<128x768xf32, #tpu.memory_space<hbm>>
      %dma_start3A_115 = arith.constant 0 : i32
      %dma_start3A_116 = tpu.memref_slice %arg2[%rem3A_3, %dma_start3A_115] : memref<2048x768xf32, #tpu.memory_space<hbm>> -> memref<128x768xf32, #tpu.memory_space<hbm>>
      tpu.enqueue_dma source(%dma_start3A_116 : memref<128x768xf32, #tpu.memory_space<hbm>>) target(%arg8 : memref<128x768xf32, #tpu.memory_space<vmem>>) target_semaphore(%run_scoped3A : memref<!tpu.dma_semaphore, #tpu.memory_space<semaphore_mem>>)
      %dma_wait3A_117 = arith.constant 0 : i32
      %dma_wait3A_118 = tpu.memref_slice %arg2[%rem3A_3, %dma_wait3A_117] : memref<2048x768xf32, #tpu.memory_space<hbm>> -> memref<128x768xf32, #tpu.memory_space<hbm>>
      %dma_wait3A_119 = arith.constant 0 : i32
      %dma_wait3A_120 = tpu.memref_slice %arg2[%rem3A_3, %dma_wait3A_119] : memref<2048x768xf32, #tpu.memory_space<hbm>> -> memref<128x768xf32, #tpu.memory_space<hbm>>
      tpu.wait_dma2 semaphore(%run_scoped3A : memref<!tpu.dma_semaphore, #tpu.memory_space<semaphore_mem>>) src(%dma_wait3A_120 : memref<128x768xf32, #tpu.memory_space<hbm>>) dst(%arg8 : memref<128x768xf32, #tpu.memory_space<vmem>>)
      tpu.yield
    }) : () -> ()
    "tpu.region"() ({
      %run_scoped3A = tpu.sem_alloc : memref<!tpu.dma_semaphore, #tpu.memory_space<semaphore_mem>>
      %dma_start3A_113 = arith.constant 0 : i32
      %dma_start3A_114 = tpu.memref_slice %arg4[%mul3A_2, %dma_start3A_113] : memref<4096x128xf32, #tpu.memory_space<hbm>> -> memref<128x128xf32, #tpu.memory_space<hbm>>
      %dma_start3A_115 = arith.constant 0 : i32
      %dma_start3A_116 = tpu.memref_slice %arg4[%mul3A_2, %dma_start3A_115] : memref<4096x128xf32, #tpu.memory_space<hbm>> -> memref<128x128xf32, #tpu.memory_space<hbm>>
      tpu.enqueue_dma source(%dma_start3A_116 : memref<128x128xf32, #tpu.memory_space<hbm>>) target(%arg9 : memref<128x128xf32, #tpu.memory_space<vmem>>) target_semaphore(%run_scoped3A : memref<!tpu.dma_semaphore, #tpu.memory_space<semaphore_mem>>)
      %dma_wait3A_117 = arith.constant 0 : i32
      %dma_wait3A_118 = tpu.memref_slice %arg4[%mul3A_2, %dma_wait3A_117] : memref<4096x128xf32, #tpu.memory_space<hbm>> -> memref<128x128xf32, #tpu.memory_space<hbm>>
      %dma_wait3A_119 = arith.constant 0 : i32
      %dma_wait3A_120 = tpu.memref_slice %arg4[%mul3A_2, %dma_wait3A_119] : memref<4096x128xf32, #tpu.memory_space<hbm>> -> memref<128x128xf32, #tpu.memory_space<hbm>>
      tpu.wait_dma2 semaphore(%run_scoped3A : memref<!tpu.dma_semaphore, #tpu.memory_space<semaphore_mem>>) src(%dma_wait3A_120 : memref<128x128xf32, #tpu.memory_space<hbm>>) dst(%arg9 : memref<128x128xf32, #tpu.memory_space<vmem>>)
      tpu.yield
    }) : () -> ()
    %dma_start3A = arith.constant 0 : i32
    %dma_start3A_103 = arith.constant 0 : i32
    %dma_start3A_104 = tpu.memref_slice %arg5[%dma_start3A, %dma_start3A_103] : memref<7680x768xf32, #tpu.memory_space<hbm>> -> memref<7680x768xf32, #tpu.memory_space<hbm>>
    tpu.enqueue_indirect_dma source(%arg8 : memref<128x768xf32, #tpu.memory_space<vmem>>) target(%dma_start3A_104 : memref<7680x768xf32, #tpu.memory_space<hbm>>) offsets(%arg7 : memref<128xi32, #tpu.memory_space<vmem>>) semaphore(%arg10 : memref<!tpu.dma_semaphore, #tpu.memory_space<semaphore_mem>>)
    %dma_start3A_105 = arith.constant 0 : i32
    %dma_start3A_106 = arith.constant 0 : i32
    %dma_start3A_107 = tpu.memref_slice %arg6[%dma_start3A_105, %dma_start3A_106] : memref<7680x128xf32, #tpu.memory_space<hbm>> -> memref<7680x128xf32, #tpu.memory_space<hbm>>
    tpu.enqueue_indirect_dma source(%arg9 : memref<128x128xf32, #tpu.memory_space<vmem>>) target(%dma_start3A_107 : memref<7680x128xf32, #tpu.memory_space<hbm>>) offsets(%arg7 : memref<128xi32, #tpu.memory_space<vmem>>) semaphore(%arg11 : memref<!tpu.dma_semaphore, #tpu.memory_space<semaphore_mem>>)
    %dma_wait3A = arith.constant 0 : i32
    %dma_wait3A_108 = arith.constant 0 : i32
    %dma_wait3A_109 = tpu.memref_slice %arg5[%dma_wait3A, %dma_wait3A_108] : memref<7680x768xf32, #tpu.memory_space<hbm>> -> memref<7680x768xf32, #tpu.memory_space<hbm>>
    tpu.wait_indirect_dma semaphore(%arg10 : memref<!tpu.dma_semaphore, #tpu.memory_space<semaphore_mem>>) src(%arg8 : memref<128x768xf32, #tpu.memory_space<vmem>>) dst(%dma_wait3A_109 : memref<7680x768xf32, #tpu.memory_space<hbm>>)
    %dma_wait3A_110 = arith.constant 0 : i32
    %dma_wait3A_111 = arith.constant 0 : i32
    %dma_wait3A_112 = tpu.memref_slice %arg6[%dma_wait3A_110, %dma_wait3A_111] : memref<7680x128xf32, #tpu.memory_space<hbm>> -> memref<7680x128xf32, #tpu.memory_space<hbm>>
    tpu.wait_indirect_dma semaphore(%arg11 : memref<!tpu.dma_semaphore, #tpu.memory_space<semaphore_mem>>) src(%arg9 : memref<128x128xf32, #tpu.memory_space<vmem>>) dst(%dma_wait3A_112 : memref<7680x128xf32, #tpu.memory_space<hbm>>)
    return
  }
}

module attributes {stable_mosaic.version = 14 : i64} {
  func.func @_router_body(%arg0: memref<2048x768xf32, #tpu.memory_space<vmem>>, %arg1: memref<768x128xf32, #tpu.memory_space<vmem>>, %arg2: memref<4096x128xi32, #tpu.memory_space<vmem>>, %arg3: memref<4096x128xf32, #tpu.memory_space<vmem>>, %arg4: memref<128x128xi32, #tpu.memory_space<vmem>>) attributes {dimension_semantics = [], scalar_prefetch = 0 : i64, scratch_operands = 0 : i64, tpu.core_type = #tpu.core_type<tc>} {
    %get3A = arith.constant 0 : index
    %get3A_0 = arith.constant 0 : index
    %get3A_1 = vector.load %arg0[%get3A, %get3A_0] : memref<2048x768xf32, #tpu.memory_space<vmem>>, vector<2048x768xf32>
    %get3A_2 = arith.constant 0 : index
    %get3A_3 = arith.constant 0 : index
    %get3A_4 = vector.load %arg1[%get3A_2, %get3A_3] : memref<768x128xf32, #tpu.memory_space<vmem>>, vector<768x128xf32>
    %dot_general3A = arith.constant dense<0.000000e+00> : vector<2048x128xf32>
    %dot_general3A_5 = tpu.matmul %get3A_1, %get3A_4, %dot_general3A {dimension_numbers = #tpu.dot_dimension_numbers<[1], [0], [0], [1], [0, 0, 1, 1], [], []>, transpose_lhs_hint = false} : vector<2048x768xf32>, vector<768x128xf32>, vector<2048x128xf32> -> vector<2048x128xf32>
    %iota3A = tpu.iota {dimensions = array<i32: 1>} : vector<2048x128xi32>
    %lt3A = arith.constant 8 : i32
    %lt3A_6 = vector.broadcast %lt3A : i32 to vector<2048x128xi32>
    %lt3A_7 = arith.cmpi slt, %iota3A, %lt3A_6 : vector<2048x128xi32>
    %jit3A = arith.constant -1.000000e+30 : f32
    %broadcast_in_dim3A = vector.broadcast %jit3A : f32 to vector<2048x128xf32>
    %select_n3A = arith.select %lt3A_7, %dot_general3A_5, %broadcast_in_dim3A : vector<2048x128xi1>, vector<2048x128xf32>
    %reduce_max3A = arith.constant dense<0xFF800000> : vector<2048xf32>
    %reduce_max3A_8 = vector.multi_reduction <maximumf>, %select_n3A, %reduce_max3A [1] : vector<2048x128xf32> to vector<2048xf32>
    %broadcast_in_dim3A_9 = vector.shape_cast %reduce_max3A_8 : vector<2048xf32> to vector<2048x1xf32>
    %sub3A = vector.broadcast %broadcast_in_dim3A_9 : vector<2048x1xf32> to vector<2048x128xf32>
    %sub3A_10 = arith.subf %select_n3A, %sub3A : vector<2048x128xf32>
    %exp3A = math.exp %sub3A_10 : vector<2048x128xf32>
    %jit3A_11 = arith.constant 0.000000e+00 : f32
    %broadcast_in_dim3A_12 = vector.broadcast %jit3A_11 : f32 to vector<2048x128xf32>
    %select_n3A_13 = arith.select %lt3A_7, %exp3A, %broadcast_in_dim3A_12 : vector<2048x128xi1>, vector<2048x128xf32>
    %reduce_sum3A = arith.constant dense<0.000000e+00> : vector<2048xf32>
    %reduce_sum3A_14 = vector.multi_reduction <add>, %select_n3A_13, %reduce_sum3A [1] : vector<2048x128xf32> to vector<2048xf32>
    %broadcast_in_dim3A_15 = vector.shape_cast %reduce_sum3A_14 : vector<2048xf32> to vector<2048x1xf32>
    %div3A = vector.broadcast %broadcast_in_dim3A_15 : vector<2048x1xf32> to vector<2048x128xf32>
    %div3A_16 = arith.divf %select_n3A_13, %div3A : vector<2048x128xf32>
    %reduce_max3A_17 = arith.constant dense<0xFF800000> : vector<2048xf32>
    %reduce_max3A_18 = vector.multi_reduction <maximumf>, %select_n3A, %reduce_max3A_17 [1] : vector<2048x128xf32> to vector<2048xf32>
    %broadcast_in_dim3A_19 = vector.shape_cast %reduce_max3A_18 : vector<2048xf32> to vector<2048x1xf32>
    %eq3A = vector.broadcast %broadcast_in_dim3A_19 : vector<2048x1xf32> to vector<2048x128xf32>
    %eq3A_20 = arith.cmpf oeq, %select_n3A, %eq3A : vector<2048x128xf32>
    %jit3A_21 = arith.constant 128 : i32
    %broadcast_in_dim3A_22 = vector.broadcast %jit3A_21 : i32 to vector<2048x128xi32>
    %select_n3A_23 = arith.select %eq3A_20, %iota3A, %broadcast_in_dim3A_22 : vector<2048x128xi1>, vector<2048x128xi32>
    %reduce_min3A = arith.constant dense<2147483647> : vector<2048xi32>
    %reduce_min3A_24 = vector.multi_reduction <minsi>, %select_n3A_23, %reduce_min3A [1] : vector<2048x128xi32> to vector<2048xi32>
    %broadcast_in_dim3A_25 = vector.shape_cast %reduce_min3A_24 : vector<2048xi32> to vector<2048x1xi32>
    %eq3A_26 = vector.broadcast %broadcast_in_dim3A_25 : vector<2048x1xi32> to vector<2048x128xi32>
    %eq3A_27 = arith.cmpi eq, %iota3A, %eq3A_26 : vector<2048x128xi32>
    %jit3A_28 = arith.constant -1.000000e+30 : f32
    %broadcast_in_dim3A_29 = vector.broadcast %jit3A_28 : f32 to vector<2048x128xf32>
    %select_n3A_30 = arith.select %eq3A_27, %broadcast_in_dim3A_29, %select_n3A : vector<2048x128xi1>, vector<2048x128xf32>
    %reduce_max3A_31 = arith.constant dense<0xFF800000> : vector<2048xf32>
    %reduce_max3A_32 = vector.multi_reduction <maximumf>, %select_n3A_30, %reduce_max3A_31 [1] : vector<2048x128xf32> to vector<2048xf32>
    %broadcast_in_dim3A_33 = vector.shape_cast %reduce_max3A_32 : vector<2048xf32> to vector<2048x1xf32>
    %eq3A_34 = vector.broadcast %broadcast_in_dim3A_33 : vector<2048x1xf32> to vector<2048x128xf32>
    %eq3A_35 = arith.cmpf oeq, %select_n3A_30, %eq3A_34 : vector<2048x128xf32>
    %jit3A_36 = arith.constant 128 : i32
    %broadcast_in_dim3A_37 = vector.broadcast %jit3A_36 : i32 to vector<2048x128xi32>
    %select_n3A_38 = arith.select %eq3A_35, %iota3A, %broadcast_in_dim3A_37 : vector<2048x128xi1>, vector<2048x128xi32>
    %reduce_min3A_39 = arith.constant dense<2147483647> : vector<2048xi32>
    %reduce_min3A_40 = vector.multi_reduction <minsi>, %select_n3A_38, %reduce_min3A_39 [1] : vector<2048x128xi32> to vector<2048xi32>
    %broadcast_in_dim3A_41 = vector.shape_cast %reduce_min3A_40 : vector<2048xi32> to vector<2048x1xi32>
    %eq3A_42 = vector.broadcast %broadcast_in_dim3A_25 : vector<2048x1xi32> to vector<2048x128xi32>
    %eq3A_43 = arith.cmpi eq, %iota3A, %eq3A_42 : vector<2048x128xi32>
    %jit3A_44 = arith.constant 0.000000e+00 : f32
    %broadcast_in_dim3A_45 = vector.broadcast %jit3A_44 : f32 to vector<2048x128xf32>
    %select_n3A_46 = arith.select %eq3A_43, %div3A_16, %broadcast_in_dim3A_45 : vector<2048x128xi1>, vector<2048x128xf32>
    %reduce_sum3A_47 = arith.constant dense<0.000000e+00> : vector<2048xf32>
    %reduce_sum3A_48 = vector.multi_reduction <add>, %select_n3A_46, %reduce_sum3A_47 [1] : vector<2048x128xf32> to vector<2048xf32>
    %broadcast_in_dim3A_49 = vector.shape_cast %reduce_sum3A_48 : vector<2048xf32> to vector<2048x1xf32>
    %eq3A_50 = vector.broadcast %broadcast_in_dim3A_41 : vector<2048x1xi32> to vector<2048x128xi32>
    %eq3A_51 = arith.cmpi eq, %iota3A, %eq3A_50 : vector<2048x128xi32>
    %jit3A_52 = arith.constant 0.000000e+00 : f32
    %broadcast_in_dim3A_53 = vector.broadcast %jit3A_52 : f32 to vector<2048x128xf32>
    %select_n3A_54 = arith.select %eq3A_51, %div3A_16, %broadcast_in_dim3A_53 : vector<2048x128xi1>, vector<2048x128xf32>
    %reduce_sum3A_55 = arith.constant dense<0.000000e+00> : vector<2048xf32>
    %reduce_sum3A_56 = vector.multi_reduction <add>, %select_n3A_54, %reduce_sum3A_55 [1] : vector<2048x128xf32> to vector<2048xf32>
    %broadcast_in_dim3A_57 = vector.shape_cast %reduce_sum3A_56 : vector<2048xf32> to vector<2048x1xf32>
    %add3A = arith.addf %broadcast_in_dim3A_49, %broadcast_in_dim3A_57 : vector<2048x1xf32>
    %div3A_58 = arith.divf %broadcast_in_dim3A_49, %add3A : vector<2048x1xf32>
    %div3A_59 = arith.divf %broadcast_in_dim3A_57, %add3A : vector<2048x1xf32>
    %eq3A_60 = vector.broadcast %broadcast_in_dim3A_25 : vector<2048x1xi32> to vector<2048x128xi32>
    %eq3A_61 = arith.cmpi eq, %iota3A, %eq3A_60 : vector<2048x128xi32>
    %eq3A_62 = vector.broadcast %broadcast_in_dim3A_41 : vector<2048x1xi32> to vector<2048x128xi32>
    %eq3A_63 = arith.cmpi eq, %iota3A, %eq3A_62 : vector<2048x128xi32>
    %iota3A_64 = tpu.iota {dimensions = array<i32: 0>} : vector<256x256xi32>
    %iota3A_65 = tpu.iota {dimensions = array<i32: 1>} : vector<256x256xi32>
    %le3A = arith.cmpi sle, %iota3A_65, %iota3A_64 : vector<256x256xi32>
    %convert_element_type3A = arith.extui %le3A : vector<256x256xi1> to vector<256x256xi32>
    %convert_element_type3A_66 = arith.sitofp %convert_element_type3A : vector<256x256xi32> to vector<256x256xf32>
    %convert_element_type3A_67 = arith.truncf %convert_element_type3A_66 : vector<256x256xf32> to vector<256x256xbf16>
    %convert_element_type3A_68 = arith.extui %eq3A_61 : vector<2048x128xi1> to vector<2048x128xi32>
    %convert_element_type3A_69 = arith.sitofp %convert_element_type3A_68 : vector<2048x128xi32> to vector<2048x128xf32>
    %convert_element_type3A_70 = arith.truncf %convert_element_type3A_69 : vector<2048x128xf32> to vector<2048x128xbf16>
    %convert_element_type3A_71 = arith.extui %eq3A_63 : vector<2048x128xi1> to vector<2048x128xi32>
    %convert_element_type3A_72 = arith.sitofp %convert_element_type3A_71 : vector<2048x128xi32> to vector<2048x128xf32>
    %convert_element_type3A_73 = arith.truncf %convert_element_type3A_72 : vector<2048x128xf32> to vector<2048x128xbf16>
    %broadcast_in_dim3A_74 = arith.constant 0.000000e+00 : f32
    %broadcast_in_dim3A_75 = vector.broadcast %broadcast_in_dim3A_74 : f32 to vector<1x128xf32>
    %broadcast_in_dim3A_76 = arith.constant 0.000000e+00 : f32
    %broadcast_in_dim3A_77 = vector.broadcast %broadcast_in_dim3A_76 : f32 to vector<1x128xf32>
    %slice3A = vector.extract_strided_slice %convert_element_type3A_70 {offsets = [0, 0], sizes = [256, 128], strides = [1, 1]} : vector<2048x128xbf16> to vector<256x128xbf16>
    %dot_general3A_78 = arith.constant dense<0.000000e+00> : vector<256x128xf32>
    %dot_general3A_79 = tpu.matmul %convert_element_type3A_67, %slice3A, %dot_general3A_78 {dimension_numbers = #tpu.dot_dimension_numbers<[1], [0], [0], [1], [0, 0, 1, 1], [], []>, transpose_lhs_hint = false} : vector<256x256xbf16>, vector<256x128xbf16>, vector<256x128xf32> -> vector<256x128xf32>
    %slice3A_80 = vector.extract_strided_slice %convert_element_type3A_73 {offsets = [0, 0], sizes = [256, 128], strides = [1, 1]} : vector<2048x128xbf16> to vector<256x128xbf16>
    %dot_general3A_81 = arith.constant dense<0.000000e+00> : vector<256x128xf32>
    %dot_general3A_82 = tpu.matmul %convert_element_type3A_67, %slice3A_80, %dot_general3A_81 {dimension_numbers = #tpu.dot_dimension_numbers<[1], [0], [0], [1], [0, 0, 1, 1], [], []>, transpose_lhs_hint = false} : vector<256x256xbf16>, vector<256x128xbf16>, vector<256x128xf32> -> vector<256x128xf32>
    %add3A_83 = vector.broadcast %broadcast_in_dim3A_75 : vector<1x128xf32> to vector<256x128xf32>
    %add3A_84 = arith.addf %dot_general3A_79, %add3A_83 : vector<256x128xf32>
    %add3A_85 = vector.broadcast %broadcast_in_dim3A_77 : vector<1x128xf32> to vector<256x128xf32>
    %add3A_86 = arith.addf %dot_general3A_82, %add3A_85 : vector<256x128xf32>
    %slice3A_87 = vector.extract_strided_slice %dot_general3A_79 {offsets = [255, 0], sizes = [1, 128], strides = [1, 1]} : vector<256x128xf32> to vector<1x128xf32>
    %add3A_88 = arith.addf %broadcast_in_dim3A_75, %slice3A_87 : vector<1x128xf32>
    %slice3A_89 = vector.extract_strided_slice %dot_general3A_82 {offsets = [255, 0], sizes = [1, 128], strides = [1, 1]} : vector<256x128xf32> to vector<1x128xf32>
    %add3A_90 = arith.addf %broadcast_in_dim3A_77, %slice3A_89 : vector<1x128xf32>
    %slice3A_91 = vector.extract_strided_slice %convert_element_type3A_70 {offsets = [256, 0], sizes = [256, 128], strides = [1, 1]} : vector<2048x128xbf16> to vector<256x128xbf16>
    %dot_general3A_92 = arith.constant dense<0.000000e+00> : vector<256x128xf32>
    %dot_general3A_93 = tpu.matmul %convert_element_type3A_67, %slice3A_91, %dot_general3A_92 {dimension_numbers = #tpu.dot_dimension_numbers<[1], [0], [0], [1], [0, 0, 1, 1], [], []>, transpose_lhs_hint = false} : vector<256x256xbf16>, vector<256x128xbf16>, vector<256x128xf32> -> vector<256x128xf32>
    %slice3A_94 = vector.extract_strided_slice %convert_element_type3A_73 {offsets = [256, 0], sizes = [256, 128], strides = [1, 1]} : vector<2048x128xbf16> to vector<256x128xbf16>
    %dot_general3A_95 = arith.constant dense<0.000000e+00> : vector<256x128xf32>
    %dot_general3A_96 = tpu.matmul %convert_element_type3A_67, %slice3A_94, %dot_general3A_95 {dimension_numbers = #tpu.dot_dimension_numbers<[1], [0], [0], [1], [0, 0, 1, 1], [], []>, transpose_lhs_hint = false} : vector<256x256xbf16>, vector<256x128xbf16>, vector<256x128xf32> -> vector<256x128xf32>
    %add3A_97 = vector.broadcast %add3A_88 : vector<1x128xf32> to vector<256x128xf32>
    %add3A_98 = arith.addf %dot_general3A_93, %add3A_97 : vector<256x128xf32>
    %add3A_99 = vector.broadcast %add3A_90 : vector<1x128xf32> to vector<256x128xf32>
    %add3A_100 = arith.addf %dot_general3A_96, %add3A_99 : vector<256x128xf32>
    %slice3A_101 = vector.extract_strided_slice %dot_general3A_93 {offsets = [255, 0], sizes = [1, 128], strides = [1, 1]} : vector<256x128xf32> to vector<1x128xf32>
    %add3A_102 = arith.addf %add3A_88, %slice3A_101 : vector<1x128xf32>
    %slice3A_103 = vector.extract_strided_slice %dot_general3A_96 {offsets = [255, 0], sizes = [1, 128], strides = [1, 1]} : vector<256x128xf32> to vector<1x128xf32>
    %add3A_104 = arith.addf %add3A_90, %slice3A_103 : vector<1x128xf32>
    %slice3A_105 = vector.extract_strided_slice %convert_element_type3A_70 {offsets = [512, 0], sizes = [256, 128], strides = [1, 1]} : vector<2048x128xbf16> to vector<256x128xbf16>
    %dot_general3A_106 = arith.constant dense<0.000000e+00> : vector<256x128xf32>
    %dot_general3A_107 = tpu.matmul %convert_element_type3A_67, %slice3A_105, %dot_general3A_106 {dimension_numbers = #tpu.dot_dimension_numbers<[1], [0], [0], [1], [0, 0, 1, 1], [], []>, transpose_lhs_hint = false} : vector<256x256xbf16>, vector<256x128xbf16>, vector<256x128xf32> -> vector<256x128xf32>
    %slice3A_108 = vector.extract_strided_slice %convert_element_type3A_73 {offsets = [512, 0], sizes = [256, 128], strides = [1, 1]} : vector<2048x128xbf16> to vector<256x128xbf16>
    %dot_general3A_109 = arith.constant dense<0.000000e+00> : vector<256x128xf32>
    %dot_general3A_110 = tpu.matmul %convert_element_type3A_67, %slice3A_108, %dot_general3A_109 {dimension_numbers = #tpu.dot_dimension_numbers<[1], [0], [0], [1], [0, 0, 1, 1], [], []>, transpose_lhs_hint = false} : vector<256x256xbf16>, vector<256x128xbf16>, vector<256x128xf32> -> vector<256x128xf32>
    %add3A_111 = vector.broadcast %add3A_102 : vector<1x128xf32> to vector<256x128xf32>
    %add3A_112 = arith.addf %dot_general3A_107, %add3A_111 : vector<256x128xf32>
    %add3A_113 = vector.broadcast %add3A_104 : vector<1x128xf32> to vector<256x128xf32>
    %add3A_114 = arith.addf %dot_general3A_110, %add3A_113 : vector<256x128xf32>
    %slice3A_115 = vector.extract_strided_slice %dot_general3A_107 {offsets = [255, 0], sizes = [1, 128], strides = [1, 1]} : vector<256x128xf32> to vector<1x128xf32>
    %add3A_116 = arith.addf %add3A_102, %slice3A_115 : vector<1x128xf32>
    %slice3A_117 = vector.extract_strided_slice %dot_general3A_110 {offsets = [255, 0], sizes = [1, 128], strides = [1, 1]} : vector<256x128xf32> to vector<1x128xf32>
    %add3A_118 = arith.addf %add3A_104, %slice3A_117 : vector<1x128xf32>
    %slice3A_119 = vector.extract_strided_slice %convert_element_type3A_70 {offsets = [768, 0], sizes = [256, 128], strides = [1, 1]} : vector<2048x128xbf16> to vector<256x128xbf16>
    %dot_general3A_120 = arith.constant dense<0.000000e+00> : vector<256x128xf32>
    %dot_general3A_121 = tpu.matmul %convert_element_type3A_67, %slice3A_119, %dot_general3A_120 {dimension_numbers = #tpu.dot_dimension_numbers<[1], [0], [0], [1], [0, 0, 1, 1], [], []>, transpose_lhs_hint = false} : vector<256x256xbf16>, vector<256x128xbf16>, vector<256x128xf32> -> vector<256x128xf32>
    %slice3A_122 = vector.extract_strided_slice %convert_element_type3A_73 {offsets = [768, 0], sizes = [256, 128], strides = [1, 1]} : vector<2048x128xbf16> to vector<256x128xbf16>
    %dot_general3A_123 = arith.constant dense<0.000000e+00> : vector<256x128xf32>
    %dot_general3A_124 = tpu.matmul %convert_element_type3A_67, %slice3A_122, %dot_general3A_123 {dimension_numbers = #tpu.dot_dimension_numbers<[1], [0], [0], [1], [0, 0, 1, 1], [], []>, transpose_lhs_hint = false} : vector<256x256xbf16>, vector<256x128xbf16>, vector<256x128xf32> -> vector<256x128xf32>
    %add3A_125 = vector.broadcast %add3A_116 : vector<1x128xf32> to vector<256x128xf32>
    %add3A_126 = arith.addf %dot_general3A_121, %add3A_125 : vector<256x128xf32>
    %add3A_127 = vector.broadcast %add3A_118 : vector<1x128xf32> to vector<256x128xf32>
    %add3A_128 = arith.addf %dot_general3A_124, %add3A_127 : vector<256x128xf32>
    %slice3A_129 = vector.extract_strided_slice %dot_general3A_121 {offsets = [255, 0], sizes = [1, 128], strides = [1, 1]} : vector<256x128xf32> to vector<1x128xf32>
    %add3A_130 = arith.addf %add3A_116, %slice3A_129 : vector<1x128xf32>
    %slice3A_131 = vector.extract_strided_slice %dot_general3A_124 {offsets = [255, 0], sizes = [1, 128], strides = [1, 1]} : vector<256x128xf32> to vector<1x128xf32>
    %add3A_132 = arith.addf %add3A_118, %slice3A_131 : vector<1x128xf32>
    %slice3A_133 = vector.extract_strided_slice %convert_element_type3A_70 {offsets = [1024, 0], sizes = [256, 128], strides = [1, 1]} : vector<2048x128xbf16> to vector<256x128xbf16>
    %dot_general3A_134 = arith.constant dense<0.000000e+00> : vector<256x128xf32>
    %dot_general3A_135 = tpu.matmul %convert_element_type3A_67, %slice3A_133, %dot_general3A_134 {dimension_numbers = #tpu.dot_dimension_numbers<[1], [0], [0], [1], [0, 0, 1, 1], [], []>, transpose_lhs_hint = false} : vector<256x256xbf16>, vector<256x128xbf16>, vector<256x128xf32> -> vector<256x128xf32>
    %slice3A_136 = vector.extract_strided_slice %convert_element_type3A_73 {offsets = [1024, 0], sizes = [256, 128], strides = [1, 1]} : vector<2048x128xbf16> to vector<256x128xbf16>
    %dot_general3A_137 = arith.constant dense<0.000000e+00> : vector<256x128xf32>
    %dot_general3A_138 = tpu.matmul %convert_element_type3A_67, %slice3A_136, %dot_general3A_137 {dimension_numbers = #tpu.dot_dimension_numbers<[1], [0], [0], [1], [0, 0, 1, 1], [], []>, transpose_lhs_hint = false} : vector<256x256xbf16>, vector<256x128xbf16>, vector<256x128xf32> -> vector<256x128xf32>
    %add3A_139 = vector.broadcast %add3A_130 : vector<1x128xf32> to vector<256x128xf32>
    %add3A_140 = arith.addf %dot_general3A_135, %add3A_139 : vector<256x128xf32>
    %add3A_141 = vector.broadcast %add3A_132 : vector<1x128xf32> to vector<256x128xf32>
    %add3A_142 = arith.addf %dot_general3A_138, %add3A_141 : vector<256x128xf32>
    %slice3A_143 = vector.extract_strided_slice %dot_general3A_135 {offsets = [255, 0], sizes = [1, 128], strides = [1, 1]} : vector<256x128xf32> to vector<1x128xf32>
    %add3A_144 = arith.addf %add3A_130, %slice3A_143 : vector<1x128xf32>
    %slice3A_145 = vector.extract_strided_slice %dot_general3A_138 {offsets = [255, 0], sizes = [1, 128], strides = [1, 1]} : vector<256x128xf32> to vector<1x128xf32>
    %add3A_146 = arith.addf %add3A_132, %slice3A_145 : vector<1x128xf32>
    %slice3A_147 = vector.extract_strided_slice %convert_element_type3A_70 {offsets = [1280, 0], sizes = [256, 128], strides = [1, 1]} : vector<2048x128xbf16> to vector<256x128xbf16>
    %dot_general3A_148 = arith.constant dense<0.000000e+00> : vector<256x128xf32>
    %dot_general3A_149 = tpu.matmul %convert_element_type3A_67, %slice3A_147, %dot_general3A_148 {dimension_numbers = #tpu.dot_dimension_numbers<[1], [0], [0], [1], [0, 0, 1, 1], [], []>, transpose_lhs_hint = false} : vector<256x256xbf16>, vector<256x128xbf16>, vector<256x128xf32> -> vector<256x128xf32>
    %slice3A_150 = vector.extract_strided_slice %convert_element_type3A_73 {offsets = [1280, 0], sizes = [256, 128], strides = [1, 1]} : vector<2048x128xbf16> to vector<256x128xbf16>
    %dot_general3A_151 = arith.constant dense<0.000000e+00> : vector<256x128xf32>
    %dot_general3A_152 = tpu.matmul %convert_element_type3A_67, %slice3A_150, %dot_general3A_151 {dimension_numbers = #tpu.dot_dimension_numbers<[1], [0], [0], [1], [0, 0, 1, 1], [], []>, transpose_lhs_hint = false} : vector<256x256xbf16>, vector<256x128xbf16>, vector<256x128xf32> -> vector<256x128xf32>
    %add3A_153 = vector.broadcast %add3A_144 : vector<1x128xf32> to vector<256x128xf32>
    %add3A_154 = arith.addf %dot_general3A_149, %add3A_153 : vector<256x128xf32>
    %add3A_155 = vector.broadcast %add3A_146 : vector<1x128xf32> to vector<256x128xf32>
    %add3A_156 = arith.addf %dot_general3A_152, %add3A_155 : vector<256x128xf32>
    %slice3A_157 = vector.extract_strided_slice %dot_general3A_149 {offsets = [255, 0], sizes = [1, 128], strides = [1, 1]} : vector<256x128xf32> to vector<1x128xf32>
    %add3A_158 = arith.addf %add3A_144, %slice3A_157 : vector<1x128xf32>
    %slice3A_159 = vector.extract_strided_slice %dot_general3A_152 {offsets = [255, 0], sizes = [1, 128], strides = [1, 1]} : vector<256x128xf32> to vector<1x128xf32>
    %add3A_160 = arith.addf %add3A_146, %slice3A_159 : vector<1x128xf32>
    %slice3A_161 = vector.extract_strided_slice %convert_element_type3A_70 {offsets = [1536, 0], sizes = [256, 128], strides = [1, 1]} : vector<2048x128xbf16> to vector<256x128xbf16>
    %dot_general3A_162 = arith.constant dense<0.000000e+00> : vector<256x128xf32>
    %dot_general3A_163 = tpu.matmul %convert_element_type3A_67, %slice3A_161, %dot_general3A_162 {dimension_numbers = #tpu.dot_dimension_numbers<[1], [0], [0], [1], [0, 0, 1, 1], [], []>, transpose_lhs_hint = false} : vector<256x256xbf16>, vector<256x128xbf16>, vector<256x128xf32> -> vector<256x128xf32>
    %slice3A_164 = vector.extract_strided_slice %convert_element_type3A_73 {offsets = [1536, 0], sizes = [256, 128], strides = [1, 1]} : vector<2048x128xbf16> to vector<256x128xbf16>
    %dot_general3A_165 = arith.constant dense<0.000000e+00> : vector<256x128xf32>
    %dot_general3A_166 = tpu.matmul %convert_element_type3A_67, %slice3A_164, %dot_general3A_165 {dimension_numbers = #tpu.dot_dimension_numbers<[1], [0], [0], [1], [0, 0, 1, 1], [], []>, transpose_lhs_hint = false} : vector<256x256xbf16>, vector<256x128xbf16>, vector<256x128xf32> -> vector<256x128xf32>
    %add3A_167 = vector.broadcast %add3A_158 : vector<1x128xf32> to vector<256x128xf32>
    %add3A_168 = arith.addf %dot_general3A_163, %add3A_167 : vector<256x128xf32>
    %add3A_169 = vector.broadcast %add3A_160 : vector<1x128xf32> to vector<256x128xf32>
    %add3A_170 = arith.addf %dot_general3A_166, %add3A_169 : vector<256x128xf32>
    %slice3A_171 = vector.extract_strided_slice %dot_general3A_163 {offsets = [255, 0], sizes = [1, 128], strides = [1, 1]} : vector<256x128xf32> to vector<1x128xf32>
    %add3A_172 = arith.addf %add3A_158, %slice3A_171 : vector<1x128xf32>
    %slice3A_173 = vector.extract_strided_slice %dot_general3A_166 {offsets = [255, 0], sizes = [1, 128], strides = [1, 1]} : vector<256x128xf32> to vector<1x128xf32>
    %add3A_174 = arith.addf %add3A_160, %slice3A_173 : vector<1x128xf32>
    %slice3A_175 = vector.extract_strided_slice %convert_element_type3A_70 {offsets = [1792, 0], sizes = [256, 128], strides = [1, 1]} : vector<2048x128xbf16> to vector<256x128xbf16>
    %dot_general3A_176 = arith.constant dense<0.000000e+00> : vector<256x128xf32>
    %dot_general3A_177 = tpu.matmul %convert_element_type3A_67, %slice3A_175, %dot_general3A_176 {dimension_numbers = #tpu.dot_dimension_numbers<[1], [0], [0], [1], [0, 0, 1, 1], [], []>, transpose_lhs_hint = false} : vector<256x256xbf16>, vector<256x128xbf16>, vector<256x128xf32> -> vector<256x128xf32>
    %slice3A_178 = vector.extract_strided_slice %convert_element_type3A_73 {offsets = [1792, 0], sizes = [256, 128], strides = [1, 1]} : vector<2048x128xbf16> to vector<256x128xbf16>
    %dot_general3A_179 = arith.constant dense<0.000000e+00> : vector<256x128xf32>
    %dot_general3A_180 = tpu.matmul %convert_element_type3A_67, %slice3A_178, %dot_general3A_179 {dimension_numbers = #tpu.dot_dimension_numbers<[1], [0], [0], [1], [0, 0, 1, 1], [], []>, transpose_lhs_hint = false} : vector<256x256xbf16>, vector<256x128xbf16>, vector<256x128xf32> -> vector<256x128xf32>
    %add3A_181 = vector.broadcast %add3A_172 : vector<1x128xf32> to vector<256x128xf32>
    %add3A_182 = arith.addf %dot_general3A_177, %add3A_181 : vector<256x128xf32>
    %add3A_183 = vector.broadcast %add3A_174 : vector<1x128xf32> to vector<256x128xf32>
    %add3A_184 = arith.addf %dot_general3A_180, %add3A_183 : vector<256x128xf32>
    %slice3A_185 = vector.extract_strided_slice %dot_general3A_177 {offsets = [255, 0], sizes = [1, 128], strides = [1, 1]} : vector<256x128xf32> to vector<1x128xf32>
    %add3A_186 = arith.addf %add3A_172, %slice3A_185 : vector<1x128xf32>
    %slice3A_187 = vector.extract_strided_slice %dot_general3A_180 {offsets = [255, 0], sizes = [1, 128], strides = [1, 1]} : vector<256x128xf32> to vector<1x128xf32>
    %add3A_188 = arith.addf %add3A_174, %slice3A_187 : vector<1x128xf32>
    %concatenate3A = tpu.concatenate %add3A_84, %add3A_98, %add3A_112, %add3A_126, %add3A_140, %add3A_154, %add3A_168, %add3A_182 in 0 : vector<256x128xf32>, vector<256x128xf32>, vector<256x128xf32>, vector<256x128xf32>, vector<256x128xf32>, vector<256x128xf32>, vector<256x128xf32>, vector<256x128xf32> -> vector<2048x128xf32>
    %concatenate3A_189 = tpu.concatenate %add3A_86, %add3A_100, %add3A_114, %add3A_128, %add3A_142, %add3A_156, %add3A_170, %add3A_184 in 0 : vector<256x128xf32>, vector<256x128xf32>, vector<256x128xf32>, vector<256x128xf32>, vector<256x128xf32>, vector<256x128xf32>, vector<256x128xf32>, vector<256x128xf32> -> vector<2048x128xf32>
    %add3A_190 = arith.addf %add3A_186, %add3A_188 : vector<1x128xf32>
    %convert_element_type3A_191 = arith.fptosi %add3A_190 : vector<1x128xf32> to vector<1x128xi32>
    %add3A_192 = arith.constant 511 : i32
    %add3A_193 = vector.broadcast %add3A_192 : i32 to vector<1x128xi32>
    %add3A_194 = arith.addi %convert_element_type3A_191, %add3A_193 : vector<1x128xi32>
    %jit3A_195 = arith.constant 512 : i32
    %div3A_196 = vector.broadcast %jit3A_195 : i32 to vector<1x128xi32>
    %div3A_197 = arith.divsi %add3A_194, %div3A_196 : vector<1x128xi32>
    %sign3A = arith.constant 0 : i32
    %sign3A_198 = vector.broadcast %sign3A : i32 to vector<1x128xi32>
    %sign3A_199 = arith.cmpi sgt, %add3A_194, %sign3A_198 : vector<1x128xi32>
    %sign3A_200 = arith.extui %sign3A_199 : vector<1x128xi1> to vector<1x128xi32>
    %sign3A_201 = arith.constant 0 : i32
    %sign3A_202 = vector.broadcast %sign3A_201 : i32 to vector<1x128xi32>
    %sign3A_203 = arith.cmpi slt, %add3A_194, %sign3A_202 : vector<1x128xi32>
    %sign3A_204 = arith.extui %sign3A_203 : vector<1x128xi1> to vector<1x128xi32>
    %sign3A_205 = arith.subi %sign3A_200, %sign3A_204 : vector<1x128xi32>
    %sign3A_206 = arith.constant 0 : i32
    %sign3A_207 = arith.cmpi sgt, %jit3A_195, %sign3A_206 : i32
    %sign3A_208 = arith.extui %sign3A_207 : i1 to i32
    %sign3A_209 = arith.constant 0 : i32
    %sign3A_210 = arith.cmpi slt, %jit3A_195, %sign3A_209 : i32
    %sign3A_211 = arith.extui %sign3A_210 : i1 to i32
    %sign3A_212 = arith.subi %sign3A_208, %sign3A_211 : i32
    %ne3A = vector.broadcast %sign3A_212 : i32 to vector<1x128xi32>
    %ne3A_213 = arith.cmpi ne, %sign3A_205, %ne3A : vector<1x128xi32>
    %rem3A = vector.broadcast %jit3A_195 : i32 to vector<1x128xi32>
    %rem3A_214 = arith.remsi %add3A_194, %rem3A : vector<1x128xi32>
    %ne3A_215 = arith.constant 0 : i32
    %ne3A_216 = vector.broadcast %ne3A_215 : i32 to vector<1x128xi32>
    %ne3A_217 = arith.cmpi ne, %rem3A_214, %ne3A_216 : vector<1x128xi32>
    %and3A = arith.andi %ne3A_213, %ne3A_217 : vector<1x128xi1>
    %sub3A_218 = arith.constant 1 : i32
    %sub3A_219 = vector.broadcast %sub3A_218 : i32 to vector<1x128xi32>
    %sub3A_220 = arith.subi %div3A_197, %sub3A_219 : vector<1x128xi32>
    %select_n3A_221 = arith.select %and3A, %sub3A_220, %div3A_197 : vector<1x128xi1>, vector<1x128xi32>
    %convert_element_type3A_222 = arith.sitofp %select_n3A_221 : vector<1x128xi32> to vector<1x128xbf16>
    %broadcast_in_dim3A_223 = vector.shape_cast %convert_element_type3A_222 : vector<1x128xbf16> to vector<1x128xbf16>
    %broadcast_in_dim3A_224 = vector.broadcast %broadcast_in_dim3A_223 : vector<1x128xbf16> to vector<8x128xbf16>
    %iota3A_225 = tpu.iota {dimensions = array<i32: 0>} : vector<128x128xi32>
    %iota3A_226 = tpu.iota {dimensions = array<i32: 1>} : vector<128x128xi32>
    %lt3A_227 = arith.cmpi slt, %iota3A_225, %iota3A_226 : vector<128x128xi32>
    %convert_element_type3A_228 = arith.extui %lt3A_227 : vector<128x128xi1> to vector<128x128xi32>
    %convert_element_type3A_229 = arith.sitofp %convert_element_type3A_228 : vector<128x128xi32> to vector<128x128xf32>
    %convert_element_type3A_230 = arith.truncf %convert_element_type3A_229 : vector<128x128xf32> to vector<128x128xbf16>
    %dot_general3A_231 = arith.constant dense<0.000000e+00> : vector<8x128xf32>
    %dot_general3A_232 = tpu.matmul %broadcast_in_dim3A_224, %convert_element_type3A_230, %dot_general3A_231 {dimension_numbers = #tpu.dot_dimension_numbers<[1], [0], [0], [1], [0, 0, 1, 1], [], []>, transpose_lhs_hint = false} : vector<8x128xbf16>, vector<128x128xbf16>, vector<8x128xf32> -> vector<8x128xf32>
    %slice3A_233 = vector.extract_strided_slice %dot_general3A_232 {offsets = [0, 0], sizes = [1, 128], strides = [1, 1]} : vector<8x128xf32> to vector<1x128xf32>
    %mul3A = arith.constant 5.120000e+02 : f32
    %mul3A_234 = vector.broadcast %mul3A : f32 to vector<1x128xf32>
    %mul3A_235 = arith.mulf %slice3A_233, %mul3A_234 : vector<1x128xf32>
    %convert_element_type3A_236 = arith.extui %eq3A_61 : vector<2048x128xi1> to vector<2048x128xi32>
    %convert_element_type3A_237 = arith.sitofp %convert_element_type3A_236 : vector<2048x128xi32> to vector<2048x128xf32>
    %convert_element_type3A_238 = arith.extui %eq3A_63 : vector<2048x128xi1> to vector<2048x128xi32>
    %convert_element_type3A_239 = arith.sitofp %convert_element_type3A_238 : vector<2048x128xi32> to vector<2048x128xf32>
    %add3A_240 = vector.broadcast %mul3A_235 : vector<1x128xf32> to vector<2048x128xf32>
    %add3A_241 = arith.addf %add3A_240, %concatenate3A : vector<2048x128xf32>
    %mul3A_242 = arith.mulf %convert_element_type3A_237, %add3A_241 : vector<2048x128xf32>
    %reduce_sum3A_243 = arith.constant dense<0.000000e+00> : vector<2048xf32>
    %reduce_sum3A_244 = vector.multi_reduction <add>, %mul3A_242, %reduce_sum3A_243 [1] : vector<2048x128xf32> to vector<2048xf32>
    %broadcast_in_dim3A_245 = vector.shape_cast %reduce_sum3A_244 : vector<2048xf32> to vector<2048x1xf32>
    %sub3A_246 = arith.constant 1.000000e+00 : f32
    %sub3A_247 = vector.broadcast %sub3A_246 : f32 to vector<2048x1xf32>
    %sub3A_248 = arith.subf %broadcast_in_dim3A_245, %sub3A_247 : vector<2048x1xf32>
    %add3A_249 = arith.addf %mul3A_235, %add3A_186 : vector<1x128xf32>
    %add3A_250 = vector.broadcast %add3A_249 : vector<1x128xf32> to vector<2048x128xf32>
    %add3A_251 = arith.addf %add3A_250, %concatenate3A_189 : vector<2048x128xf32>
    %mul3A_252 = arith.mulf %convert_element_type3A_239, %add3A_251 : vector<2048x128xf32>
    %reduce_sum3A_253 = arith.constant dense<0.000000e+00> : vector<2048xf32>
    %reduce_sum3A_254 = vector.multi_reduction <add>, %mul3A_252, %reduce_sum3A_253 [1] : vector<2048x128xf32> to vector<2048xf32>
    %broadcast_in_dim3A_255 = vector.shape_cast %reduce_sum3A_254 : vector<2048xf32> to vector<2048x1xf32>
    %sub3A_256 = arith.constant 1.000000e+00 : f32
    %sub3A_257 = vector.broadcast %sub3A_256 : f32 to vector<2048x1xf32>
    %sub3A_258 = arith.subf %broadcast_in_dim3A_255, %sub3A_257 : vector<2048x1xf32>
    %eq3A_259 = arith.constant 0 : i32
    %eq3A_260 = vector.broadcast %eq3A_259 : i32 to vector<2048x128xi32>
    %eq3A_261 = arith.cmpi eq, %iota3A, %eq3A_260 : vector<2048x128xi32>
    %jit3A_262 = arith.constant 0.000000e+00 : f32
    %broadcast_in_dim3A_263 = vector.shape_cast %sub3A_248 : vector<2048x1xf32> to vector<2048x1xf32>
    %broadcast_in_dim3A_264 = vector.broadcast %broadcast_in_dim3A_263 : vector<2048x1xf32> to vector<2048x128xf32>
    %broadcast_in_dim3A_265 = vector.broadcast %jit3A_262 : f32 to vector<2048x128xf32>
    %select_n3A_266 = arith.select %eq3A_261, %broadcast_in_dim3A_264, %broadcast_in_dim3A_265 : vector<2048x128xi1>, vector<2048x128xf32>
    %convert_element_type3A_267 = arith.fptosi %select_n3A_266 : vector<2048x128xf32> to vector<2048x128xi32>
    %swap3A = arith.constant 0 : index
    %swap3A_268 = arith.constant 0 : index
    %swap3A_269 = vector.load %arg2[%swap3A, %swap3A_268] : memref<4096x128xi32, #tpu.memory_space<vmem>>, vector<2048x128xi32>
    tpu.vector_store %arg2[%swap3A, %swap3A_268], %convert_element_type3A_267 {strides = array<i32>} : memref<4096x128xi32, #tpu.memory_space<vmem>>, vector<2048x128xi32>,
    %eq3A_270 = arith.constant 0 : i32
    %eq3A_271 = vector.broadcast %eq3A_270 : i32 to vector<2048x128xi32>
    %eq3A_272 = arith.cmpi eq, %iota3A, %eq3A_271 : vector<2048x128xi32>
    %jit3A_273 = arith.constant 0.000000e+00 : f32
    %broadcast_in_dim3A_274 = vector.shape_cast %sub3A_258 : vector<2048x1xf32> to vector<2048x1xf32>
    %broadcast_in_dim3A_275 = vector.broadcast %broadcast_in_dim3A_274 : vector<2048x1xf32> to vector<2048x128xf32>
    %broadcast_in_dim3A_276 = vector.broadcast %jit3A_273 : f32 to vector<2048x128xf32>
    %select_n3A_277 = arith.select %eq3A_272, %broadcast_in_dim3A_275, %broadcast_in_dim3A_276 : vector<2048x128xi1>, vector<2048x128xf32>
    %convert_element_type3A_278 = arith.fptosi %select_n3A_277 : vector<2048x128xf32> to vector<2048x128xi32>
    %swap3A_279 = arith.constant 2048 : index
    %swap3A_280 = arith.constant 0 : index
    %swap3A_281 = vector.load %arg2[%swap3A_279, %swap3A_280] : memref<4096x128xi32, #tpu.memory_space<vmem>>, vector<2048x128xi32>
    tpu.vector_store %arg2[%swap3A_279, %swap3A_280], %convert_element_type3A_278 {strides = array<i32>} : memref<4096x128xi32, #tpu.memory_space<vmem>>, vector<2048x128xi32>,
    %broadcast_in_dim3A_282 = vector.shape_cast %div3A_58 : vector<2048x1xf32> to vector<2048x1xf32>
    %broadcast_in_dim3A_283 = vector.broadcast %broadcast_in_dim3A_282 : vector<2048x1xf32> to vector<2048x128xf32>
    %swap3A_284 = arith.constant 0 : index
    %swap3A_285 = arith.constant 0 : index
    %swap3A_286 = vector.load %arg3[%swap3A_284, %swap3A_285] : memref<4096x128xf32, #tpu.memory_space<vmem>>, vector<2048x128xf32>
    tpu.vector_store %arg3[%swap3A_284, %swap3A_285], %broadcast_in_dim3A_283 {strides = array<i32>} : memref<4096x128xf32, #tpu.memory_space<vmem>>, vector<2048x128xf32>,
    %broadcast_in_dim3A_287 = vector.shape_cast %div3A_59 : vector<2048x1xf32> to vector<2048x1xf32>
    %broadcast_in_dim3A_288 = vector.broadcast %broadcast_in_dim3A_287 : vector<2048x1xf32> to vector<2048x128xf32>
    %swap3A_289 = arith.constant 2048 : index
    %swap3A_290 = arith.constant 0 : index
    %swap3A_291 = vector.load %arg3[%swap3A_289, %swap3A_290] : memref<4096x128xf32, #tpu.memory_space<vmem>>, vector<2048x128xf32>
    tpu.vector_store %arg3[%swap3A_289, %swap3A_290], %broadcast_in_dim3A_288 {strides = array<i32>} : memref<4096x128xf32, #tpu.memory_space<vmem>>, vector<2048x128xf32>,
    %convert_element_type3A_292 = arith.sitofp %select_n3A_221 : vector<1x128xi32> to vector<1x128xf32>
    %add3A_293 = arith.addf %slice3A_233, %convert_element_type3A_292 : vector<1x128xf32>
    %iota3A_294 = tpu.iota {dimensions = array<i32: 0>} : vector<128x128xi32>
    %convert_element_type3A_295 = arith.sitofp %iota3A_294 : vector<128x128xi32> to vector<128x128xf32>
    %le3A_296 = vector.broadcast %add3A_293 : vector<1x128xf32> to vector<128x128xf32>
    %le3A_297 = arith.cmpf ole, %le3A_296, %convert_element_type3A_295 : vector<128x128xf32>
    %slice3A_298 = vector.extract_strided_slice %lt3A_7 {offsets = [0, 0], sizes = [1, 128], strides = [1, 1]} : vector<2048x128xi1> to vector<1x128xi1>
    %and3A_299 = vector.broadcast %slice3A_298 : vector<1x128xi1> to vector<128x128xi1>
    %and3A_300 = arith.andi %le3A_297, %and3A_299 : vector<128x128xi1>
    %convert_element_type3A_301 = arith.extui %and3A_300 : vector<128x128xi1> to vector<128x128xi32>
    %reduce_sum3A_302 = arith.constant dense<0> : vector<128xi32>
    %reduce_sum3A_303 = vector.multi_reduction <add>, %convert_element_type3A_301, %reduce_sum3A_302 [1] : vector<128x128xi32> to vector<128xi32>
    %broadcast_in_dim3A_304 = vector.shape_cast %reduce_sum3A_303 : vector<128xi32> to vector<128x1xi32>
    %broadcast_in_dim3A_305 = vector.shape_cast %broadcast_in_dim3A_304 : vector<128x1xi32> to vector<128x1xi32>
    %broadcast_in_dim3A_306 = vector.broadcast %broadcast_in_dim3A_305 : vector<128x1xi32> to vector<128x128xi32>
    %swap3A_307 = arith.constant 0 : index
    %swap3A_308 = arith.constant 0 : index
    %swap3A_309 = vector.load %arg4[%swap3A_307, %swap3A_308] : memref<128x128xi32, #tpu.memory_space<vmem>>, vector<128x128xi32>
    tpu.vector_store %arg4[%swap3A_307, %swap3A_308], %broadcast_in_dim3A_306 {strides = array<i32>} : memref<128x128xi32, #tpu.memory_space<vmem>>, vector<128x128xi32>,
    return
  }
}

module attributes {stable_mosaic.version = 14 : i64} {
  func.func @_ffn_body(%arg0: i32, %arg1: memref<15xi32, #tpu.memory_space<smem>>, %arg2: memref<512x768xf32, #tpu.memory_space<vmem>>, %arg3: memref<1x768x1536xf32, #tpu.memory_space<vmem>>, %arg4: memref<1x768x768xf32, #tpu.memory_space<vmem>>, %arg5: memref<512x128xf32, #tpu.memory_space<vmem>>, %arg6: memref<512x768xf32, #tpu.memory_space<vmem>>) attributes {dimension_semantics = [#tpu.dimension_semantics<arbitrary>], iteration_bounds = array<i64: 15>, scalar_prefetch = 1 : i64, scratch_operands = 0 : i64, tpu.core_type = #tpu.core_type<tc>, window_params = [{transform_indices = @transform_0, window_bounds = array<i64: 512, 768>}, {transform_indices = @transform_1, window_bounds = array<i64: 1, 768, 1536>}, {transform_indices = @transform_2, window_bounds = array<i64: 1, 768, 768>}, {transform_indices = @transform_3, window_bounds = array<i64: 512, 128>}, {transform_indices = @transform_4, window_bounds = array<i64: 512, 768>}]} {
    %get3A = arith.index_cast %arg0 : i32 to index
    %get3A_0 = memref.load %arg1[%get3A] : memref<15xi32, #tpu.memory_space<smem>>
    %lt3A = arith.constant 8 : i32
    %lt3A_1 = arith.cmpi slt, %get3A_0, %lt3A : i32
    %convert_element_type3A = arith.extui %lt3A_1 : i1 to i32
    %cond3A = arith.constant 0 : i32
    %cond3A_2 = arith.cmpi ne, %convert_element_type3A, %cond3A : i32
    scf.if %cond3A_2 {
      %get3A_3 = arith.constant 0 : index
      %get3A_4 = arith.constant 0 : index
      %get3A_5 = vector.load %arg2[%get3A_3, %get3A_4] : memref<512x768xf32, #tpu.memory_space<vmem>>, vector<512x768xf32>
      %get3A_6 = arith.constant 0 : index
      %get3A_7 = arith.constant 0 : index
      %get3A_8 = arith.constant 0 : index
      %get3A_9 = vector.load %arg3[%get3A_6, %get3A_7, %get3A_8] : memref<1x768x1536xf32, #tpu.memory_space<vmem>>, vector<1x768x1536xf32>
      %get3A_10 = vector.shape_cast %get3A_9 : vector<1x768x1536xf32> to vector<768x1536xf32>
      %dot_general3A = arith.constant dense<0.000000e+00> : vector<512x1536xf32>
      %dot_general3A_11 = tpu.matmul %get3A_5, %get3A_10, %dot_general3A {dimension_numbers = #tpu.dot_dimension_numbers<[1], [0], [0], [1], [0, 0, 1, 1], [], []>, transpose_lhs_hint = false} : vector<512x768xf32>, vector<768x1536xf32>, vector<512x1536xf32> -> vector<512x1536xf32>
      %slice3A = vector.extract_strided_slice %dot_general3A_11 {offsets = [0, 0], sizes = [512, 768], strides = [1, 1]} : vector<512x1536xf32> to vector<512x768xf32>
      %slice3A_12 = vector.extract_strided_slice %dot_general3A_11 {offsets = [0, 768], sizes = [512, 768], strides = [1, 1]} : vector<512x1536xf32> to vector<512x768xf32>
      %logistic3A = arith.negf %slice3A : vector<512x768xf32>
      %logistic3A_13 = math.exp %logistic3A : vector<512x768xf32>
      %logistic3A_14 = arith.constant 1.000000e+00 : f32
      %logistic3A_15 = vector.broadcast %logistic3A_14 : f32 to vector<512x768xf32>
      %logistic3A_16 = arith.addf %logistic3A_15, %logistic3A_13 : vector<512x768xf32>
      %logistic3A_17 = arith.divf %logistic3A_15, %logistic3A_16 : vector<512x768xf32>
      %mul3A = arith.mulf %slice3A, %logistic3A_17 : vector<512x768xf32>
      %mul3A_18 = arith.mulf %slice3A_12, %mul3A : vector<512x768xf32>
      %get3A_19 = arith.constant 0 : index
      %get3A_20 = arith.constant 0 : index
      %get3A_21 = arith.constant 0 : index
      %get3A_22 = vector.load %arg4[%get3A_19, %get3A_20, %get3A_21] : memref<1x768x768xf32, #tpu.memory_space<vmem>>, vector<1x768x768xf32>
      %get3A_23 = vector.shape_cast %get3A_22 : vector<1x768x768xf32> to vector<768x768xf32>
      %dot_general3A_24 = arith.constant dense<0.000000e+00> : vector<512x768xf32>
      %dot_general3A_25 = tpu.matmul %mul3A_18, %get3A_23, %dot_general3A_24 {dimension_numbers = #tpu.dot_dimension_numbers<[1], [0], [0], [1], [0, 0, 1, 1], [], []>, transpose_lhs_hint = false} : vector<512x768xf32>, vector<768x768xf32>, vector<512x768xf32> -> vector<512x768xf32>
      %get3A_26 = arith.constant 0 : index
      %get3A_27 = arith.constant 0 : index
      %get3A_28 = vector.load %arg5[%get3A_26, %get3A_27] : memref<512x128xf32, #tpu.memory_space<vmem>>, vector<512x1xf32>
      %mul3A_29 = vector.broadcast %get3A_28 : vector<512x1xf32> to vector<512x768xf32>
      %mul3A_30 = arith.mulf %dot_general3A_25, %mul3A_29 : vector<512x768xf32>
      %swap3A = arith.constant 0 : index
      %swap3A_31 = arith.constant 0 : index
      %swap3A_32 = vector.load %arg6[%swap3A, %swap3A_31] : memref<512x768xf32, #tpu.memory_space<vmem>>, vector<512x768xf32>
      tpu.vector_store %arg6[%swap3A, %swap3A_31], %mul3A_30 {strides = array<i32>} : memref<512x768xf32, #tpu.memory_space<vmem>>, vector<512x768xf32>,
    } else {
    }
    return
  }
  func.func @transform_0(%arg0: i32, %arg1: memref<15xi32, #tpu.memory_space<smem>>) -> (i32, i32) {
    %c0_i32 = arith.constant 0 : i32
    %c0_i32_0 = arith.constant 0 : i32
    return %arg0, %c0_i32 : i32, i32
  }
  func.func @transform_1(%arg0: i32, %arg1: memref<15xi32, #tpu.memory_space<smem>>) -> (i32, i32, i32) {
    %get3A = arith.index_cast %arg0 : i32 to index
    %get3A_0 = memref.load %arg1[%get3A] : memref<15xi32, #tpu.memory_space<smem>>
    %min3A = arith.constant 7 : i32
    %min3A_1 = arith.minsi %get3A_0, %min3A : i32
    %c0_i32 = arith.constant 0 : i32
    %c0_i32_2 = arith.constant 0 : i32
    %c0_i32_3 = arith.constant 0 : i32
    return %min3A_1, %c0_i32, %c0_i32_2 : i32, i32, i32
  }
  func.func @transform_2(%arg0: i32, %arg1: memref<15xi32, #tpu.memory_space<smem>>) -> (i32, i32, i32) {
    %get3A = arith.index_cast %arg0 : i32 to index
    %get3A_0 = memref.load %arg1[%get3A] : memref<15xi32, #tpu.memory_space<smem>>
    %min3A = arith.constant 7 : i32
    %min3A_1 = arith.minsi %get3A_0, %min3A : i32
    %c0_i32 = arith.constant 0 : i32
    %c0_i32_2 = arith.constant 0 : i32
    %c0_i32_3 = arith.constant 0 : i32
    return %min3A_1, %c0_i32, %c0_i32_2 : i32, i32, i32
  }
  func.func @transform_3(%arg0: i32, %arg1: memref<15xi32, #tpu.memory_space<smem>>) -> (i32, i32) {
    %c0_i32 = arith.constant 0 : i32
    %c0_i32_0 = arith.constant 0 : i32
    return %arg0, %c0_i32 : i32, i32
  }
  func.func @transform_4(%arg0: i32, %arg1: memref<15xi32, #tpu.memory_space<smem>>) -> (i32, i32) {
    %c0_i32 = arith.constant 0 : i32
    %c0_i32_0 = arith.constant 0 : i32
    return %arg0, %c0_i32 : i32, i32
  }
}

</mosaic_0001>

<sc_bundles>
// kernel: kernel.6.cloned.1.call-start
scs
__scs_entry_jumppad:
0x0: {  	(pc) =	sbr.rel $0x88, $3  }
0x1: {  	(tag) =	ssettag $0x0;
	lr =	simm.s32 $0x1  }
0x2: {  	[smem:$0x3F9D] =	sst lr;
	_ =	strace $0xD0000000  }
0x3: {  	_ = 	snop  }
0x4: {  	_ = 	snop  }
0x5: {  	_ = 	snop  }
0x6: {  	_ = 	snop  }
0x7: {  	_ = 	snop  }
__scs_overlays_trampoline_lowered:
0x8: {  	[smem:$0x3FAC] =	sst s0  }
0x9: {  	[smem:$0x3FAD] =	sst s1  }
0xa: {  	[smem:$0x3FAE] =	sst s2  }
0xb: {  	[smem:$0x3FAF] =	sst s3  }
0xc: {  	[smem:$0x3FB0] =	sst s4  }
0xd: {  	[smem:$0x3FB1] =	sst s5  }
0xe: {  	[smem:$0x3FB2] =	sst s6  }
0xf: {  	[smem:$0x3FB3] =	sst s7  }
0x10: {  	[smem:$0x3FB4] =	sst s8  }
0x11: {  	[smem:$0x3FB5] =	sst s9;
	s0 =	simm.s32 @!p0 $0x0  }
0x12: {  	s1 =	sld [smem:$0x3F9B];
	s0 =	simm.s32 @p0 $0x1  }
0x13: {  	[smem:$0x3FB6] =	sst s0;
	s0 =	simm.s32 @!p1 $0x0  }
0x14: {  	s2 =	sld [smem:$0x3F9A];
	s0 =	simm.s32 @p1 $0x1  }
0x15: {  	[smem:$0x3FB7] =	sst s0;
	s0 =	simm.s32 @!p2 $0x0  }
0x16: {  	s3 =	sld [smem:$0x3FDB];
	s0 =	simm.s32 @p2 $0x1  }
0x17: {  	s4 =	simm.s32 $0x1BF5;
	[smem:$0x3FB9] =	sst s0  }
0x18: {  	s0 =	sld [smem:$0x3F9C];
	_ =	swait.ge [sflag:s4], $0x0  }
0x19: {  	s7 =	sld [smem:$0x3F9D]  }
0x1a: {  	s8 =	sadd.s32 $0xFFFFE003, lr  }
0x1b: {  	s9 =	sadd.s32 $0xFFFFFEF7, lr;
	s5 =	simm.s32 $0xFFFFFFFF;
	p2 =	slt.u32 s8, $0xFFFFF086  }
0x1c: {  	p1 =	slt.u32 s9, $0xF7A;
	s5 =	simm.s32 @!p2 $0x0  }
0x1d: {  	s5 =	simm.s32 @p1 $0x1;
	p0 =	seq.s32 s7, s2  }
0x1e: {  	s7 =	smul.u32 @!p0 $0xF7A, s2;
	p2 =	seq.s32 @!p0 s5, $0x0  }
0x1f: {  	s9 =	smul.u32 $0xF7A, s1;
	s8 =	simm.s32 @!p0 $0x1BF5;
	p2 =	por !p2, p0  }
0x20: {  	[sflag:s8] =	ssyncset.s32 @!p0 $0xFFFFF086;
	s6 =	sadd.s32 @!p0 s3, s7;
	s7 =	simm.s32 @!p0 $0x108  }
0x21: {  	s3 =	sadd.s32 s3, s9;
	s6 =	sadd.s32 @!p0 $0x88, s6;
	s7 =	simm.s32 @p2 $0x1082  }
0x22: {  	[simem:s7], [sflag:s8] =	dma.local @!p0 [hbm:s6], $0xF7A  }
0x23: {  	s9 =	sor.u32 $0xD0000000, s2;
	s6 =	simm.s32 $0x108;
	_ =	swait.ge @!p0 [sflag:s8], $0x0  }
0x24: {  	s3 =	sadd.s32 $0x88, s3;
	s6 =	simm.s32 @!p1 $0x1082;
	[sflag:s4] =	ssyncset.s32 $0xFFFFF086  }
0x25: {  	[simem:s6], [sflag:s4] =	dma.local [hbm:s3], $0xF7A  }
0x26: {  	[smem:$0x3F9D] =	sst s1;
	(tag) =	ssettag s2;
	_ =	strace s9  }
0x27: {  	s1 =	sld [smem:$0x3FAD]  }
0x28: {  	s2 =	sld [smem:$0x3FAE]  }
0x29: {  	s4 =	sld [smem:$0x3FB0]  }
0x2a: {  	p0 =	seq.s32 s5, $0x0;
	s5 =	sld [smem:$0x3FB1]  }
0x2b: {  	s6 =	sld [smem:$0x3FB2]  }
0x2c: {  	s7 =	sld [smem:$0x3FB3]  }
0x2d: {  	s3 =	simm.s32 $0x108;
	s8 =	sld [smem:$0x3FB4]  }
0x2e: {  	s3 =	simm.s32 @!p0 $0x1082;
	s9 =	sld [smem:$0x3FB5]  }
0x2f: {  	lr =	sadd.s32 s0, s3;
	s0 =	sld [smem:$0x3FAC]  }
0x30: {  	s3 =	sld [smem:$0x3FAF]  }
0x31: {  	[smem:$0x3FB8] =	sst s10  }
0x32: {  	s10 =	sld [smem:$0x3FB6];
	_ =	sdelay $0x3  }
0x33: {  	p0 =	seq.s32 s10, $0x1;
	s10 =	sld [smem:$0x3FB8];
	_ =	sdelay $0x3  }
0x34: {  	[smem:$0x3FB8] =	sst s10  }
0x35: {  	s10 =	sld [smem:$0x3FB7];
	_ =	sdelay $0x3  }
0x36: {  	p1 =	seq.s32 s10, $0x1;
	s10 =	sld [smem:$0x3FB8];
	_ =	sdelay $0x3  }
0x37: {  	[smem:$0x3FB8] =	sst s10  }
0x38: {  	s10 =	sld [smem:$0x3FB9]  }
0x39: {  	_ = 	snop;
	(pc) =	sbr.ind lr, $3  }
0x3a: {  	_ = 	snop  }
0x3b: {  	_ = 	snop  }
0x3c: {  	p2 =	seq.s32 s10, $0x1;
	s10 =	sld [smem:$0x3FB8]  }
0x3d: {  	_ =	shalt  }
0x3e: {  	_ =	shalt  }
0x3f: {  	_ =	shalt  }
0x40: {  	_ =	shalt  }
0x41: {  	_ =	shalt  }
0x42: {  	_ =	shalt  }
0x43: {  	_ =	shalt  }
0x44: {  	_ =	shalt  }
0x45: {  	_ =	shalt  }
0x46: {  	_ =	shalt  }
0x47: {  	_ =	shalt  }
0x48: {  	_ =	shalt  }
0x49: {  	_ =	shalt  }
0x4a: {  	_ =	shalt  }
0x4b: {  	_ =	shalt  }
0x4c: {  	_ =	shalt  }
0x4d: {  	_ =	shalt  }
0x4e: {  	_ =	shalt  }
0x4f: {  	_ =	shalt  }
0x50: {  	_ =	shalt  }
0x51: {  	_ =	shalt  }
0x52: {  	_ =	shalt  }
0x53: {  	_ =	shalt  }
0x54: {  	_ =	shalt  }
0x55: {  	_ =	shalt  }
0x56: {  	_ =	shalt  }
0x57: {  	_ =	shalt  }
0x58: {  	_ =	shalt  }
0x59: {  	_ =	shalt  }
0x5a: {  	_ =	shalt  }
0x5b: {  	_ =	shalt  }
0x5c: {  	_ =	shalt  }
0x5d: {  	_ =	shalt  }
0x5e: {  	_ =	shalt  }
0x5f: {  	_ =	shalt  }
0x60: {  	_ =	shalt  }
0x61: {  	_ =	shalt  }
0x62: {  	_ =	shalt  }
0x63: {  	_ =	shalt  }
0x64: {  	_ =	shalt  }
0x65: {  	_ =	shalt  }
0x66: {  	_ =	shalt  }
0x67: {  	_ =	shalt  }
0x68: {  	_ =	shalt  }
0x69: {  	_ =	shalt  }
0x6a: {  	_ =	shalt  }
0x6b: {  	_ =	shalt  }
0x6c: {  	_ =	shalt  }
0x6d: {  	_ =	shalt  }
0x6e: {  	_ =	shalt  }
0x6f: {  	_ =	shalt  }
0x70: {  	_ =	shalt  }
0x71: {  	_ =	shalt  }
0x72: {  	_ =	shalt  }
0x73: {  	_ =	shalt  }
0x74: {  	_ =	shalt  }
0x75: {  	_ =	shalt  }
0x76: {  	_ =	shalt  }
0x77: {  	_ =	shalt  }
0x78: {  	_ =	shalt  }
0x79: {  	_ =	shalt  }
0x7a: {  	_ =	shalt  }
0x7b: {  	_ =	shalt  }
0x7c: {  	_ =	shalt  }
0x7d: {  	_ =	shalt  }
0x7e: {  	_ =	shalt  }
0x7f: {  	_ =	shalt  }
0x80: {  	_ =	shalt  }
0x81: {  	_ =	shalt  }
0x82: {  	_ =	shalt  }
0x83: {  	_ =	shalt  }
0x84: {  	_ =	shalt  }
0x85: {  	_ =	shalt  }
0x86: {  	_ =	shalt  }
0x87: {  	_ =	shalt  }
.Lfunc_end0:
.L_simem_size_0:
called_computation_lowered:
.L_overlay_start_0:
0x88: {  	s2 =	sld [smem:$0x3FD9]  }
0x89: {  	s3 =	sld [smem:$0x3FFE];
	_ =	sdelay $0x1  }
0x8a: {  	s1 =	srdreg.scid  }
0x8b: {  	s0 =	sand.u32 $0x1, s1  }
0x8c: {  	s17 =	sshll.u32 s0, $0xA;
	s2 =	sadd.s32 s3, s2  }
0x8d: {  	s2 =	sadd.s32 s2, s17  }
0x8e: {  	[smem:$0x3FC4] =	sst s2  }
0x8f: {  	_ = 	snop  }
0x90: {  	s2 =	sld [smem:$0x3FC9]  }
0x91: {  	s18 =	sld [smem:$0x3FD0];
	(tm) =	ssettm $0x1  }
0x92: {  	s4 =	sld [smem:$0x3FFB];
	_ =	sdelay $0x3  }
0x93: {  	_ =	strace s4  }
0x94: {  	s4 =	sld [smem:$0x3FFC];
	_ =	sdelay $0x3  }
0x95: {  	_ =	strace s4  }
0x96: {  	s4 =	sld [smem:$0x3FFD];
	_ =	sdelay $0x3  }
0x97: {  	_ =	strace s4  }
0x98: {  	_ =	strace $0x8FFFFFFF  }
0x99: {  	s19 =	sld [smem:$0x3FDB];
	_ =	sdelay $0x1  }
0x9a: {  	s5 =	simm.s32 $_scs_section_size  }
0x9b: {  	s6 =	simm.s32 $_size__tile_overlayer_lowered;
	s7 =	simm.s32 $_tile_overlayer_lowered  }
0x9c: {  	s22 =	simm.s32 $0x1BFF;
	s21 =	sshll.u32 s7, $0x1;
	s4 =	sadd.s32 s5, s19  }
0x9d: {  	s8 =	simm.s32 $0x0;
	s20 =	sshll.u32 s6, $0x1;
	s6 =	sadd.s32 s21, s4  }
0x9e: {  	[timem:s8], [sflag:s22] =	dma.local [hbm:s6], s20  }
0x9f: {  	_ =	swait.ge [sflag:s22], s20  }
0xa0: {  	s5 =	ssub.s32 $0x0, s20;
	[sflag:s22] =	ssyncset.done $0x0  }
0xa1: {  	[sflag:s22] =	ssyncadd.s32 s5;
	_ =	sdelay $0x1  }
0xa2: {  	s23 =	simm.s32 $0x1B8B  }
0xa3: {  	_ =	swait.ge [sflag:s23], $0x1  }
0xa4: {  	[sflag:s23] =	ssyncset.done $0x0  }
0xa5: {  	s25 =	simm.s32 $0x1B8E;
	s24 =	sld [smem:$0x3FFE];
	[sflag:s23] =	ssyncadd.s32 $0xFFFFFFFF  }
0xa6: {  	s26 =	simm.s32 $execute0_lowered;
	[smem:$0x3FD2] =	sst s25  }
0xa7: {  	s6 =	sshll.u32 s26, $0x1;
	_ =	strace $0x80000046;
	[dreg:$0x1] =	wrdreg $0xFFFFFFFF  }
0xa8: {  	s28 =	simm.s32 $_size_execute0_lowered;
	s4 =	sadd.s32 s4, s6;
	[dreg:$0x0] =	wrdreg $0x0  }
0xa9: {  	s6 =	sshll.u32 s28, $0x1;
	[dreg:$0x2] =	wrdreg s4  }
0xaa: {  	[dreg:$0x3] =	wrdreg s6  }
0xab: {  	[dreg:$0x4] =	wrdreg $0xC0  }
0xac: {  	_ =	task [dreg:s8], $0x5FFFF  }
0xad: {  	[dreg:$0x1] =	wrdreg $0xFFFFFFFF  }
0xae: {  	[dreg:$0x0] =	wrdreg $0x60  }
0xaf: {  	[dreg:$0x2] =	wrdreg s2  }
0xb0: {  	[dreg:$0x3] =	wrdreg s24  }
0xb1: {  	[dreg:$0x4] =	wrdreg s18  }
0xb2: {  	[dreg:$0x5] =	wrdreg $0x9  }
0xb3: {  	_ =	task.clear_ibuf [dreg:s8], $0x6FFFF;
	_ =	strace $0x90000046  }
0xb4: {  	s29 =	simm.s32 $0x9;
	_ =	strace $0x80000048  }
0xb5: {  	_ =	swait.ge [sflag:s29], $0x1  }
0xb6: {  	[sflag:s29] =	ssyncadd.s32 $0xFFFFFFFF  }
0xb7: {  	_ =	strace $0x90000048  }
0xb8: {  	_ =	sfence  }
0xb9: {  	s30 =	sld [smem:$0x0];
	_ =	sdelay $0x2  }
0xba: {  	s31 =	sshll.u32 s1, $0xD;
	s1 =	sshrl.u32 s1, $0x2  }
0xbb: {  	s3 =	sand.u32 $0x4000, s31;
	s1 =	sadd.s32 s1, s30  }
0xbc: {  	s0 =	sor.u32 s3, s0;
	s1 =	sshll.u32 s1, $0x11  }
0xbd: {  	s0 =	sor.u32 s1, s0  }
0xbe: {  	s0 =	sadd.s32 $0x8F2B, s0  }
0xbf: {  	[sflag:s0] =	ssyncadd.remote.s32 $0x1  }
0xc0: {  	_ =	sfence.sel $0xFFFF  }
0xc1: {  	[dreg:$0x0] =	wrdreg $0xFFFFFFFF;
	(pc) =	sbr.abs _section_cstart, $3  }
0xc2: {  	[dreg:$0x1] =	wrdreg $0xFFFFFFFF  }
0xc3: {  	_ =	task.clear_ibuf [dreg:s8], $0x2FFFF;
	_ =	strace $0x9FFFFFFF  }
0xc4: {  	(tm) =	ssettm $0x7FFFFFFF  }
0xc5: {  	_ =	shalt  }
tec
execute0_lowered:
.L_overlay_start_1:
0x0: {  	(tag) =	ssettag $0x1  }
0x1: {  	s1 =	srdreg.scid;
	s3 =	rddreg [dreg:$0x0]  }
0x2: {  	s0 =	stileid.u32;
	s6 =	rddreg [dreg:$0x2];
	s4 =	sand.u32 $0x1, s1  }
0x3: {  	s1 =	rddreg [dreg:$0x1];
	s2 =	sshll.u32 s0, $0x8;
	s5 =	sshll.u32 s4, $0x7  }
0x4: {  	[dreg:$0x4] =	wrdreg s6;
	s5 =	sor.u32 s5, s2;
	s2 =	simm.s32 $0x0  }
0x5: {  	s22 =	simm.s32 $0x880;
	[smem:$0x7FF] =	sst s2  }
0x6: {  	s23 =	simm.s32 $0x1080;
	_ =	strace $0x80000047;
	[dreg:$0x8] =	wrdreg s22  }
0x7: {  	s24 =	simm.s32 $0x1880;
	[dreg:$0x9] =	wrdreg s23  }
0x8: {  	s25 =	simm.s32 $0x2080;
	[dreg:$0xa] =	wrdreg s24  }
0x9: {  	s26 =	simm.s32 $0x2880;
	[dreg:$0xb] =	wrdreg s25  }
0xa: {  	s0 =	simm.s32 $0x3080;
	[dreg:$0xc] =	wrdreg s26  }
0xb: {  	s8 =	simm.s32 $0x5080;
	[dreg:$0xd] =	wrdreg s0  }
0xc: {  	s9 =	simm.s32 $0x5880;
	s10 =	simm.s32 $0x6080;
	[dreg:$0x11] =	wrdreg s8  }
0xd: {  	s11 =	simm.s32 $0x6880;
	s12 =	simm.s32 $0x7080;
	[dreg:$0x12] =	wrdreg s9  }
0xe: {  	s13 =	simm.s32 $0x7880;
	s14 =	simm.s32 $0x8080;
	[dreg:$0x13] =	wrdreg s10  }
0xf: {  	s15 =	simm.s32 $0x8880;
	s16 =	simm.s32 $0x9080;
	[dreg:$0x14] =	wrdreg s11  }
0x10: {  	s17 =	simm.s32 $0x9880;
	s18 =	simm.s32 $0xA080;
	[dreg:$0x15] =	wrdreg s12  }
0x11: {  	s28 =	simm.s32 $0x16880;
	s29 =	simm.s32 $0x17080;
	[dreg:$0x16] =	wrdreg s13  }
0x12: {  	s30 =	simm.s32 $0x17880;
	s4 =	ssub.s32 $0x2, s4;
	[dreg:$0x17] =	wrdreg s14  }
0x13: {  	s31 =	simm.s32 $0x1;
	s19 =	sshrl.u32 s4, $0x1;
	[dreg:$0x18] =	wrdreg s15  }
0x14: {  	s20 =	sshrl.u32 s5, $0x3;
	s5 =	sshll.u32 s5, $0x4;
	[dreg:$0x19] =	wrdreg s16  }
0x15: {  	s7 =	sand.u32 $0xF0, s20;
	s6 =	sadd.s32 s20, s1;
	[dreg:$0x1a] =	wrdreg s17  }
0x16: {  	s5 =	sadd.s32 s5, s1;
	[dreg:$0x1b] =	wrdreg s18;
	s20 =	simm.s32 $0xA880  }
0x17: {  	s22 =	simm.s32 $0xB880;
	s23 =	simm.s32 $0xC080;
	s24 =	simm.s32 $0xC880  }
0x18: {  	s25 =	simm.s32 $0xD080;
	s8 =	simm.s32 $0x80;
	s26 =	simm.s32 $0xD880  }
0x19: {  	s9 =	simm.s32 $0x18080;
	s11 =	simm.s32 $0xE880;
	s12 =	simm.s32 $0xF080  }
0x1a: {  	s13 =	simm.s32 $0xF880;
	s14 =	simm.s32 $0x10080;
	[dreg:$0x1c] =	wrdreg s20  }
0x1b: {  	s15 =	simm.s32 $0x10880;
	s16 =	simm.s32 $0x11080;
	[dreg:$0x1e] =	wrdreg s22  }
0x1c: {  	s17 =	simm.s32 $0x11880;
	s18 =	simm.s32 $0x12080;
	[dreg:$0x1f] =	wrdreg s23  }
0x1d: {  	s7 =	smul.u32 $0x300, s7;
	s6 =	sadd.s32 $0x10600, s6;
	[smem:$0x7FB] =	sst s24  }
0x1e: {  	s21 =	sadd.s32 $0x600, s5;
	s5 =	simm.s32 $0x3880;
	[smem:$0x7FC] =	sst s25  }
0x1f: {  	[smem:$0x7FD] =	sst s26;
	s20 =	simm.s32 $0x13080;
	s22 =	simm.s32 $0x14080  }
0x20: {  	s23 =	simm.s32 $0x14880;
	s24 =	simm.s32 $0x15080;
	[dreg:$0x5] =	wrdreg s6  }
0x21: {  	s25 =	simm.s32 $0x15880;
	s26 =	simm.s32 $0x16080;
	[dreg:$0x7] =	wrdreg s21  }
0x22: {  	[dreg:$0xe] =	wrdreg s5;
	s6 =	simm.s32 $0x4080;
	s21 =	simm.s32 $0xB080  }
0x23: {  	s5 =	sadd.s32 $0x10A00, s1;
	s3 =	sadd.s32 s3, s7;
	[dreg:$0xf] =	wrdreg s6  }
0x24: {  	s7 =	simm.s32 $0x4880;
	s6 =	ssub.s32 s4, s19;
	[dreg:$0x1d] =	wrdreg s21  }
0x25: {  	v2 =	vlaneseq.u32;
	s4 =	sadd.s32 $0x10900, s1;
	s19 =	simm.s32 $0x12880;
	[dreg:$0x6] =	wrdreg s3  }
0x26: {  	vm0 =	vmmov $0xffff;
	v1 =	vshrl.u32 v2, $0x3;
	s21 =	simm.s32 $0x13880;
	[dreg:$0x10] =	wrdreg s7;
	s3 =	sadd.s32 $0x10800, s1  }
0x27: {  	v0 =	vand.u32 $0x7, v2;
	v2 =	vor.u32 $0x8, v2;
	v1 =	vmul.u32 $0x8, v1;
	s6 =	smax.u32 s6, $0x1;
	s7 =	simm.s32 $0x3;
	s1 =	simm.s32 $0x2  }
.LBB2_1:
0x28: {  	s0 =	rddreg [dreg:$0x5]  }
0x29: {  	[tilespmem:s2], [sflag:$0x3] =	stream.linear.gather [hbm4b:s0+s2], $0x80, $0x38;
	[tilespmem:$0x1C080] =	vst v63  }
0x2a: {  	_ =	swait.ge [sflag:s7], $0x80  }
0x2b: {  	[sflag:s7] =	ssyncset.done $0x0  }
0x2c: {  	[sflag:s7] =	ssyncadd.s32 $0xFFFFFF80  }
0x2d: {  	v3 =	vld [tilespmem:$0x0]  }
0x2e: {  	v4 =	vld [tilespmem:$0x10]  }
0x2f: {  	v5 =	vld [tilespmem:$0x20]  }
0x30: {  	v6 =	vld [tilespmem:$0x30]  }
0x31: {  	v7 =	vld [tilespmem:$0x40]  }
0x32: {  	v8 =	vld [tilespmem:$0x50];
	vm1 =	vgt.s32 v3, $0x0  }
0x33: {  	v9 =	vld [tilespmem:$0x60];
	v3 =	vnsel vm1, $0x0, v3;
	vm1 =	vgt.s32 v4, $0x0  }
0x34: {  	v10 =	vld [tilespmem:$0x70];
	v3 =	vmin.u32 v3, $0x1DFF;
	v4 =	vnsel vm1, $0x0, v4;
	vm1 =	vgt.s32 v5, $0x0  }
0x35: {  	[tilespmem:$0x0] =	vst v3;
	v3 =	vmin.u32 v4, $0x1DFF;
	v51 =	vnsel vm1, $0x0, v5;
	vm1 =	vgt.s32 v6, $0x0  }
0x36: {  	[tilespmem:$0x10] =	vst v3;
	v3 =	vmin.u32 v51, $0x1DFF;
	v52 =	vnsel vm1, $0x0, v6;
	vm1 =	vgt.s32 v7, $0x0  }
0x37: {  	[tilespmem:$0x20] =	vst v3;
	v3 =	vmin.u32 v52, $0x1DFF;
	v53 =	vnsel vm1, $0x0, v7;
	vm1 =	vgt.s32 v8, $0x0  }
0x38: {  	[tilespmem:$0x30] =	vst v3;
	v3 =	vmin.u32 v53, $0x1DFF;
	v54 =	vnsel vm1, $0x0, v8;
	vm1 =	vgt.s32 v9, $0x0  }
0x39: {  	[tilespmem:$0x40] =	vst v3;
	v3 =	vmin.u32 v54, $0x1DFF;
	v55 =	vnsel vm1, $0x0, v9;
	vm1 =	vgt.s32 v10, $0x0  }
0x3a: {  	[tilespmem:$0x50] =	vst v3;
	v3 =	vnsel vm1, $0x0, v10;
	v4 =	vmin.u32 v55, $0x1DFF  }
0x3b: {  	[tilespmem:$0x60] =	vst v4;
	v3 =	vmin.u32 v3, $0x1DFF  }
0x3c: {  	s10 =	rddreg [dreg:$0x6];
	[tilespmem:$0x70] =	vst v3  }
0x3d: {  	[tilespmem:s8], [sflag:$0x3] =	stream.linear.gather [hbm4b:s10+s2], $0x18000, $0x38;
	[tilespmem:$0x1C080] =	vst v63  }
0x3e: {  	_ =	swait.ge [sflag:s7], $0x18000  }
0x3f: {  	[sflag:s7] =	ssyncset.done $0x0  }
0x40: {  	s10 =	rddreg [dreg:$0x7];
	[sflag:s7] =	ssyncadd.s32 $0xFFFE8000  }
0x41: {  	[tilespmem:s9], [sflag:$0x3] =	stream.linear.gather [hbm4b:s10+s2], $0x4000, $0x38;
	[tilespmem:$0x1C080] =	vst v63  }
0x42: {  	_ =	swait.ge [sflag:s7], $0x4000  }
0x43: {  	[sflag:s7] =	ssyncset.done $0x0  }
0x44: {  	[sflag:s7] =	ssyncadd.s32 $0xFFFFC000  }
0x45: {  	v3 =	vld [tilespmem:$0x0];
	_ =	sdelay $0x4  }
0x46: {  	v56 =	vshrl.u32 v3, $0x3  }
0x47: {  	v4 =	vmul.u32 $0x30, v56  }
0x48: {  	v3 =	vand.u32 $0x7, v3  }
0x49: {  	v3 =	vor.u32 v3, v4  }
0x4a: {  	v4 =	vperm.xlane v3, v0;
	_ =	sdelay $0x1  }
0x4b: {  	v4 =	vadd.s32 v1, v4;
	_ =	sdelay $0x3  }
0x4c: {  	v3 =	vperm.xlane v3, v2  }
0x4d: {  	[hbm4b:s3+s2] =	stream.indirect_vreg.scatter [tilespmem:s8], [sflag:$0x1], $0x80, v4, vm0, $0xb8;
	[tilespmem:$0x1C080] =	vst v63  }
0x4e: {  	s0 =	rddreg [dreg:$0x8];
	v3 =	vadd.s32 v1, v3  }
0x4f: {  	[hbm4b:s4+s2] =	stream.indirect_vreg.scatter [tilespmem:s0], [sflag:$0x1], $0x80, v4, vm0, $0xb8;
	[tilespmem:$0x1C080] =	vst v63  }
0x50: {  	s10 =	rddreg [dreg:$0x9]  }
0x51: {  	[hbm4b:s5+s2] =	stream.indirect_vreg.scatter [tilespmem:s10], [sflag:$0x1], $0x80, v4, vm0, $0xb8;
	[tilespmem:$0x1C080] =	vst v63  }
0x52: {  	s0 =	rddreg [dreg:$0xa]  }
0x53: {  	[hbm4b:s3+s2] =	stream.indirect_vreg.scatter [tilespmem:s0], [sflag:$0x1], $0x80, v3, vm0, $0xb8;
	[tilespmem:$0x1C080] =	vst v63  }
0x54: {  	s10 =	rddreg [dreg:$0xb]  }
0x55: {  	[hbm4b:s4+s2] =	stream.indirect_vreg.scatter [tilespmem:s10], [sflag:$0x1], $0x80, v3, vm0, $0xb8;
	[tilespmem:$0x1C080] =	vst v63  }
0x56: {  	s0 =	rddreg [dreg:$0xc]  }
0x57: {  	[hbm4b:s5+s2] =	stream.indirect_vreg.scatter [tilespmem:s0], [sflag:$0x1], $0x80, v3, vm0, $0xb8;
	[tilespmem:$0x1C080] =	vst v63  }
0x58: {  	v3 =	vld [tilespmem:$0x10];
	_ =	sdelay $0x4  }
0x59: {  	v57 =	vshrl.u32 v3, $0x3  }
0x5a: {  	v4 =	vmul.u32 $0x30, v57  }
0x5b: {  	v3 =	vand.u32 $0x7, v3  }
0x5c: {  	v3 =	vor.u32 v3, v4  }
0x5d: {  	v4 =	vperm.xlane v3, v0;
	_ =	sdelay $0x1  }
0x5e: {  	v4 =	vadd.s32 v1, v4;
	_ =	sdelay $0x3  }
0x5f: {  	s0 =	rddreg [dreg:$0xd];
	v3 =	vperm.xlane v3, v2  }
0x60: {  	[hbm4b:s3+s2] =	stream.indirect_vreg.scatter [tilespmem:s0], [sflag:$0x1], $0x80, v4, vm0, $0xb8;
	[tilespmem:$0x1C080] =	vst v63  }
0x61: {  	s10 =	rddreg [dreg:$0xe];
	v3 =	vadd.s32 v1, v3  }
0x62: {  	[hbm4b:s4+s2] =	stream.indirect_vreg.scatter [tilespmem:s10], [sflag:$0x1], $0x80, v4, vm0, $0xb8;
	[tilespmem:$0x1C080] =	vst v63  }
0x63: {  	s0 =	rddreg [dreg:$0xf]  }
0x64: {  	[hbm4b:s5+s2] =	stream.indirect_vreg.scatter [tilespmem:s0], [sflag:$0x1], $0x80, v4, vm0, $0xb8;
	[tilespmem:$0x1C080] =	vst v63  }
0x65: {  	s10 =	rddreg [dreg:$0x10]  }
0x66: {  	[hbm4b:s3+s2] =	stream.indirect_vreg.scatter [tilespmem:s10], [sflag:$0x1], $0x80, v3, vm0, $0xb8;
	[tilespmem:$0x1C080] =	vst v63  }
0x67: {  	s0 =	rddreg [dreg:$0x11]  }
0x68: {  	[hbm4b:s4+s2] =	stream.indirect_vreg.scatter [tilespmem:s0], [sflag:$0x1], $0x80, v3, vm0, $0xb8;
	[tilespmem:$0x1C080] =	vst v63  }
0x69: {  	s10 =	rddreg [dreg:$0x12]  }
0x6a: {  	[hbm4b:s5+s2] =	stream.indirect_vreg.scatter [tilespmem:s10], [sflag:$0x1], $0x80, v3, vm0, $0xb8;
	[tilespmem:$0x1C080] =	vst v63  }
0x6b: {  	v3 =	vld [tilespmem:$0x20];
	_ =	sdelay $0x4  }
0x6c: {  	v58 =	vshrl.u32 v3, $0x3  }
0x6d: {  	v4 =	vmul.u32 $0x30, v58  }
0x6e: {  	v3 =	vand.u32 $0x7, v3  }
0x6f: {  	v3 =	vor.u32 v3, v4  }
0x70: {  	v4 =	vperm.xlane v3, v0;
	_ =	sdelay $0x1  }
0x71: {  	v4 =	vadd.s32 v1, v4;
	_ =	sdelay $0x3  }
0x72: {  	s0 =	rddreg [dreg:$0x13];
	v3 =	vperm.xlane v3, v2  }
0x73: {  	[hbm4b:s3+s2] =	stream.indirect_vreg.scatter [tilespmem:s0], [sflag:$0x1], $0x80, v4, vm0, $0xb8;
	[tilespmem:$0x1C080] =	vst v63  }
0x74: {  	s10 =	rddreg [dreg:$0x14];
	v3 =	vadd.s32 v1, v3  }
0x75: {  	[hbm4b:s4+s2] =	stream.indirect_vreg.scatter [tilespmem:s10], [sflag:$0x1], $0x80, v4, vm0, $0xb8;
	[tilespmem:$0x1C080] =	vst v63  }
0x76: {  	s0 =	rddreg [dreg:$0x15]  }
0x77: {  	[hbm4b:s5+s2] =	stream.indirect_vreg.scatter [tilespmem:s0], [sflag:$0x1], $0x80, v4, vm0, $0xb8;
	[tilespmem:$0x1C080] =	vst v63  }
0x78: {  	s10 =	rddreg [dreg:$0x16]  }
0x79: {  	[hbm4b:s3+s2] =	stream.indirect_vreg.scatter [tilespmem:s10], [sflag:$0x1], $0x80, v3, vm0, $0xb8;
	[tilespmem:$0x1C080] =	vst v63  }
0x7a: {  	s0 =	rddreg [dreg:$0x17]  }
0x7b: {  	[hbm4b:s4+s2] =	stream.indirect_vreg.scatter [tilespmem:s0], [sflag:$0x1], $0x80, v3, vm0, $0xb8;
	[tilespmem:$0x1C080] =	vst v63  }
0x7c: {  	s10 =	rddreg [dreg:$0x18]  }
0x7d: {  	[hbm4b:s5+s2] =	stream.indirect_vreg.scatter [tilespmem:s10], [sflag:$0x1], $0x80, v3, vm0, $0xb8;
	[tilespmem:$0x1C080] =	vst v63  }
0x7e: {  	v3 =	vld [tilespmem:$0x30];
	_ =	sdelay $0x4  }
0x7f: {  	v59 =	vshrl.u32 v3, $0x3  }
0x80: {  	v4 =	vmul.u32 $0x30, v59  }
0x81: {  	v3 =	vand.u32 $0x7, v3  }
0x82: {  	v3 =	vor.u32 v3, v4  }
0x83: {  	v4 =	vperm.xlane v3, v0;
	_ =	sdelay $0x1  }
0x84: {  	v4 =	vadd.s32 v1, v4;
	_ =	sdelay $0x3  }
0x85: {  	s0 =	rddreg [dreg:$0x19];
	v3 =	vperm.xlane v3, v2  }
0x86: {  	[hbm4b:s3+s2] =	stream.indirect_vreg.scatter [tilespmem:s0], [sflag:$0x1], $0x80, v4, vm0, $0xb8;
	[tilespmem:$0x1C080] =	vst v63  }
0x87: {  	s10 =	rddreg [dreg:$0x1a];
	v3 =	vadd.s32 v1, v3  }
0x88: {  	[hbm4b:s4+s2] =	stream.indirect_vreg.scatter [tilespmem:s10], [sflag:$0x1], $0x80, v4, vm0, $0xb8;
	[tilespmem:$0x1C080] =	vst v63  }
0x89: {  	s0 =	rddreg [dreg:$0x1b]  }
0x8a: {  	[hbm4b:s5+s2] =	stream.indirect_vreg.scatter [tilespmem:s0], [sflag:$0x1], $0x80, v4, vm0, $0xb8;
	[tilespmem:$0x1C080] =	vst v63  }
0x8b: {  	s10 =	rddreg [dreg:$0x1c]  }
0x8c: {  	[hbm4b:s3+s2] =	stream.indirect_vreg.scatter [tilespmem:s10], [sflag:$0x1], $0x80, v3, vm0, $0xb8;
	[tilespmem:$0x1C080] =	vst v63  }
0x8d: {  	s0 =	rddreg [dreg:$0x1d]  }
0x8e: {  	[hbm4b:s4+s2] =	stream.indirect_vreg.scatter [tilespmem:s0], [sflag:$0x1], $0x80, v3, vm0, $0xb8;
	[tilespmem:$0x1C080] =	vst v63  }
0x8f: {  	s10 =	rddreg [dreg:$0x1e]  }
0x90: {  	[hbm4b:s5+s2] =	stream.indirect_vreg.scatter [tilespmem:s10], [sflag:$0x1], $0x80, v3, vm0, $0xb8;
	[tilespmem:$0x1C080] =	vst v63  }
0x91: {  	v3 =	vld [tilespmem:$0x40];
	_ =	sdelay $0x4  }
0x92: {  	v60 =	vshrl.u32 v3, $0x3  }
0x93: {  	v4 =	vmul.u32 $0x30, v60  }
0x94: {  	v3 =	vand.u32 $0x7, v3  }
0x95: {  	v3 =	vor.u32 v3, v4  }
0x96: {  	v4 =	vperm.xlane v3, v0;
	_ =	sdelay $0x1  }
0x97: {  	v4 =	vadd.s32 v1, v4;
	_ =	sdelay $0x2  }
0x98: {  	s0 =	rddreg [dreg:$0x1f]  }
0x99: {  	s10 =	sld [smem:$0x7FB];
	v3 =	vperm.xlane v3, v2  }
0x9a: {  	[hbm4b:s3+s2] =	stream.indirect_vreg.scatter [tilespmem:s0], [sflag:$0x1], $0x80, v4, vm0, $0xb8;
	[tilespmem:$0x1C080] =	vst v63  }
0x9b: {  	v3 =	vadd.s32 v1, v3;
	s0 =	sld [smem:$0x7FC]  }
0x9c: {  	[hbm4b:s4+s2] =	stream.indirect_vreg.scatter [tilespmem:s10], [sflag:$0x1], $0x80, v4, vm0, $0xb8;
	[tilespmem:$0x1C080] =	vst v63  }
0x9d: {  	s10 =	sld [smem:$0x7FD]  }
0x9e: {  	[hbm4b:s5+s2] =	stream.indirect_vreg.scatter [tilespmem:s0], [sflag:$0x1], $0x80, v4, vm0, $0xb8;
	[tilespmem:$0x1C080] =	vst v63  }
0x9f: {  	_ = 	snop  }
0xa0: {  	[hbm4b:s3+s2] =	stream.indirect_vreg.scatter [tilespmem:s10], [sflag:$0x1], $0x80, v3, vm0, $0xb8;
	[tilespmem:$0x1C080] =	vst v63  }
0xa1: {  	s10 =	simm.s32 $0xE080  }
0xa2: {  	[hbm4b:s4+s2] =	stream.indirect_vreg.scatter [tilespmem:s10], [sflag:$0x1], $0x80, v3, vm0, $0xb8;
	[tilespmem:$0x1C080] =	vst v63  }
0xa3: {  	_ = 	snop  }
0xa4: {  	[hbm4b:s5+s2] =	stream.indirect_vreg.scatter [tilespmem:s11], [sflag:$0x1], $0x80, v3, vm0, $0xb8;
	[tilespmem:$0x1C080] =	vst v63  }
0xa5: {  	v3 =	vld [tilespmem:$0x50];
	_ =	sdelay $0x4  }
0xa6: {  	v61 =	vshrl.u32 v3, $0x3  }
0xa7: {  	v4 =	vmul.u32 $0x30, v61  }
0xa8: {  	v3 =	vand.u32 $0x7, v3  }
0xa9: {  	v3 =	vor.u32 v3, v4  }
0xaa: {  	v4 =	vperm.xlane v3, v0;
	_ =	sdelay $0x1  }
0xab: {  	v4 =	vadd.s32 v1, v4;
	_ =	sdelay $0x3  }
0xac: {  	v3 =	vperm.xlane v3, v2  }
0xad: {  	[hbm4b:s3+s2] =	stream.indirect_vreg.scatter [tilespmem:s12], [sflag:$0x1], $0x80, v4, vm0, $0xb8;
	[tilespmem:$0x1C080] =	vst v63  }
0xae: {  	v3 =	vadd.s32 v1, v3  }
0xaf: {  	[hbm4b:s4+s2] =	stream.indirect_vreg.scatter [tilespmem:s13], [sflag:$0x1], $0x80, v4, vm0, $0xb8;
	[tilespmem:$0x1C080] =	vst v63  }
0xb0: {  	_ = 	snop  }
0xb1: {  	[hbm4b:s5+s2] =	stream.indirect_vreg.scatter [tilespmem:s14], [sflag:$0x1], $0x80, v4, vm0, $0xb8;
	[tilespmem:$0x1C080] =	vst v63  }
0xb2: {  	_ = 	snop  }
0xb3: {  	[hbm4b:s3+s2] =	stream.indirect_vreg.scatter [tilespmem:s15], [sflag:$0x1], $0x80, v3, vm0, $0xb8;
	[tilespmem:$0x1C080] =	vst v63  }
0xb4: {  	_ = 	snop  }
0xb5: {  	[hbm4b:s4+s2] =	stream.indirect_vreg.scatter [tilespmem:s16], [sflag:$0x1], $0x80, v3, vm0, $0xb8;
	[tilespmem:$0x1C080] =	vst v63  }
0xb6: {  	_ = 	snop  }
0xb7: {  	[hbm4b:s5+s2] =	stream.indirect_vreg.scatter [tilespmem:s17], [sflag:$0x1], $0x80, v3, vm0, $0xb8;
	[tilespmem:$0x1C080] =	vst v63  }
0xb8: {  	v3 =	vld [tilespmem:$0x60];
	_ =	sdelay $0x4  }
0xb9: {  	v62 =	vshrl.u32 v3, $0x3  }
0xba: {  	v4 =	vmul.u32 $0x30, v62  }
0xbb: {  	v3 =	vand.u32 $0x7, v3  }
0xbc: {  	v3 =	vor.u32 v3, v4  }
0xbd: {  	v4 =	vperm.xlane v3, v0;
	_ =	sdelay $0x1  }
0xbe: {  	v4 =	vadd.s32 v1, v4;
	_ =	sdelay $0x3  }
0xbf: {  	v3 =	vperm.xlane v3, v2  }
0xc0: {  	[hbm4b:s3+s2] =	stream.indirect_vreg.scatter [tilespmem:s18], [sflag:$0x1], $0x80, v4, vm0, $0xb8;
	[tilespmem:$0x1C080] =	vst v63  }
0xc1: {  	v3 =	vadd.s32 v1, v3  }
0xc2: {  	[hbm4b:s4+s2] =	stream.indirect_vreg.scatter [tilespmem:s19], [sflag:$0x1], $0x80, v4, vm0, $0xb8;
	[tilespmem:$0x1C080] =	vst v63  }
0xc3: {  	_ = 	snop  }
0xc4: {  	[hbm4b:s5+s2] =	stream.indirect_vreg.scatter [tilespmem:s20], [sflag:$0x1], $0x80, v4, vm0, $0xb8;
	[tilespmem:$0x1C080] =	vst v63  }
0xc5: {  	_ = 	snop  }
0xc6: {  	[hbm4b:s3+s2] =	stream.indirect_vreg.scatter [tilespmem:s21], [sflag:$0x1], $0x80, v3, vm0, $0xb8;
	[tilespmem:$0x1C080] =	vst v63  }
0xc7: {  	_ = 	snop  }
0xc8: {  	[hbm4b:s4+s2] =	stream.indirect_vreg.scatter [tilespmem:s22], [sflag:$0x1], $0x80, v3, vm0, $0xb8;
	[tilespmem:$0x1C080] =	vst v63  }
0xc9: {  	_ = 	snop  }
0xca: {  	[hbm4b:s5+s2] =	stream.indirect_vreg.scatter [tilespmem:s23], [sflag:$0x1], $0x80, v3, vm0, $0xb8;
	[tilespmem:$0x1C080] =	vst v63  }
0xcb: {  	v3 =	vld [tilespmem:$0x70];
	_ =	sdelay $0x4  }
0xcc: {  	v63 =	vshrl.u32 v3, $0x3  }
0xcd: {  	v4 =	vmul.u32 $0x30, v63  }
0xce: {  	v3 =	vand.u32 $0x7, v3  }
0xcf: {  	v3 =	vor.u32 v3, v4  }
0xd0: {  	v4 =	vperm.xlane v3, v0;
	_ =	sdelay $0x1  }
0xd1: {  	v4 =	vadd.s32 v1, v4;
	_ =	sdelay $0x3  }
0xd2: {  	v3 =	vperm.xlane v3, v2  }
0xd3: {  	[hbm4b:s3+s2] =	stream.indirect_vreg.scatter [tilespmem:s24], [sflag:$0x1], $0x80, v4, vm0, $0xb8;
	[tilespmem:$0x1C080] =	vst v63  }
0xd4: {  	v3 =	vadd.s32 v1, v3  }
0xd5: {  	[hbm4b:s4+s2] =	stream.indirect_vreg.scatter [tilespmem:s25], [sflag:$0x1], $0x80, v4, vm0, $0xb8;
	[tilespmem:$0x1C080] =	vst v63  }
0xd6: {  	_ = 	snop  }
0xd7: {  	[hbm4b:s5+s2] =	stream.indirect_vreg.scatter [tilespmem:s26], [sflag:$0x1], $0x80, v4, vm0, $0xb8;
	[tilespmem:$0x1C080] =	vst v63  }
0xd8: {  	_ = 	snop  }
0xd9: {  	[hbm4b:s3+s2] =	stream.indirect_vreg.scatter [tilespmem:s28], [sflag:$0x1], $0x80, v3, vm0, $0xb8;
	[tilespmem:$0x1C080] =	vst v63  }
0xda: {  	_ = 	snop  }
0xdb: {  	[hbm4b:s4+s2] =	stream.indirect_vreg.scatter [tilespmem:s29], [sflag:$0x1], $0x80, v3, vm0, $0xb8;
	[tilespmem:$0x1C080] =	vst v63  }
0xdc: {  	_ = 	snop  }
0xdd: {  	[hbm4b:s5+s2] =	stream.indirect_vreg.scatter [tilespmem:s30], [sflag:$0x1], $0x80, v3, vm0, $0xb8;
	[tilespmem:$0x1C080] =	vst v63  }
0xde: {  	s10 =	rddreg [dreg:$0x4]  }
0xdf: {  	[hbm4b:s10+s8] =	stream.indirect.scatter [tilespmem:s9], [sflag:$0x2], $0x80, s2, s8, $0xb8;
	[tilespmem:$0x1C080] =	vst v63  }
0xe0: {  	p0 =	sne.s32 s6, $0x1;
	_ =	swait.ge [sflag:s31], $0x18000  }
.Ltmp0:
0xe1: {  	[sflag:s31] =	ssyncset.done $0x0;
	(pc) =	sbr.rel @p0 .LBB2_1-.Ltmp0, $4  }
0xe2: {  	[sflag:s31] =	ssyncadd.s32 $0xFFFE8000  }
0xe3: {  	_ =	swait.ge [sflag:s1], $0x4000  }
0xe4: {  	[sflag:s1] =	ssyncset.done $0x0  }
0xe5: {  	s6 =	sadd.s32 $0xFFFFFFFF, s6;
	[sflag:s1] =	ssyncadd.s32 $0xFFFFC000  }
0xe6: {  	_ =	sfence.sel $0x180000  }
0xe7: {  	[bflag:$0x0] =	sbarrier.arrive $0xFFFF  }
0xe8: {  	_ =	strace $0x90000047  }
0xe9: {  	s0 =	stileid.u32;
	[bflag:$0x2] =	sbarrier.arrive $0xFFFF  }
0xea: {  	p0 =	sne.s32 s0, $0x0;
	s0 =	rddreg [dreg:$0x3]  }
0xeb: {  	s0 =	sadd.s32 @!p0 $0x100000, s0  }
0xec: {  	[sflag:s0] =	ssyncadd.tile.s32 @!p0 $0x1;
	_ =	shalt  }
.Lfunc_end2:
_tile_overlayer_lowered:
.L_overlay_start_2:
0xed: {  	(tag) =	ssettag $0x2  }
0xee: {  	s0 =	rddreg [dreg:$0x0];
	s2 =	stileid.u32  }
0xef: {  	s1 =	rddreg [dreg:$0x1];
	p0 =	sne.s32 s2, $0x0  }
0xf0: {  	s3 =	rddreg [dreg:$0x2];
	[bflag:$0x3] =	sbarrier.arrive $0xFFFF;
	s2 =	simm.s32 @!p0 $0x1C03  }
0xf1: {  	[timem:s3], [sflag:s2] =	dma.local @!p0 [hbm:s0], s1  }
0xf2: {  	s0 =	simm.s32 @!p0 $0x3  }
0xf3: {  	_ =	swait.ge @!p0 [sflag:s0], s1  }
0xf4: {  	s1 =	ssub.s32 @!p0 $0x0, s1;
	[sflag:s0] =	ssyncset.done @!p0 $0x0  }
0xf5: {  	[sflag:s0] =	ssyncadd.s32 @!p0 s1  }
0xf6: {  	[bflag:$0x3] =	sbarrier.arrive $0xFFFF  }
0xf7: {  	_ =	shalt  }

// kernel: kernel.9.cloned.1.call-start
scs
__scs_entry_jumppad:
0x0: {  	(pc) =	sbr.rel $0x88, $3  }
0x1: {  	(tag) =	ssettag $0x0;
	lr =	simm.s32 $0x1  }
0x2: {  	[smem:$0x3F9D] =	sst lr;
	_ =	strace $0xD0000000  }
0x3: {  	_ = 	snop  }
0x4: {  	_ = 	snop  }
0x5: {  	_ = 	snop  }
0x6: {  	_ = 	snop  }
0x7: {  	_ = 	snop  }
__scs_overlays_trampoline_lowered:
0x8: {  	[smem:$0x3FAC] =	sst s0  }
0x9: {  	[smem:$0x3FAD] =	sst s1  }
0xa: {  	[smem:$0x3FAE] =	sst s2  }
0xb: {  	[smem:$0x3FAF] =	sst s3  }
0xc: {  	[smem:$0x3FB0] =	sst s4  }
0xd: {  	[smem:$0x3FB1] =	sst s5  }
0xe: {  	[smem:$0x3FB2] =	sst s6  }
0xf: {  	[smem:$0x3FB3] =	sst s7  }
0x10: {  	[smem:$0x3FB4] =	sst s8  }
0x11: {  	[smem:$0x3FB5] =	sst s9;
	s0 =	simm.s32 @!p0 $0x0  }
0x12: {  	s1 =	sld [smem:$0x3F9B];
	s0 =	simm.s32 @p0 $0x1  }
0x13: {  	[smem:$0x3FB6] =	sst s0;
	s0 =	simm.s32 @!p1 $0x0  }
0x14: {  	s2 =	sld [smem:$0x3F9A];
	s0 =	simm.s32 @p1 $0x1  }
0x15: {  	[smem:$0x3FB7] =	sst s0;
	s0 =	simm.s32 @!p2 $0x0  }
0x16: {  	s3 =	sld [smem:$0x3FDB];
	s0 =	simm.s32 @p2 $0x1  }
0x17: {  	s4 =	simm.s32 $0x1BF5;
	[smem:$0x3FB9] =	sst s0  }
0x18: {  	s0 =	sld [smem:$0x3F9C];
	_ =	swait.ge [sflag:s4], $0x0  }
0x19: {  	s7 =	sld [smem:$0x3F9D]  }
0x1a: {  	s8 =	sadd.s32 $0xFFFFE003, lr  }
0x1b: {  	s9 =	sadd.s32 $0xFFFFFEF7, lr;
	s5 =	simm.s32 $0xFFFFFFFF;
	p2 =	slt.u32 s8, $0xFFFFF086  }
0x1c: {  	p1 =	slt.u32 s9, $0xF7A;
	s5 =	simm.s32 @!p2 $0x0  }
0x1d: {  	s5 =	simm.s32 @p1 $0x1;
	p0 =	seq.s32 s7, s2  }
0x1e: {  	s7 =	smul.u32 @!p0 $0xF7A, s2;
	p2 =	seq.s32 @!p0 s5, $0x0  }
0x1f: {  	s9 =	smul.u32 $0xF7A, s1;
	s8 =	simm.s32 @!p0 $0x1BF5;
	p2 =	por !p2, p0  }
0x20: {  	[sflag:s8] =	ssyncset.s32 @!p0 $0xFFFFF086;
	s6 =	sadd.s32 @!p0 s3, s7;
	s7 =	simm.s32 @!p0 $0x108  }
0x21: {  	s3 =	sadd.s32 s3, s9;
	s6 =	sadd.s32 @!p0 $0x88, s6;
	s7 =	simm.s32 @p2 $0x1082  }
0x22: {  	[simem:s7], [sflag:s8] =	dma.local @!p0 [hbm:s6], $0xF7A  }
0x23: {  	s9 =	sor.u32 $0xD0000000, s2;
	s6 =	simm.s32 $0x108;
	_ =	swait.ge @!p0 [sflag:s8], $0x0  }
0x24: {  	s3 =	sadd.s32 $0x88, s3;
	s6 =	simm.s32 @!p1 $0x1082;
	[sflag:s4] =	ssyncset.s32 $0xFFFFF086  }
0x25: {  	[simem:s6], [sflag:s4] =	dma.local [hbm:s3], $0xF7A  }
0x26: {  	[smem:$0x3F9D] =	sst s1;
	(tag) =	ssettag s2;
	_ =	strace s9  }
0x27: {  	s1 =	sld [smem:$0x3FAD]  }
0x28: {  	s2 =	sld [smem:$0x3FAE]  }
0x29: {  	s4 =	sld [smem:$0x3FB0]  }
0x2a: {  	p0 =	seq.s32 s5, $0x0;
	s5 =	sld [smem:$0x3FB1]  }
0x2b: {  	s6 =	sld [smem:$0x3FB2]  }
0x2c: {  	s7 =	sld [smem:$0x3FB3]  }
0x2d: {  	s3 =	simm.s32 $0x108;
	s8 =	sld [smem:$0x3FB4]  }
0x2e: {  	s3 =	simm.s32 @!p0 $0x1082;
	s9 =	sld [smem:$0x3FB5]  }
0x2f: {  	lr =	sadd.s32 s0, s3;
	s0 =	sld [smem:$0x3FAC]  }
0x30: {  	s3 =	sld [smem:$0x3FAF]  }
0x31: {  	[smem:$0x3FB8] =	sst s10  }
0x32: {  	s10 =	sld [smem:$0x3FB6];
	_ =	sdelay $0x3  }
0x33: {  	p0 =	seq.s32 s10, $0x1;
	s10 =	sld [smem:$0x3FB8];
	_ =	sdelay $0x3  }
0x34: {  	[smem:$0x3FB8] =	sst s10  }
0x35: {  	s10 =	sld [smem:$0x3FB7];
	_ =	sdelay $0x3  }
0x36: {  	p1 =	seq.s32 s10, $0x1;
	s10 =	sld [smem:$0x3FB8];
	_ =	sdelay $0x3  }
0x37: {  	[smem:$0x3FB8] =	sst s10  }
0x38: {  	s10 =	sld [smem:$0x3FB9]  }
0x39: {  	_ = 	snop;
	(pc) =	sbr.ind lr, $3  }
0x3a: {  	_ = 	snop  }
0x3b: {  	_ = 	snop  }
0x3c: {  	p2 =	seq.s32 s10, $0x1;
	s10 =	sld [smem:$0x3FB8]  }
0x3d: {  	_ =	shalt  }
0x3e: {  	_ =	shalt  }
0x3f: {  	_ =	shalt  }
0x40: {  	_ =	shalt  }
0x41: {  	_ =	shalt  }
0x42: {  	_ =	shalt  }
0x43: {  	_ =	shalt  }
0x44: {  	_ =	shalt  }
0x45: {  	_ =	shalt  }
0x46: {  	_ =	shalt  }
0x47: {  	_ =	shalt  }
0x48: {  	_ =	shalt  }
0x49: {  	_ =	shalt  }
0x4a: {  	_ =	shalt  }
0x4b: {  	_ =	shalt  }
0x4c: {  	_ =	shalt  }
0x4d: {  	_ =	shalt  }
0x4e: {  	_ =	shalt  }
0x4f: {  	_ =	shalt  }
0x50: {  	_ =	shalt  }
0x51: {  	_ =	shalt  }
0x52: {  	_ =	shalt  }
0x53: {  	_ =	shalt  }
0x54: {  	_ =	shalt  }
0x55: {  	_ =	shalt  }
0x56: {  	_ =	shalt  }
0x57: {  	_ =	shalt  }
0x58: {  	_ =	shalt  }
0x59: {  	_ =	shalt  }
0x5a: {  	_ =	shalt  }
0x5b: {  	_ =	shalt  }
0x5c: {  	_ =	shalt  }
0x5d: {  	_ =	shalt  }
0x5e: {  	_ =	shalt  }
0x5f: {  	_ =	shalt  }
0x60: {  	_ =	shalt  }
0x61: {  	_ =	shalt  }
0x62: {  	_ =	shalt  }
0x63: {  	_ =	shalt  }
0x64: {  	_ =	shalt  }
0x65: {  	_ =	shalt  }
0x66: {  	_ =	shalt  }
0x67: {  	_ =	shalt  }
0x68: {  	_ =	shalt  }
0x69: {  	_ =	shalt  }
0x6a: {  	_ =	shalt  }
0x6b: {  	_ =	shalt  }
0x6c: {  	_ =	shalt  }
0x6d: {  	_ =	shalt  }
0x6e: {  	_ =	shalt  }
0x6f: {  	_ =	shalt  }
0x70: {  	_ =	shalt  }
0x71: {  	_ =	shalt  }
0x72: {  	_ =	shalt  }
0x73: {  	_ =	shalt  }
0x74: {  	_ =	shalt  }
0x75: {  	_ =	shalt  }
0x76: {  	_ =	shalt  }
0x77: {  	_ =	shalt  }
0x78: {  	_ =	shalt  }
0x79: {  	_ =	shalt  }
0x7a: {  	_ =	shalt  }
0x7b: {  	_ =	shalt  }
0x7c: {  	_ =	shalt  }
0x7d: {  	_ =	shalt  }
0x7e: {  	_ =	shalt  }
0x7f: {  	_ =	shalt  }
0x80: {  	_ =	shalt  }
0x81: {  	_ =	shalt  }
0x82: {  	_ =	shalt  }
0x83: {  	_ =	shalt  }
0x84: {  	_ =	shalt  }
0x85: {  	_ =	shalt  }
0x86: {  	_ =	shalt  }
0x87: {  	_ =	shalt  }
.Lfunc_end0:
.L_simem_size_0:
called_computation.1_lowered:
.L_overlay_start_0:
0x88: {  	s2 =	sld [smem:$0x3FD9]  }
0x89: {  	s3 =	sld [smem:$0x3FFE];
	_ =	sdelay $0x1  }
0x8a: {  	s1 =	srdreg.scid  }
0x8b: {  	s0 =	sand.u32 $0x1, s1  }
0x8c: {  	s17 =	sshll.u32 s0, $0xA;
	s2 =	sadd.s32 s3, s2  }
0x8d: {  	s2 =	sadd.s32 s2, s17  }
0x8e: {  	[smem:$0x3FC4] =	sst s2  }
0x8f: {  	_ = 	snop  }
0x90: {  	s2 =	sld [smem:$0x3FD0];
	(tm) =	ssettm $0x1  }
0x91: {  	s18 =	sld [smem:$0x3FFB];
	_ =	sdelay $0x3  }
0x92: {  	_ =	strace s18  }
0x93: {  	s3 =	sld [smem:$0x3FFC];
	_ =	sdelay $0x3  }
0x94: {  	_ =	strace s3  }
0x95: {  	s3 =	sld [smem:$0x3FFD];
	_ =	sdelay $0x3  }
0x96: {  	_ =	strace s3  }
0x97: {  	_ =	strace $0x8FFFFFFF  }
0x98: {  	s19 =	sld [smem:$0x3FDB];
	_ =	sdelay $0x1  }
0x99: {  	s4 =	simm.s32 $_scs_section_size  }
0x9a: {  	s5 =	simm.s32 $_size__tile_overlayer_lowered;
	s6 =	simm.s32 $_tile_overlayer_lowered  }
0x9b: {  	s22 =	simm.s32 $0x1BFF;
	s21 =	sshll.u32 s6, $0x1;
	s3 =	sadd.s32 s4, s19  }
0x9c: {  	s7 =	simm.s32 $0x0;
	s20 =	sshll.u32 s5, $0x1;
	s5 =	sadd.s32 s21, s3  }
0x9d: {  	[timem:s7], [sflag:s22] =	dma.local [hbm:s5], s20  }
0x9e: {  	_ =	swait.ge [sflag:s22], s20  }
0x9f: {  	s4 =	ssub.s32 $0x0, s20;
	[sflag:s22] =	ssyncset.done $0x0  }
0xa0: {  	[sflag:s22] =	ssyncadd.s32 s4;
	_ =	sdelay $0x1  }
0xa1: {  	s23 =	simm.s32 $0x1B8B  }
0xa2: {  	_ =	swait.ge [sflag:s23], $0x1  }
0xa3: {  	[sflag:s23] =	ssyncset.done $0x0  }
0xa4: {  	s25 =	simm.s32 $0x1B8E;
	s24 =	sld [smem:$0x3FFE];
	[sflag:s23] =	ssyncadd.s32 $0xFFFFFFFF  }
0xa5: {  	s26 =	simm.s32 $execute0_lowered;
	[smem:$0x3FD2] =	sst s25  }
0xa6: {  	s5 =	sshll.u32 s26, $0x1;
	_ =	strace $0x80000049;
	[dreg:$0x1] =	wrdreg $0xFFFFFFFF  }
0xa7: {  	s28 =	simm.s32 $_size_execute0_lowered;
	s3 =	sadd.s32 s3, s5;
	[dreg:$0x0] =	wrdreg $0x0  }
0xa8: {  	s5 =	sshll.u32 s28, $0x1;
	[dreg:$0x2] =	wrdreg s3  }
0xa9: {  	[dreg:$0x3] =	wrdreg s5  }
0xaa: {  	[dreg:$0x4] =	wrdreg $0xC0  }
0xab: {  	_ =	task [dreg:s7], $0x5FFFF  }
0xac: {  	[dreg:$0x1] =	wrdreg $0xFFFFFFFF  }
0xad: {  	[dreg:$0x0] =	wrdreg $0x60  }
0xae: {  	[dreg:$0x2] =	wrdreg s24  }
0xaf: {  	[dreg:$0x3] =	wrdreg s2  }
0xb0: {  	[dreg:$0x4] =	wrdreg $0x9  }
0xb1: {  	_ =	task.clear_ibuf [dreg:s7], $0x5FFFF;
	_ =	strace $0x90000049  }
0xb2: {  	s29 =	simm.s32 $0x9;
	_ =	strace $0x8000004B  }
0xb3: {  	_ =	swait.ge [sflag:s29], $0x1  }
0xb4: {  	[sflag:s29] =	ssyncadd.s32 $0xFFFFFFFF  }
0xb5: {  	_ =	strace $0x9000004B  }
0xb6: {  	_ =	sfence  }
0xb7: {  	s30 =	sld [smem:$0x0];
	_ =	sdelay $0x2  }
0xb8: {  	s31 =	sshll.u32 s1, $0xD;
	s1 =	sshrl.u32 s1, $0x2  }
0xb9: {  	s3 =	sand.u32 $0x4000, s31;
	s1 =	sadd.s32 s1, s30  }
0xba: {  	s0 =	sor.u32 s3, s0;
	s1 =	sshll.u32 s1, $0x11  }
0xbb: {  	s0 =	sor.u32 s1, s0  }
0xbc: {  	s0 =	sadd.s32 $0x8F2B, s0  }
0xbd: {  	[sflag:s0] =	ssyncadd.remote.s32 $0x1  }
0xbe: {  	_ =	sfence.sel $0xFFFF  }
0xbf: {  	[dreg:$0x0] =	wrdreg $0xFFFFFFFF;
	(pc) =	sbr.abs _section_cstart, $3  }
0xc0: {  	[dreg:$0x1] =	wrdreg $0xFFFFFFFF  }
0xc1: {  	_ =	task.clear_ibuf [dreg:s7], $0x2FFFF;
	_ =	strace $0x9FFFFFFF  }
0xc2: {  	(tm) =	ssettm $0x7FFFFFFF  }
0xc3: {  	_ =	shalt  }
tec
execute0_lowered:
.L_overlay_start_1:
0x0: {  	(tag) =	ssettag $0x1  }
0x1: {  	s0 =	rddreg [dreg:$0x0]  }
0x2: {  	s1 =	rddreg [dreg:$0x1]  }
0x3: {  	s2 =	simm.s32 $0x0;
	s3 =	srdreg.scid;
	s5 =	stileid.u32  }
0x4: {  	s10 =	simm.s32 $0x3;
	s12 =	simm.s32 $0x100;
	s26 =	simm.s32 $0x11900  }
0x5: {  	s28 =	simm.s32 $0x12100;
	s29 =	simm.s32 $0x12900;
	s30 =	simm.s32 $0x13100  }
0x6: {  	s31 =	simm.s32 $0x13900;
	s11 =	simm.s32 $0x15100;
	s13 =	simm.s32 $0x15900  }
0x7: {  	s14 =	simm.s32 $0x16100;
	s15 =	simm.s32 $0x16900;
	s16 =	simm.s32 $0x17100  }
0x8: {  	s17 =	simm.s32 $0x17900;
	s18 =	simm.s32 $0x1;
	s19 =	simm.s32 $0x2  }
0x9: {  	s20 =	simm.s32 $0x0;
	[smem:$0x7FF] =	sst s2;
	s4 =	sand.u32 $0x1, s3  }
0xa: {  	s5 =	sshll.u32 s5, $0x4;
	s3 =	sadd.s32 $0xC4800, s0;
	s6 =	sshll.u32 s4, $0x3  }
0xb: {  	_ =	strace $0x8000004A;
	s4 =	ssub.s32 $0x2, s4;
	s5 =	sor.u32 s6, s5  }
0xc: {  	s7 =	sshrl.u32 s4, $0x1;
	s6 =	sadd.s32 s5, s0;
	s8 =	smul.u32 $0x300, s5  }
0xd: {  	v2 =	vlaneseq.u32;
	s9 =	ssub.s32 s4, s7;
	s7 =	sadd.s32 $0xC4A00, s0;
	s4 =	sadd.s32 $0x10600, s6  }
0xe: {  	vm0 =	vmmov $0xffff;
	v1 =	vshrl.u32 v2, $0x3;
	s5 =	sadd.s32 $0x10700, s6;
	s6 =	sadd.s32 $0xC4900, s0;
	s9 =	smax.u32 s9, $0x1  }
0xf: {  	v0 =	vand.u32 $0x7, v2;
	v2 =	vor.u32 $0x8, v2;
	v1 =	vmul.u32 $0x8, v1;
	s0 =	simm.s32 $0x14100;
	s8 =	sadd.s32 s1, s8;
	s1 =	simm.s32 $0x14900  }
.LBB2_1:
0x10: {  	[tilespmem:s2], [sflag:$0x3] =	stream.linear.gather [hbm4b:s4+s2], $0x40, $0x38;
	[tilespmem:$0x18100] =	vst v63  }
0x11: {  	_ =	swait.ge [sflag:s10], $0x40  }
0x12: {  	[sflag:s10] =	ssyncset.done $0x0  }
0x13: {  	s21 =	simm.s32 $0x80;
	[sflag:s10] =	ssyncadd.s32 $0xFFFFFFC0  }
0x14: {  	[tilespmem:s21], [sflag:$0x3] =	stream.linear.gather [hbm4b:s5+s2], $0x40, $0x38;
	[tilespmem:$0x18100] =	vst v63  }
0x15: {  	_ =	swait.ge [sflag:s10], $0x40  }
0x16: {  	[sflag:s10] =	ssyncset.done $0x0  }
0x17: {  	[sflag:s10] =	ssyncadd.s32 $0xFFFFFFC0  }
0x18: {  	v3 =	vld [tilespmem:$0x0];
	_ =	sdelay $0x4  }
0x19: {  	vm1 =	vgt.s32 v3, $0x0  }
0x1a: {  	v3 =	vnsel vm1, $0x0, v3  }
0x1b: {  	v3 =	vmin.u32 v3, $0x1DFF  }
0x1c: {  	[tilespmem:$0x0] =	vst v3;
	v3 =	vld [tilespmem:$0x80]  }
0x1d: {  	v4 =	vld [tilespmem:$0x0]  }
0x1e: {  	v5 =	vld [tilespmem:$0x10]  }
0x1f: {  	v6 =	vld [tilespmem:$0x90]  }
0x20: {  	v7 =	vld [tilespmem:$0x20]  }
0x21: {  	vm1 =	vgt.s32 v3, $0x0  }
0x22: {  	v8 =	vld [tilespmem:$0xA0];
	v3 =	vnsel vm1, $0x0, v3;
	v9 =	vshrl.u32 v4, $0x3  }
0x23: {  	v10 =	vld [tilespmem:$0x30];
	vm1 =	vgt.s32 v5, $0x0;
	v4 =	vand.u32 $0x7, v4;
	v9 =	vmul.u32 $0x30, v9  }
0x24: {  	v11 =	vld [tilespmem:$0xB0];
	v3 =	vmin.u32 v3, $0x1DFF;
	v5 =	vnsel vm1, $0x0, v5;
	vm1 =	vgt.s32 v6, $0x0  }
0x25: {  	v6 =	vnsel vm1, $0x0, v6;
	vm1 =	vgt.s32 v7, $0x0;
	v4 =	vor.u32 v4, v9  }
0x26: {  	[tilespmem:$0x80] =	vst v3;
	v3 =	vmin.u32 v5, $0x1DFF;
	v5 =	vnsel vm1, $0x0, v7;
	v7 =	vperm.xlane v4, v0  }
0x27: {  	[tilespmem:$0x10] =	vst v3;
	v3 =	vmin.u32 v6, $0x1DFF;
	vm1 =	vgt.s32 v8, $0x0;
	v5 =	vmin.u32 v5, $0x1DFF  }
0x28: {  	[tilespmem:$0x90] =	vst v3;
	v3 =	vnsel vm1, $0x0, v8;
	vm1 =	vgt.s32 v10, $0x0;
	v6 =	vadd.s32 v1, v7  }
0x29: {  	[tilespmem:$0x20] =	vst v5;
	v3 =	vmin.u32 v3, $0x1DFF;
	v5 =	vnsel vm1, $0x0, v10;
	vm1 =	vgt.s32 v11, $0x0  }
0x2a: {  	[tilespmem:$0xA0] =	vst v3;
	v3 =	vmin.u32 v5, $0x1DFF;
	v5 =	vnsel vm1, $0x0, v11  }
0x2b: {  	[tilespmem:$0x30] =	vst v3;
	v3 =	vmin.u32 v5, $0x1DFF  }
0x2c: {  	[tilespmem:$0xB0] =	vst v3;
	v3 =	vperm.xlane v4, v2  }
0x2d: {  	[tilespmem:s12], [sflag:$0x1] =	stream.indirect_vreg.gather [hbm4b:s3+s2], $0x80, v6, vm0, $0xb8;
	[tilespmem:$0x18100] =	vst v63  }
0x2e: {  	s23 =	simm.s32 $0x900;
	v3 =	vadd.s32 v1, v3  }
0x2f: {  	[tilespmem:s23], [sflag:$0x1] =	stream.indirect_vreg.gather [hbm4b:s6+s2], $0x80, v6, vm0, $0xb8;
	[tilespmem:$0x18100] =	vst v63  }
0x30: {  	s24 =	simm.s32 $0x1100  }
0x31: {  	[tilespmem:s24], [sflag:$0x1] =	stream.indirect_vreg.gather [hbm4b:s7+s2], $0x80, v6, vm0, $0xb8;
	[tilespmem:$0x18100] =	vst v63  }
0x32: {  	s25 =	simm.s32 $0x1900  }
0x33: {  	[tilespmem:s25], [sflag:$0x1] =	stream.indirect_vreg.gather [hbm4b:s3+s2], $0x80, v3, vm0, $0xb8;
	[tilespmem:$0x18100] =	vst v63  }
0x34: {  	s22 =	simm.s32 $0x2100  }
0x35: {  	[tilespmem:s22], [sflag:$0x1] =	stream.indirect_vreg.gather [hbm4b:s6+s2], $0x80, v3, vm0, $0xb8;
	[tilespmem:$0x18100] =	vst v63  }
0x36: {  	s23 =	simm.s32 $0x2900  }
0x37: {  	[tilespmem:s23], [sflag:$0x1] =	stream.indirect_vreg.gather [hbm4b:s7+s2], $0x80, v3, vm0, $0xb8;
	[tilespmem:$0x18100] =	vst v63  }
0x38: {  	v3 =	vld [tilespmem:$0x10];
	_ =	sdelay $0x4  }
0x39: {  	v4 =	vshrl.u32 v3, $0x3  }
0x3a: {  	v4 =	vmul.u32 $0x30, v4  }
0x3b: {  	v3 =	vand.u32 $0x7, v3  }
0x3c: {  	v3 =	vor.u32 v3, v4  }
0x3d: {  	v4 =	vperm.xlane v3, v0;
	_ =	sdelay $0x1  }
0x3e: {  	v4 =	vadd.s32 v1, v4;
	_ =	sdelay $0x3  }
0x3f: {  	s24 =	simm.s32 $0x3100;
	v3 =	vperm.xlane v3, v2  }
0x40: {  	[tilespmem:s24], [sflag:$0x1] =	stream.indirect_vreg.gather [hbm4b:s3+s2], $0x80, v4, vm0, $0xb8;
	[tilespmem:$0x18100] =	vst v63  }
0x41: {  	s25 =	simm.s32 $0x3900;
	v3 =	vadd.s32 v1, v3  }
0x42: {  	[tilespmem:s25], [sflag:$0x1] =	stream.indirect_vreg.gather [hbm4b:s6+s2], $0x80, v4, vm0, $0xb8;
	[tilespmem:$0x18100] =	vst v63  }
0x43: {  	s22 =	simm.s32 $0x4100  }
0x44: {  	[tilespmem:s22], [sflag:$0x1] =	stream.indirect_vreg.gather [hbm4b:s7+s2], $0x80, v4, vm0, $0xb8;
	[tilespmem:$0x18100] =	vst v63  }
0x45: {  	s23 =	simm.s32 $0x4900  }
0x46: {  	[tilespmem:s23], [sflag:$0x1] =	stream.indirect_vreg.gather [hbm4b:s3+s2], $0x80, v3, vm0, $0xb8;
	[tilespmem:$0x18100] =	vst v63  }
0x47: {  	s24 =	simm.s32 $0x5100  }
0x48: {  	[tilespmem:s24], [sflag:$0x1] =	stream.indirect_vreg.gather [hbm4b:s6+s2], $0x80, v3, vm0, $0xb8;
	[tilespmem:$0x18100] =	vst v63  }
0x49: {  	s25 =	simm.s32 $0x5900  }
0x4a: {  	[tilespmem:s25], [sflag:$0x1] =	stream.indirect_vreg.gather [hbm4b:s7+s2], $0x80, v3, vm0, $0xb8;
	[tilespmem:$0x18100] =	vst v63  }
0x4b: {  	v3 =	vld [tilespmem:$0x20];
	_ =	sdelay $0x4  }
0x4c: {  	v4 =	vshrl.u32 v3, $0x3  }
0x4d: {  	v4 =	vmul.u32 $0x30, v4  }
0x4e: {  	v3 =	vand.u32 $0x7, v3  }
0x4f: {  	v3 =	vor.u32 v3, v4  }
0x50: {  	v4 =	vperm.xlane v3, v0;
	_ =	sdelay $0x1  }
0x51: {  	v4 =	vadd.s32 v1, v4;
	_ =	sdelay $0x3  }
0x52: {  	s22 =	simm.s32 $0x6100;
	v3 =	vperm.xlane v3, v2  }
0x53: {  	[tilespmem:s22], [sflag:$0x1] =	stream.indirect_vreg.gather [hbm4b:s3+s2], $0x80, v4, vm0, $0xb8;
	[tilespmem:$0x18100] =	vst v63  }
0x54: {  	s23 =	simm.s32 $0x6900;
	v3 =	vadd.s32 v1, v3  }
0x55: {  	[tilespmem:s23], [sflag:$0x1] =	stream.indirect_vreg.gather [hbm4b:s6+s2], $0x80, v4, vm0, $0xb8;
	[tilespmem:$0x18100] =	vst v63  }
0x56: {  	s24 =	simm.s32 $0x7100  }
0x57: {  	[tilespmem:s24], [sflag:$0x1] =	stream.indirect_vreg.gather [hbm4b:s7+s2], $0x80, v4, vm0, $0xb8;
	[tilespmem:$0x18100] =	vst v63  }
0x58: {  	s25 =	simm.s32 $0x7900  }
0x59: {  	[tilespmem:s25], [sflag:$0x1] =	stream.indirect_vreg.gather [hbm4b:s3+s2], $0x80, v3, vm0, $0xb8;
	[tilespmem:$0x18100] =	vst v63  }
0x5a: {  	s22 =	simm.s32 $0x8100  }
0x5b: {  	[tilespmem:s22], [sflag:$0x1] =	stream.indirect_vreg.gather [hbm4b:s6+s2], $0x80, v3, vm0, $0xb8;
	[tilespmem:$0x18100] =	vst v63  }
0x5c: {  	s23 =	simm.s32 $0x8900  }
0x5d: {  	[tilespmem:s23], [sflag:$0x1] =	stream.indirect_vreg.gather [hbm4b:s7+s2], $0x80, v3, vm0, $0xb8;
	[tilespmem:$0x18100] =	vst v63  }
0x5e: {  	v3 =	vld [tilespmem:$0x30];
	_ =	sdelay $0x4  }
0x5f: {  	v4 =	vshrl.u32 v3, $0x3  }
0x60: {  	v4 =	vmul.u32 $0x30, v4  }
0x61: {  	v3 =	vand.u32 $0x7, v3  }
0x62: {  	v3 =	vor.u32 v3, v4  }
0x63: {  	v4 =	vperm.xlane v3, v0;
	_ =	sdelay $0x1  }
0x64: {  	v4 =	vadd.s32 v1, v4;
	_ =	sdelay $0x3  }
0x65: {  	s24 =	simm.s32 $0x9100;
	v3 =	vperm.xlane v3, v2  }
0x66: {  	[tilespmem:s24], [sflag:$0x1] =	stream.indirect_vreg.gather [hbm4b:s3+s2], $0x80, v4, vm0, $0xb8;
	[tilespmem:$0x18100] =	vst v63  }
0x67: {  	s25 =	simm.s32 $0x9900;
	v3 =	vadd.s32 v1, v3  }
0x68: {  	[tilespmem:s25], [sflag:$0x1] =	stream.indirect_vreg.gather [hbm4b:s6+s2], $0x80, v4, vm0, $0xb8;
	[tilespmem:$0x18100] =	vst v63  }
0x69: {  	s22 =	simm.s32 $0xA100  }
0x6a: {  	[tilespmem:s22], [sflag:$0x1] =	stream.indirect_vreg.gather [hbm4b:s7+s2], $0x80, v4, vm0, $0xb8;
	[tilespmem:$0x18100] =	vst v63  }
0x6b: {  	s23 =	simm.s32 $0xA900  }
0x6c: {  	[tilespmem:s23], [sflag:$0x1] =	stream.indirect_vreg.gather [hbm4b:s3+s2], $0x80, v3, vm0, $0xb8;
	[tilespmem:$0x18100] =	vst v63  }
0x6d: {  	s24 =	simm.s32 $0xB100  }
0x6e: {  	[tilespmem:s24], [sflag:$0x1] =	stream.indirect_vreg.gather [hbm4b:s6+s2], $0x80, v3, vm0, $0xb8;
	[tilespmem:$0x18100] =	vst v63  }
0x6f: {  	s25 =	simm.s32 $0xB900  }
0x70: {  	[tilespmem:s25], [sflag:$0x1] =	stream.indirect_vreg.gather [hbm4b:s7+s2], $0x80, v3, vm0, $0xb8;
	[tilespmem:$0x18100] =	vst v63  }
0x71: {  	v3 =	vld [tilespmem:$0x80];
	_ =	sdelay $0x4  }
0x72: {  	v4 =	vshrl.u32 v3, $0x3  }
0x73: {  	v4 =	vmul.u32 $0x30, v4  }
0x74: {  	v3 =	vand.u32 $0x7, v3  }
0x75: {  	v3 =	vor.u32 v3, v4  }
0x76: {  	v4 =	vperm.xlane v3, v0;
	_ =	sdelay $0x1  }
0x77: {  	v4 =	vadd.s32 v1, v4;
	_ =	sdelay $0x3  }
0x78: {  	s22 =	simm.s32 $0xC100;
	v3 =	vperm.xlane v3, v2  }
0x79: {  	[tilespmem:s22], [sflag:$0x2] =	stream.indirect_vreg.gather [hbm4b:s3+s2], $0x80, v4, vm0, $0xb8;
	[tilespmem:$0x18100] =	vst v63  }
0x7a: {  	s23 =	simm.s32 $0xC900;
	v3 =	vadd.s32 v1, v3  }
0x7b: {  	[tilespmem:s23], [sflag:$0x2] =	stream.indirect_vreg.gather [hbm4b:s6+s2], $0x80, v4, vm0, $0xb8;
	[tilespmem:$0x18100] =	vst v63  }
0x7c: {  	s24 =	simm.s32 $0xD100  }
0x7d: {  	[tilespmem:s24], [sflag:$0x2] =	stream.indirect_vreg.gather [hbm4b:s7+s2], $0x80, v4, vm0, $0xb8;
	[tilespmem:$0x18100] =	vst v63  }
0x7e: {  	s25 =	simm.s32 $0xD900  }
0x7f: {  	[tilespmem:s25], [sflag:$0x2] =	stream.indirect_vreg.gather [hbm4b:s3+s2], $0x80, v3, vm0, $0xb8;
	[tilespmem:$0x18100] =	vst v63  }
0x80: {  	s22 =	simm.s32 $0xE100  }
0x81: {  	[tilespmem:s22], [sflag:$0x2] =	stream.indirect_vreg.gather [hbm4b:s6+s2], $0x80, v3, vm0, $0xb8;
	[tilespmem:$0x18100] =	vst v63  }
0x82: {  	s23 =	simm.s32 $0xE900  }
0x83: {  	[tilespmem:s23], [sflag:$0x2] =	stream.indirect_vreg.gather [hbm4b:s7+s2], $0x80, v3, vm0, $0xb8;
	[tilespmem:$0x18100] =	vst v63  }
0x84: {  	v3 =	vld [tilespmem:$0x90];
	_ =	sdelay $0x4  }
0x85: {  	v4 =	vshrl.u32 v3, $0x3  }
0x86: {  	v4 =	vmul.u32 $0x30, v4  }
0x87: {  	v3 =	vand.u32 $0x7, v3  }
0x88: {  	v3 =	vor.u32 v3, v4  }
0x89: {  	v4 =	vperm.xlane v3, v0;
	_ =	sdelay $0x1  }
0x8a: {  	v4 =	vadd.s32 v1, v4;
	_ =	sdelay $0x3  }
0x8b: {  	s24 =	simm.s32 $0xF100;
	v3 =	vperm.xlane v3, v2  }
0x8c: {  	[tilespmem:s24], [sflag:$0x2] =	stream.indirect_vreg.gather [hbm4b:s3+s2], $0x80, v4, vm0, $0xb8;
	[tilespmem:$0x18100] =	vst v63  }
0x8d: {  	s25 =	simm.s32 $0xF900;
	v3 =	vadd.s32 v1, v3  }
0x8e: {  	[tilespmem:s25], [sflag:$0x2] =	stream.indirect_vreg.gather [hbm4b:s6+s2], $0x80, v4, vm0, $0xb8;
	[tilespmem:$0x18100] =	vst v63  }
0x8f: {  	s22 =	simm.s32 $0x10100  }
0x90: {  	[tilespmem:s22], [sflag:$0x2] =	stream.indirect_vreg.gather [hbm4b:s7+s2], $0x80, v4, vm0, $0xb8;
	[tilespmem:$0x18100] =	vst v63  }
0x91: {  	s23 =	simm.s32 $0x10900  }
0x92: {  	[tilespmem:s23], [sflag:$0x2] =	stream.indirect_vreg.gather [hbm4b:s3+s2], $0x80, v3, vm0, $0xb8;
	[tilespmem:$0x18100] =	vst v63  }
0x93: {  	s24 =	simm.s32 $0x11100  }
0x94: {  	[tilespmem:s24], [sflag:$0x2] =	stream.indirect_vreg.gather [hbm4b:s6+s2], $0x80, v3, vm0, $0xb8;
	[tilespmem:$0x18100] =	vst v63  }
0x95: {  	_ = 	snop  }
0x96: {  	[tilespmem:s26], [sflag:$0x2] =	stream.indirect_vreg.gather [hbm4b:s7+s2], $0x80, v3, vm0, $0xb8;
	[tilespmem:$0x18100] =	vst v63  }
0x97: {  	v3 =	vld [tilespmem:$0xA0];
	_ =	sdelay $0x4  }
0x98: {  	v4 =	vshrl.u32 v3, $0x3  }
0x99: {  	v4 =	vmul.u32 $0x30, v4  }
0x9a: {  	v3 =	vand.u32 $0x7, v3  }
0x9b: {  	v3 =	vor.u32 v3, v4  }
0x9c: {  	v4 =	vperm.xlane v3, v0;
	_ =	sdelay $0x1  }
0x9d: {  	v4 =	vadd.s32 v1, v4;
	_ =	sdelay $0x3  }
0x9e: {  	v3 =	vperm.xlane v3, v2  }
0x9f: {  	[tilespmem:s28], [sflag:$0x2] =	stream.indirect_vreg.gather [hbm4b:s3+s2], $0x80, v4, vm0, $0xb8;
	[tilespmem:$0x18100] =	vst v63  }
0xa0: {  	v3 =	vadd.s32 v1, v3  }
0xa1: {  	[tilespmem:s29], [sflag:$0x2] =	stream.indirect_vreg.gather [hbm4b:s6+s2], $0x80, v4, vm0, $0xb8;
	[tilespmem:$0x18100] =	vst v63  }
0xa2: {  	_ = 	snop  }
0xa3: {  	[tilespmem:s30], [sflag:$0x2] =	stream.indirect_vreg.gather [hbm4b:s7+s2], $0x80, v4, vm0, $0xb8;
	[tilespmem:$0x18100] =	vst v63  }
0xa4: {  	_ = 	snop  }
0xa5: {  	[tilespmem:s31], [sflag:$0x2] =	stream.indirect_vreg.gather [hbm4b:s3+s2], $0x80, v3, vm0, $0xb8;
	[tilespmem:$0x18100] =	vst v63  }
0xa6: {  	_ = 	snop  }
0xa7: {  	[tilespmem:s0], [sflag:$0x2] =	stream.indirect_vreg.gather [hbm4b:s6+s2], $0x80, v3, vm0, $0xb8;
	[tilespmem:$0x18100] =	vst v63  }
0xa8: {  	_ = 	snop  }
0xa9: {  	[tilespmem:s1], [sflag:$0x2] =	stream.indirect_vreg.gather [hbm4b:s7+s2], $0x80, v3, vm0, $0xb8;
	[tilespmem:$0x18100] =	vst v63  }
0xaa: {  	v3 =	vld [tilespmem:$0xB0];
	_ =	sdelay $0x4  }
0xab: {  	v4 =	vshrl.u32 v3, $0x3  }
0xac: {  	v4 =	vmul.u32 $0x30, v4  }
0xad: {  	v3 =	vand.u32 $0x7, v3  }
0xae: {  	v3 =	vor.u32 v3, v4  }
0xaf: {  	v4 =	vperm.xlane v3, v0;
	_ =	sdelay $0x1  }
0xb0: {  	v4 =	vadd.s32 v1, v4;
	_ =	sdelay $0x3  }
0xb1: {  	v3 =	vperm.xlane v3, v2  }
0xb2: {  	[tilespmem:s11], [sflag:$0x2] =	stream.indirect_vreg.gather [hbm4b:s3+s2], $0x80, v4, vm0, $0xb8;
	[tilespmem:$0x18100] =	vst v63  }
0xb3: {  	v3 =	vadd.s32 v1, v3  }
0xb4: {  	[tilespmem:s13], [sflag:$0x2] =	stream.indirect_vreg.gather [hbm4b:s6+s2], $0x80, v4, vm0, $0xb8;
	[tilespmem:$0x18100] =	vst v63  }
0xb5: {  	_ = 	snop  }
0xb6: {  	[tilespmem:s14], [sflag:$0x2] =	stream.indirect_vreg.gather [hbm4b:s7+s2], $0x80, v4, vm0, $0xb8;
	[tilespmem:$0x18100] =	vst v63  }
0xb7: {  	_ = 	snop  }
0xb8: {  	[tilespmem:s15], [sflag:$0x2] =	stream.indirect_vreg.gather [hbm4b:s3+s2], $0x80, v3, vm0, $0xb8;
	[tilespmem:$0x18100] =	vst v63  }
0xb9: {  	_ = 	snop  }
0xba: {  	[tilespmem:s16], [sflag:$0x2] =	stream.indirect_vreg.gather [hbm4b:s6+s2], $0x80, v3, vm0, $0xb8;
	[tilespmem:$0x18100] =	vst v63  }
0xbb: {  	_ = 	snop  }
0xbc: {  	[tilespmem:s17], [sflag:$0x2] =	stream.indirect_vreg.gather [hbm4b:s7+s2], $0x80, v3, vm0, $0xb8;
	[tilespmem:$0x18100] =	vst v63  }
0xbd: {  	_ =	swait.ge [sflag:s18], $0xC000  }
0xbe: {  	[sflag:s18] =	ssyncset.done $0x0  }
0xbf: {  	s25 =	simm.s32 $0x0;
	[sflag:s18] =	ssyncadd.s32 $0xFFFF4000  }
0xc0: {  	s21 =	smul.u32 $0x1800, s25;
	_ =	swait.ge [sflag:s19], $0xC000  }
0xc1: {  	s22 =	sand.u32 $0x380, s2;
	[sflag:s19] =	ssyncset.done $0x0  }
0xc2: {  	s21 =	sor.u32 s22, s21;
	[sflag:s19] =	ssyncadd.s32 $0xFFFF4000  }
0xc3: {  	v12 =	vld [tilespmem:s21+$0xC100]  }
0xc4: {  	v13 =	vld [tilespmem:s21+$0xC110]  }
0xc5: {  	v14 =	vld [tilespmem:s21+$0xC120]  }
0xc6: {  	v15 =	vld [tilespmem:s21+$0xC130]  }
0xc7: {  	v16 =	vld [tilespmem:s21+$0xC140]  }
0xc8: {  	v17 =	vld [tilespmem:s21+$0xC150]  }
0xc9: {  	v18 =	vld [tilespmem:s21+$0xC160]  }
0xca: {  	v19 =	vld [tilespmem:s21+$0xC170]  }
0xcb: {  	v20 =	vld [tilespmem:s21+$0xC500]  }
0xcc: {  	v21 =	vld [tilespmem:s21+$0xC510]  }
0xcd: {  	v22 =	vld [tilespmem:s21+$0xC520]  }
0xce: {  	v23 =	vld [tilespmem:s21+$0xC530]  }
0xcf: {  	v24 =	vld [tilespmem:s21+$0xC540]  }
0xd0: {  	v25 =	vld [tilespmem:s21+$0xC550]  }
0xd1: {  	v26 =	vld [tilespmem:s21+$0xC560]  }
0xd2: {  	v27 =	vld [tilespmem:s21+$0xC570]  }
0xd3: {  	v28 =	vld [tilespmem:s21+$0xC900]  }
0xd4: {  	v29 =	vld [tilespmem:s21+$0xC910]  }
0xd5: {  	v30 =	vld [tilespmem:s21+$0xC920]  }
0xd6: {  	v31 =	vld [tilespmem:s21+$0xC930]  }
0xd7: {  	v32 =	vld [tilespmem:s21+$0xC940]  }
0xd8: {  	v33 =	vld [tilespmem:s21+$0xC950]  }
0xd9: {  	v34 =	vld [tilespmem:s21+$0xC960]  }
0xda: {  	v35 =	vld [tilespmem:s21+$0xC970]  }
0xdb: {  	v36 =	vld [tilespmem:s21+$0xCD00]  }
0xdc: {  	v37 =	vld [tilespmem:s21+$0xCD10]  }
0xdd: {  	v38 =	vld [tilespmem:s21+$0xCD20]  }
0xde: {  	v39 =	vld [tilespmem:s21+$0xCD30]  }
0xdf: {  	v40 =	vld [tilespmem:s21+$0xCD40]  }
0xe0: {  	v41 =	vld [tilespmem:s21+$0xCD50]  }
0xe1: {  	v42 =	vld [tilespmem:s21+$0xCD60]  }
0xe2: {  	v43 =	vld [tilespmem:s21+$0xCD70]  }
0xe3: {  	v44 =	vld [tilespmem:s21+$0xD100]  }
0xe4: {  	v45 =	vld [tilespmem:s21+$0xD110]  }
0xe5: {  	v46 =	vld [tilespmem:s21+$0xD120]  }
0xe6: {  	v47 =	vld [tilespmem:s21+$0xD130]  }
0xe7: {  	v48 =	vld [tilespmem:s21+$0xD140]  }
0xe8: {  	v49 =	vld [tilespmem:s21+$0xD150]  }
0xe9: {  	v50 =	vld [tilespmem:s21+$0xD160]  }
0xea: {  	v11 =	vld [tilespmem:s21+$0xD170]  }
0xeb: {  	v10 =	vld [tilespmem:s21+$0xD500]  }
0xec: {  	v9 =	vld [tilespmem:s21+$0xD510]  }
0xed: {  	v8 =	vld [tilespmem:s21+$0xD520]  }
0xee: {  	v7 =	vld [tilespmem:s21+$0xD530]  }
0xef: {  	v6 =	vld [tilespmem:s21+$0xD540]  }
0xf0: {  	v51 =	vld [tilespmem:s21+$0x100]  }
0xf1: {  	v52 =	vld [tilespmem:s21+$0x110]  }
0xf2: {  	v53 =	vld [tilespmem:s21+$0x120]  }
0xf3: {  	v54 =	vld [tilespmem:s21+$0x130]  }
0xf4: {  	v55 =	vld [tilespmem:s21+$0x140]  }
0xf5: {  	v62 =	vld [tilespmem:s21+$0x150];
	v12 =	vadd.f32 v12, v51  }
0xf6: {  	v63 =	vld [tilespmem:s21+$0x160];
	v13 =	vadd.f32 v13, v52  }
0xf7: {  	[tilespmem:s21+$0x100] =	vst v12;
	v12 =	vadd.f32 v14, v53;
	v14 =	vld [tilespmem:s21+$0x170]  }
0xf8: {  	[tilespmem:s21+$0x110] =	vst v13;
	v13 =	vadd.f32 v15, v54;
	v15 =	vld [tilespmem:s21+$0x500]  }
0xf9: {  	[tilespmem:s21+$0x120] =	vst v12;
	v12 =	vadd.f32 v16, v55;
	v16 =	vld [tilespmem:s21+$0x510]  }
0xfa: {  	[tilespmem:s21+$0x130] =	vst v13;
	v13 =	vadd.f32 v17, v62;
	v17 =	vld [tilespmem:s21+$0x520]  }
0xfb: {  	v5 =	vld [tilespmem:s21+$0xD550]  }
0xfc: {  	[tilespmem:s21+$0x140] =	vst v12;
	v12 =	vadd.f32 v18, v63;
	v18 =	vld [tilespmem:s21+$0x570]  }
0xfd: {  	[tilespmem:s21+$0x150] =	vst v13;
	v13 =	vadd.f32 v19, v14;
	v14 =	vld [tilespmem:s21+$0x530]  }
0xfe: {  	[tilespmem:s21+$0x160] =	vst v12;
	v12 =	vadd.f32 v20, v15;
	v15 =	vld [tilespmem:s21+$0x540]  }
0xff: {  	[tilespmem:s21+$0x170] =	vst v13;
	v13 =	vadd.f32 v21, v16;
	v16 =	vadd.f32 v22, v17;
	v17 =	vld [tilespmem:s21+$0x560]  }
0x100: {  	[tilespmem:s21+$0x500] =	vst v12;
	v12 =	vld [tilespmem:s21+$0x550]  }
0x101: {  	[tilespmem:s21+$0x510] =	vst v13;
	v13 =	vld [tilespmem:s21+$0x900];
	v18 =	vadd.f32 v27, v18  }
0x102: {  	[tilespmem:s21+$0x520] =	vst v16;
	v16 =	vld [tilespmem:s21+$0x910];
	v14 =	vadd.f32 v23, v14  }
0x103: {  	v4 =	vld [tilespmem:s21+$0xD560];
	v15 =	vadd.f32 v24, v15;
	[tilespmem:s21+$0x570] =	vst v18  }
0x104: {  	[tilespmem:s21+$0x530] =	vst v14;
	v14 =	vld [tilespmem:s21+$0x920];
	v17 =	vadd.f32 v26, v17  }
0x105: {  	v12 =	vadd.f32 v25, v12;
	[tilespmem:s21+$0x540] =	vst v15;
	v15 =	vld [tilespmem:s21+$0x930]  }
0x106: {  	v18 =	vld [tilespmem:s21+$0x970];
	[tilespmem:s21+$0x560] =	vst v17;
	v13 =	vadd.f32 v28, v13  }
0x107: {  	v16 =	vadd.f32 v29, v16;
	[tilespmem:s21+$0x550] =	vst v12;
	v12 =	vld [tilespmem:s21+$0x940]  }
0x108: {  	v17 =	vld [tilespmem:s21+$0x950];
	[tilespmem:s21+$0x900] =	vst v13  }
0x109: {  	[tilespmem:s21+$0x910] =	vst v16;
	v16 =	vld [tilespmem:s21+$0x960];
	v13 =	vadd.f32 v30, v14  }
0x10a: {  	v14 =	vld [tilespmem:s21+$0xD00];
	v15 =	vadd.f32 v31, v15  }
0x10b: {  	[tilespmem:s21+$0x920] =	vst v13;
	v13 =	vld [tilespmem:s21+$0xD10]  }
0x10c: {  	v12 =	vadd.f32 v32, v12;
	[tilespmem:s21+$0x930] =	vst v15;
	v15 =	vld [tilespmem:s21+$0xD20]  }
0x10d: {  	v3 =	vld [tilespmem:s21+$0xD570];
	v17 =	vadd.f32 v33, v17  }
0x10e: {  	v16 =	vadd.f32 v34, v16;
	[tilespmem:s21+$0x940] =	vst v12;
	v12 =	vld [tilespmem:s21+$0xD30]  }
0x10f: {  	[tilespmem:s21+$0x950] =	vst v17;
	v17 =	vld [tilespmem:s21+$0xD40];
	v14 =	vadd.f32 v36, v14  }
0x110: {  	v18 =	vadd.f32 v35, v18;
	[tilespmem:s21+$0x960] =	vst v16;
	v16 =	vld [tilespmem:s21+$0xD50]  }
0x111: {  	v13 =	vadd.f32 v37, v13;
	[tilespmem:s21+$0xD00] =	vst v14;
	v14 =	vadd.f32 v38, v15;
	v15 =	vld [tilespmem:s21+$0xD60]  }
0x112: {  	[tilespmem:s21+$0x970] =	vst v18;
	v18 =	vld [tilespmem:s21+$0xD70]  }
0x113: {  	[tilespmem:s21+$0xD10] =	vst v13;
	v13 =	vld [tilespmem:s21+$0x1100];
	v12 =	vadd.f32 v39, v12  }
0x114: {  	v17 =	vadd.f32 v40, v17;
	[tilespmem:s21+$0xD20] =	vst v14;
	v14 =	vld [tilespmem:s21+$0x1110]  }
0x115: {  	v16 =	vadd.f32 v41, v16;
	[tilespmem:s21+$0xD30] =	vst v12;
	v12 =	vld [tilespmem:s21+$0x1120]  }
0x116: {  	[tilespmem:s21+$0xD40] =	vst v17;
	v17 =	vld [tilespmem:s21+$0x1130];
	v15 =	vadd.f32 v42, v15  }
0x117: {  	v19 =	vld [tilespmem:s21+$0x1140];
	[tilespmem:s21+$0xD50] =	vst v16;
	v16 =	vadd.f32 v43, v18  }
0x118: {  	v18 =	vld [tilespmem:s21+$0x1150];
	v13 =	vadd.f32 v44, v13;
	[tilespmem:s21+$0xD60] =	vst v15  }
0x119: {  	v20 =	vld [tilespmem:s21+$0x1160];
	[tilespmem:s21+$0xD70] =	vst v16;
	v14 =	vadd.f32 v45, v14  }
0x11a: {  	v16 =	vld [tilespmem:s21+$0x1170];
	[tilespmem:s21+$0x1100] =	vst v13;
	v12 =	vadd.f32 v46, v12  }
0x11b: {  	v15 =	vld [tilespmem:s21+$0x1500];
	v13 =	vadd.f32 v47, v17;
	[tilespmem:s21+$0x1110] =	vst v14  }
0x11c: {  	v14 =	vld [tilespmem:s21+$0x1510];
	[tilespmem:s21+$0x1120] =	vst v12;
	v12 =	vadd.f32 v48, v19  }
0x11d: {  	[tilespmem:s21+$0x1130] =	vst v13;
	v13 =	vld [tilespmem:s21+$0x1520];
	v18 =	vadd.f32 v49, v18  }
0x11e: {  	s22 =	simm.s32 $0x1;
	s23 =	simm.s32 $0x0;
	v17 =	vadd.f32 v50, v20;
	[tilespmem:s21+$0x1140] =	vst v12;
	v12 =	vld [tilespmem:s21+$0x1530]  }
.LBB2_2:
0x11f: {  	s24 =	sshrl.u32 s22, $0x3;
	p0 =	sne.s32 s22, $0x3F;
	[tilespmem:s21+$0x1150] =	vst v18;
	v11 =	vadd.f32 v11, v16;
	v16 =	vld [tilespmem:s21+$0x1540]  }
0x120: {  	s23 =	sadd.s32 $0x80, s23;
	s24 =	smul.u32 $0x1800, s24;
	[tilespmem:s21+$0x1160] =	vst v17;
	v10 =	vadd.f32 v10, v15;
	v15 =	vld [tilespmem:s21+$0x1550]  }
0x121: {  	s25 =	sand.u32 $0x380, s23;
	[tilespmem:s21+$0x1170] =	vst v11;
	v9 =	vadd.f32 v9, v14;
	v11 =	vld [tilespmem:s21+$0x1560]  }
0x122: {  	s24 =	sor.u32 s25, s24;
	[tilespmem:s21+$0x1500] =	vst v10;
	v8 =	vadd.f32 v8, v13;
	v10 =	vld [tilespmem:s21+$0x1570]  }
0x123: {  	v39 =	vld [tilespmem:s24+$0xC100];
	[tilespmem:s21+$0x1510] =	vst v9;
	v7 =	vadd.f32 v7, v12  }
0x124: {  	v40 =	vld [tilespmem:s24+$0xC110];
	[tilespmem:s21+$0x1520] =	vst v8;
	v6 =	vadd.f32 v6, v16  }
0x125: {  	v41 =	vld [tilespmem:s24+$0xC120];
	[tilespmem:s21+$0x1530] =	vst v7;
	v5 =	vadd.f32 v5, v15  }
0x126: {  	v42 =	vld [tilespmem:s24+$0xC130];
	[tilespmem:s21+$0x1540] =	vst v6;
	v4 =	vadd.f32 v4, v11  }
0x127: {  	v43 =	vld [tilespmem:s24+$0xC140];
	[tilespmem:s21+$0x1550] =	vst v5;
	v3 =	vadd.f32 v3, v10  }
0x128: {  	v44 =	vld [tilespmem:s24+$0xC150];
	[tilespmem:s21+$0x1560] =	vst v4  }
0x129: {  	v45 =	vld [tilespmem:s24+$0xC160];
	[tilespmem:s21+$0x1570] =	vst v3;
	s21 =	smov.u32 s24  }
0x12a: {  	v46 =	vld [tilespmem:s21+$0xC170]  }
0x12b: {  	v47 =	vld [tilespmem:s21+$0xC500]  }
0x12c: {  	v48 =	vld [tilespmem:s21+$0xC510]  }
0x12d: {  	v49 =	vld [tilespmem:s21+$0xC520]  }
0x12e: {  	v50 =	vld [tilespmem:s21+$0xC530]  }
0x12f: {  	v38 =	vld [tilespmem:s21+$0xC540]  }
0x130: {  	v37 =	vld [tilespmem:s21+$0xC550]  }
0x131: {  	v36 =	vld [tilespmem:s21+$0xC560]  }
0x132: {  	v35 =	vld [tilespmem:s21+$0xC570]  }
0x133: {  	v34 =	vld [tilespmem:s21+$0xC900]  }
0x134: {  	v33 =	vld [tilespmem:s21+$0xC910]  }
0x135: {  	v32 =	vld [tilespmem:s21+$0xC920]  }
0x136: {  	v31 =	vld [tilespmem:s21+$0xC930]  }
0x137: {  	v30 =	vld [tilespmem:s21+$0xC940]  }
0x138: {  	v29 =	vld [tilespmem:s21+$0xC950]  }
0x139: {  	v28 =	vld [tilespmem:s21+$0xC960]  }
0x13a: {  	v27 =	vld [tilespmem:s21+$0xC970]  }
0x13b: {  	v26 =	vld [tilespmem:s21+$0xCD00]  }
0x13c: {  	v25 =	vld [tilespmem:s21+$0xCD10]  }
0x13d: {  	v24 =	vld [tilespmem:s21+$0xCD20]  }
0x13e: {  	v23 =	vld [tilespmem:s21+$0xCD30]  }
0x13f: {  	v22 =	vld [tilespmem:s21+$0xCD40]  }
0x140: {  	v21 =	vld [tilespmem:s21+$0xCD50]  }
0x141: {  	v20 =	vld [tilespmem:s21+$0xCD60]  }
0x142: {  	v19 =	vld [tilespmem:s21+$0xCD70]  }
0x143: {  	v18 =	vld [tilespmem:s21+$0xD100]  }
0x144: {  	v17 =	vld [tilespmem:s21+$0xD110]  }
0x145: {  	v16 =	vld [tilespmem:s21+$0xD120]  }
0x146: {  	v15 =	vld [tilespmem:s21+$0xD130]  }
0x147: {  	v14 =	vld [tilespmem:s21+$0xD140]  }
0x148: {  	v13 =	vld [tilespmem:s21+$0xD150]  }
0x149: {  	v12 =	vld [tilespmem:s21+$0xD160]  }
0x14a: {  	v11 =	vld [tilespmem:s21+$0xD170]  }
0x14b: {  	v10 =	vld [tilespmem:s21+$0xD500]  }
0x14c: {  	v9 =	vld [tilespmem:s21+$0xD510]  }
0x14d: {  	v8 =	vld [tilespmem:s21+$0xD520]  }
0x14e: {  	v7 =	vld [tilespmem:s21+$0xD530]  }
0x14f: {  	v6 =	vld [tilespmem:s21+$0xD540]  }
0x150: {  	v5 =	vld [tilespmem:s21+$0xD550]  }
0x151: {  	v4 =	vld [tilespmem:s21+$0xD560]  }
0x152: {  	v3 =	vld [tilespmem:s21+$0xD570]  }
0x153: {  	v51 =	vld [tilespmem:s21+$0x100]  }
0x154: {  	v52 =	vld [tilespmem:s21+$0x110]  }
0x155: {  	v53 =	vld [tilespmem:s21+$0x120]  }
0x156: {  	v54 =	vld [tilespmem:s21+$0x130]  }
0x157: {  	v55 =	vld [tilespmem:s21+$0x140]  }
0x158: {  	v39 =	vadd.f32 v39, v51;
	v51 =	vld [tilespmem:s21+$0x150]  }
0x159: {  	v40 =	vadd.f32 v40, v52;
	v52 =	vld [tilespmem:s21+$0x160]  }
0x15a: {  	[tilespmem:s21+$0x100] =	vst v39;
	v39 =	vadd.f32 v41, v53;
	v41 =	vld [tilespmem:s21+$0x170]  }
0x15b: {  	[tilespmem:s21+$0x110] =	vst v40;
	v40 =	vadd.f32 v42, v54;
	v42 =	vld [tilespmem:s21+$0x500]  }
0x15c: {  	[tilespmem:s21+$0x120] =	vst v39;
	v39 =	vadd.f32 v43, v55;
	v43 =	vld [tilespmem:s21+$0x510]  }
0x15d: {  	[tilespmem:s21+$0x130] =	vst v40;
	v40 =	vadd.f32 v44, v51;
	v44 =	vld [tilespmem:s21+$0x520]  }
0x15e: {  	[tilespmem:s21+$0x140] =	vst v39;
	v39 =	vadd.f32 v45, v52;
	v45 =	vld [tilespmem:s21+$0x530]  }
0x15f: {  	[tilespmem:s21+$0x150] =	vst v40;
	v40 =	vadd.f32 v46, v41;
	v41 =	vld [tilespmem:s21+$0x540]  }
0x160: {  	[tilespmem:s21+$0x160] =	vst v39;
	v39 =	vadd.f32 v47, v42;
	v42 =	vld [tilespmem:s21+$0x550]  }
0x161: {  	[tilespmem:s21+$0x170] =	vst v40;
	v40 =	vadd.f32 v48, v43;
	v43 =	vld [tilespmem:s21+$0x560]  }
0x162: {  	[tilespmem:s21+$0x500] =	vst v39;
	v39 =	vadd.f32 v49, v44;
	v44 =	vld [tilespmem:s21+$0x570]  }
0x163: {  	[tilespmem:s21+$0x510] =	vst v40;
	v40 =	vadd.f32 v50, v45;
	v45 =	vld [tilespmem:s21+$0x900]  }
0x164: {  	[tilespmem:s21+$0x520] =	vst v39;
	v38 =	vadd.f32 v38, v41;
	v39 =	vld [tilespmem:s21+$0x910]  }
0x165: {  	[tilespmem:s21+$0x530] =	vst v40;
	v37 =	vadd.f32 v37, v42;
	v40 =	vld [tilespmem:s21+$0x920]  }
0x166: {  	[tilespmem:s21+$0x540] =	vst v38;
	v36 =	vadd.f32 v36, v43;
	v38 =	vld [tilespmem:s21+$0x930]  }
0x167: {  	[tilespmem:s21+$0x550] =	vst v37;
	v35 =	vadd.f32 v35, v44;
	v37 =	vld [tilespmem:s21+$0x940]  }
0x168: {  	[tilespmem:s21+$0x560] =	vst v36;
	v34 =	vadd.f32 v34, v45;
	v36 =	vld [tilespmem:s21+$0x950]  }
0x169: {  	[tilespmem:s21+$0x570] =	vst v35;
	v33 =	vadd.f32 v33, v39;
	v35 =	vld [tilespmem:s21+$0x960]  }
0x16a: {  	[tilespmem:s21+$0x900] =	vst v34;
	v32 =	vadd.f32 v32, v40;
	v34 =	vld [tilespmem:s21+$0x970]  }
0x16b: {  	[tilespmem:s21+$0x910] =	vst v33;
	v31 =	vadd.f32 v31, v38;
	v33 =	vld [tilespmem:s21+$0xD00]  }
0x16c: {  	[tilespmem:s21+$0x920] =	vst v32;
	v30 =	vadd.f32 v30, v37;
	v32 =	vld [tilespmem:s21+$0xD10]  }
0x16d: {  	[tilespmem:s21+$0x930] =	vst v31;
	v29 =	vadd.f32 v29, v36;
	v31 =	vld [tilespmem:s21+$0xD20]  }
0x16e: {  	[tilespmem:s21+$0x940] =	vst v30;
	v28 =	vadd.f32 v28, v35;
	v30 =	vld [tilespmem:s21+$0xD30]  }
0x16f: {  	[tilespmem:s21+$0x950] =	vst v29;
	v27 =	vadd.f32 v27, v34;
	v29 =	vld [tilespmem:s21+$0xD40]  }
0x170: {  	[tilespmem:s21+$0x960] =	vst v28;
	v26 =	vadd.f32 v26, v33;
	v28 =	vld [tilespmem:s21+$0xD50]  }
0x171: {  	[tilespmem:s21+$0x970] =	vst v27;
	v25 =	vadd.f32 v25, v32;
	v27 =	vld [tilespmem:s21+$0xD60]  }
0x172: {  	[tilespmem:s21+$0xD00] =	vst v26;
	v24 =	vadd.f32 v24, v31;
	v26 =	vld [tilespmem:s21+$0xD70]  }
0x173: {  	[tilespmem:s21+$0xD10] =	vst v25;
	v23 =	vadd.f32 v23, v30;
	v25 =	vld [tilespmem:s21+$0x1100]  }
0x174: {  	[tilespmem:s21+$0xD20] =	vst v24;
	v22 =	vadd.f32 v22, v29;
	v24 =	vld [tilespmem:s21+$0x1110]  }
0x175: {  	[tilespmem:s21+$0xD30] =	vst v23;
	v21 =	vadd.f32 v21, v28;
	v23 =	vld [tilespmem:s21+$0x1120]  }
0x176: {  	[tilespmem:s21+$0xD40] =	vst v22;
	v20 =	vadd.f32 v20, v27;
	v22 =	vld [tilespmem:s21+$0x1130]  }
0x177: {  	[tilespmem:s21+$0xD50] =	vst v21;
	v19 =	vadd.f32 v19, v26;
	v21 =	vld [tilespmem:s21+$0x1140]  }
0x178: {  	[tilespmem:s21+$0xD60] =	vst v20;
	v18 =	vadd.f32 v18, v25;
	v20 =	vld [tilespmem:s21+$0x1150]  }
0x179: {  	[tilespmem:s21+$0xD70] =	vst v19;
	v17 =	vadd.f32 v17, v24;
	v19 =	vld [tilespmem:s21+$0x1160]  }
.Ltmp0:
0x17a: {  	[tilespmem:s21+$0x1100] =	vst v18;
	v18 =	vadd.f32 v16, v23;
	v16 =	vld [tilespmem:s21+$0x1170];
	(pc) =	sbr.rel @p0 .LBB2_2-.Ltmp0, $4  }
0x17b: {  	[tilespmem:s21+$0x1110] =	vst v17;
	v17 =	vadd.f32 v15, v22;
	v15 =	vld [tilespmem:s21+$0x1500]  }
0x17c: {  	[tilespmem:s21+$0x1120] =	vst v18;
	v21 =	vadd.f32 v14, v21;
	v14 =	vld [tilespmem:s21+$0x1510]  }
0x17d: {  	[tilespmem:s21+$0x1130] =	vst v17;
	v18 =	vadd.f32 v13, v20;
	v13 =	vld [tilespmem:s21+$0x1520]  }
0x17e: {  	s22 =	sadd.s32 $0x1, s22;
	[tilespmem:s21+$0x1140] =	vst v21;
	v17 =	vadd.f32 v12, v19;
	v12 =	vld [tilespmem:s21+$0x1530]  }
0x17f: {  	[tilespmem:s21+$0x1150] =	vst v18;
	v60 =	vld [tilespmem:s21+$0x1540];
	v11 =	vadd.f32 v11, v16  }
0x180: {  	v61 =	vld [tilespmem:s21+$0x1550];
	[tilespmem:s21+$0x1160] =	vst v17;
	v10 =	vadd.f32 v10, v15  }
0x181: {  	v62 =	vld [tilespmem:s21+$0x1560];
	[tilespmem:s21+$0x1170] =	vst v11;
	v9 =	vadd.f32 v9, v14  }
0x182: {  	v63 =	vld [tilespmem:s21+$0x1570];
	[tilespmem:s21+$0x1500] =	vst v10;
	v8 =	vadd.f32 v8, v13  }
0x183: {  	[tilespmem:s21+$0x1510] =	vst v9;
	v7 =	vadd.f32 v7, v12  }
0x184: {  	[tilespmem:s21+$0x1520] =	vst v8;
	v6 =	vadd.f32 v6, v60  }
0x185: {  	v5 =	vadd.f32 v5, v61;
	[tilespmem:s21+$0x1530] =	vst v7  }
0x186: {  	v4 =	vadd.f32 v4, v62;
	[tilespmem:s21+$0x1540] =	vst v6  }
0x187: {  	s20 =	sadd.s32 $0x1, s20;
	v3 =	vadd.f32 v3, v63;
	[tilespmem:s21+$0x1550] =	vst v5  }
0x188: {  	p0 =	sne.s32 s20, s9;
	[tilespmem:s21+$0x1560] =	vst v4  }
.Ltmp1:
0x189: {  	[tilespmem:s21+$0x1570] =	vst v3;
	(pc) =	sbr.rel @p0 .LBB2_1-.Ltmp1, $4  }
0x18a: {  	[hbm4b:s8+s2] =	stream.linear.scatter [tilespmem:s12], [sflag:$0x3], $0xC000, $0x38;
	[tilespmem:$0x18100] =	vst v63  }
0x18b: {  	_ =	swait.ge [sflag:s10], $0xC000  }
0x18c: {  	[sflag:s10] =	ssyncset.done $0x0  }
0x18d: {  	[sflag:s10] =	ssyncadd.s32 $0xFFFF4000  }
0x18e: {  	_ =	sfence.sel $0x180000  }
0x18f: {  	[bflag:$0x0] =	sbarrier.arrive $0xFFFF  }
0x190: {  	_ =	strace $0x9000004A  }
0x191: {  	s0 =	stileid.u32;
	[bflag:$0x2] =	sbarrier.arrive $0xFFFF  }
0x192: {  	p0 =	sne.s32 s0, $0x0;
	s0 =	rddreg [dreg:$0x2]  }
0x193: {  	s0 =	sadd.s32 @!p0 $0x100000, s0  }
0x194: {  	[sflag:s0] =	ssyncadd.tile.s32 @!p0 $0x1;
	_ =	shalt  }
.Lfunc_end2:
_tile_overlayer_lowered:
.L_overlay_start_2:
0x195: {  	(tag) =	ssettag $0x2  }
0x196: {  	s0 =	rddreg [dreg:$0x0];
	s2 =	stileid.u32  }
0x197: {  	s1 =	rddreg [dreg:$0x1];
	p0 =	sne.s32 s2, $0x0  }
0x198: {  	s3 =	rddreg [dreg:$0x2];
	[bflag:$0x3] =	sbarrier.arrive $0xFFFF;
	s2 =	simm.s32 @!p0 $0x1C03  }
0x199: {  	[timem:s3], [sflag:s2] =	dma.local @!p0 [hbm:s0], s1  }
0x19a: {  	s0 =	simm.s32 @!p0 $0x3  }
0x19b: {  	_ =	swait.ge @!p0 [sflag:s0], s1  }
0x19c: {  	s1 =	ssub.s32 @!p0 $0x0, s1;
	[sflag:s0] =	ssyncset.done @!p0 $0x0  }
0x19d: {  	[sflag:s0] =	ssyncadd.s32 @!p0 s1  }
0x19e: {  	[bflag:$0x3] =	sbarrier.arrive $0xFFFF  }
0x19f: {  	_ =	shalt  }

</sc_bundles>
